<compile_context>
chip_gen: v7x
topology: tpu7x:2x2x1
jax: 0.10.2.dev20260603
libtpu: 0.0.44.dev20260713+nightly
codegen_flags: <defaults>
</compile_context>

<pallas_src>
import functools

import jax
import jax.numpy as jnp
from jax import lax
from jax.experimental import pallas as pl
from jax.experimental.pallas import tpu as pltpu
from jax.experimental.pallas import tpu_sc as plsc

N_GRID = 50
NSEG = N_GRID - 1
TAB = 64
NC, NS, L = 2, 16, 16
NW = NC * NS

ROWS, COLS = 4096, 2048
ROWS_W = ROWS // NW
CROWS = 16
CHUNK = CROWS * COLS
NCHUNK = ROWS_W // CROWS
COLS_LOG2 = 11
NBUF = 3

INV_H = NSEG / 10.0
OFF = 5.0 * INV_H

_mesh = plsc.VectorSubcoreMesh(
    core_axis_name="c", subcore_axis_name="s", num_cores=NC, num_subcores=NS
)


@functools.partial(
    pl.kernel,
    out_type=jax.ShapeDtypeStruct((ROWS, COLS), jnp.float32),
    mesh=_mesh,
    compiler_params=pltpu.CompilerParams(needs_layout_passes=False),
    scratch_types=[
        pltpu.VMEM((N_GRID,), jnp.float32),
        pltpu.VMEM((N_GRID,), jnp.float32),
        pltpu.VMEM((TAB,), jnp.float32),
        pltpu.VMEM((TAB,), jnp.float32),
        pltpu.VMEM((NBUF, CROWS, COLS), jnp.float32),
        pltpu.SemaphoreType.DMA((NBUF,)),
        pltpu.SemaphoreType.DMA((NBUF,)),
    ],
)
def _interp_sc(x_hbm, y_hbm, g_hbm, out_hbm, ybuf, gbuf, tab_s, tab_a,
               ring, isems, osems):
    wid = lax.axis_index("s") * NC + lax.axis_index("c")
    base = wid * ROWS_W

    in_cp = [None] * NBUF
    out_cp = [None] * NBUF
    PF = NBUF - 1
    for b in range(min(PF, NCHUNK)):
        in_cp[b] = pltpu.async_copy(
            x_hbm.at[pl.ds(base + b * CROWS, CROWS)], ring.at[b], isems.at[b]
        )

    ycp = pltpu.async_copy(y_hbm, ybuf, osems.at[0])
    gcp = pltpu.async_copy(g_hbm, gbuf, osems.at[1])
    ycp.wait()
    gcp.wait()

    lanes = lax.iota(jnp.int32, L)
    for j in range(TAB // L):
        k0 = jnp.minimum(lanes + (j * L), NSEG - 1)
        k1 = k0 + 1
        y0 = plsc.load_gather(ybuf, [k0])
        y1 = plsc.load_gather(ybuf, [k1])
        g0 = plsc.load_gather(gbuf, [k0])
        g1 = plsc.load_gather(gbuf, [k1])
        s = (y1 - y0) / (g1 - g0)
        tab_s[pl.ds(j * L, L)] = s
        tab_a[pl.ds(j * L, L)] = y0 - s * g0

    def _compute(buf):
        @plsc.parallel_loop(0, CHUNK, L, unroll=8)
        def _body(v):
            r = lax.shift_right_logical(v, COLS_LOG2)
            col = jnp.bitwise_and(v, COLS - 1)
            xv = buf[r, pl.ds(col, L)]
            t = xv * INV_H + OFF
            t = jnp.minimum(jnp.maximum(t, 0.0), float(NSEG - 1))
            idx = t.astype(jnp.int32)
            sv = plsc.load_gather(tab_s, [idx])
            av = plsc.load_gather(tab_a, [idx])
            buf[r, pl.ds(col, L)] = av + sv * xv

    for c in range(NCHUNK):
        b = c % NBUF
        in_cp[b].wait()
        _compute(ring.at[b])
        out_cp[b] = pltpu.async_copy(
            ring.at[b], out_hbm.at[pl.ds(base + c * CROWS, CROWS)], osems.at[b]
        )
        if c + PF < NCHUNK:
            bn = (c + PF) % NBUF
            if c >= 1:
                out_cp[bn].wait()
            in_cp[bn] = pltpu.async_copy(
                x_hbm.at[pl.ds(base + (c + PF) * CROWS, CROWS)],
                ring.at[bn], isems.at[bn]
            )
    for c in range(max(0, NCHUNK - NBUF), NCHUNK):
        out_cp[c % NBUF].wait()


def kernel(x, act_array, xgrid):
    return _interp_sc(x, act_array, xgrid)

# --- scband reference (transcript-rebuilt; emitter-appended) ---
"""Pipeline reference for scband-interpolant-activation-25142738551273 (READ-ONLY COPY).

The authoritative reference and input builder live on the scoring server;
editing this copy changes nothing except your own understanding.
"""

import jax, jax.numpy as jnp
import numpy as np

N_GRID = 50

def interp1d(xgrid, ygrid, xnew):
    # piecewise-linear interpolation with linear extrapolation outside [-5, 5],
    # matching the searchsorted-based torch Interp1d implementation
    idx = jnp.clip(jnp.searchsorted(xgrid, xnew, side='right') - 1, 0, xgrid.shape[0] - 2)
    x0 = jnp.take(xgrid, idx)
    x1 = jnp.take(xgrid, idx + 1)
    y0 = jnp.take(ygrid, idx)
    y1 = jnp.take(ygrid, idx + 1)
    slope = (y1 - y0) / (x1 - x0)
    return y0 + slope * (xnew - x0)

def setup_inputs(seed: int = 0) -> dict:
    key = jax.random.key(seed)
    k1, k2 = jax.random.split(key)
    x = jax.random.normal(k1, (4096, 2048), dtype=jnp.float32)
    # act_array stands in for np.loadtxt(PATH): a single 50-point activation target
    act_array = jax.random.normal(k2, (N_GRID,), dtype=jnp.float32)
    xgrid = jnp.linspace(-5.0, 5.0, N_GRID, dtype=jnp.float32)
    return {"x": x, "act_array": act_array, "xgrid": xgrid}

def reference(x, act_array, xgrid):
    # n_activations == 1 branch of InterpolantActivation.forward
    return interp1d(xgrid, act_array, x)

if __name__ == "__main__":
    import jax
    _d = setup_inputs()
    print(jax.jit(kernel)(*tuple(_d.values())))

</pallas_src>

<mosaic_0001>
#map = affine_map<(d0, d1) -> (0, 0)>
#map1 = affine_map<(d0, d1) -> (0)>
module attributes {stable_mosaic.version = 14 : i64} {
  func.func @_interp_sc(%arg0: i32, %arg1: i32, %arg2: memref<4096x2048xf32, #tpu.memory_space<hbm>>, %arg3: memref<50xf32, #tpu.memory_space<hbm>>, %arg4: memref<50xf32, #tpu.memory_space<hbm>>, %arg5: memref<4096x2048xf32, #tpu.memory_space<hbm>>, %arg6: memref<50xf32, #tpu.memory_space<vmem>>, %arg7: memref<50xf32, #tpu.memory_space<vmem>>, %arg8: memref<64xf32, #tpu.memory_space<vmem>>, %arg9: memref<64xf32, #tpu.memory_space<vmem>>, %arg10: memref<3x16x2048xf32, #tpu.memory_space<vmem>>, %arg11: memref<3x!tpu.dma_semaphore, #tpu.memory_space<semaphore_mem>>, %arg12: memref<3x!tpu.dma_semaphore, #tpu.memory_space<semaphore_mem>>) attributes {dimension_semantics = [#tpu.dimension_semantics<core_parallel>, #tpu.dimension_semantics<subcore_parallel>], iteration_bounds = array<i64: 2, 16>, scalar_prefetch = 0 : i64, scratch_operands = 7 : i64, tpu.core_type = #tpu.core_type<sc_vector_subcore>, window_params = [{transform_indices = #map}, {transform_indices = #map1}, {transform_indices = #map1}, {transform_indices = #map}]} {
    %mul3A = arith.constant 2 : i32
    %mul3A_0 = arith.muli %arg1, %mul3A : i32
    %add3A = arith.addi %mul3A_0, %arg0 : i32
    %mul3A_1 = arith.constant 128 : i32
    %mul3A_2 = arith.muli %add3A, %mul3A_1 : i32
    %add3A_3 = arith.constant 0 : i32
    %add3A_4 = arith.addi %mul3A_2, %add3A_3 : i32
    %dma_start3A = arith.constant 0 : i32
    %dma_start3A_5 = arith.constant 0 : i32
    %dma_start3A_6 = arith.constant 0 : i32
    %dma_start3A_7 = arith.constant 0 : i32
    %dma_start3A_8 = tpu.memref_slice %arg10[%dma_start3A, %dma_start3A_6, %dma_start3A_7] : memref<3x16x2048xf32, #tpu.memory_space<vmem>> -> memref<1x16x2048xf32, #tpu.memory_space<vmem>>
    %dma_start3A_9 = tpu.memref_squeeze %dma_start3A_8 : memref<1x16x2048xf32, #tpu.memory_space<vmem>> -> memref<16x2048xf32, #tpu.memory_space<vmem>>
    %dma_start3A_10 = arith.constant 0 : i32
    %dma_start3A_11 = tpu.memref_slice %arg2[%add3A_4, %dma_start3A_10] : memref<4096x2048xf32, #tpu.memory_space<hbm>> -> memref<16x2048xf32, #tpu.memory_space<hbm>>
    %dma_start3A_12 = tpu.memref_slice %arg11[%dma_start3A_5] : memref<3x!tpu.dma_semaphore, #tpu.memory_space<semaphore_mem>> -> memref<1x!tpu.dma_semaphore, #tpu.memory_space<semaphore_mem>>
    %dma_start3A_13 = tpu.memref_squeeze %dma_start3A_12 : memref<1x!tpu.dma_semaphore, #tpu.memory_space<semaphore_mem>> -> memref<!tpu.dma_semaphore, #tpu.memory_space<semaphore_mem>>
    %dma_start3A_14 = arith.constant 0 : i32
    %dma_start3A_15 = arith.constant 0 : i32
    %dma_start3A_16 = tpu.memref_slice %arg10[%dma_start3A, %dma_start3A_14, %dma_start3A_15] : memref<3x16x2048xf32, #tpu.memory_space<vmem>> -> memref<1x16x2048xf32, #tpu.memory_space<vmem>>
    %dma_start3A_17 = tpu.memref_squeeze %dma_start3A_16 : memref<1x16x2048xf32, #tpu.memory_space<vmem>> -> memref<16x2048xf32, #tpu.memory_space<vmem>>
    %dma_start3A_18 = arith.constant 0 : i32
    %dma_start3A_19 = tpu.memref_slice %arg2[%add3A_4, %dma_start3A_18] : memref<4096x2048xf32, #tpu.memory_space<hbm>> -> memref<16x2048xf32, #tpu.memory_space<hbm>>
    tpu.enqueue_dma source(%dma_start3A_19 : memref<16x2048xf32, #tpu.memory_space<hbm>>) target(%dma_start3A_17 : memref<16x2048xf32, #tpu.memory_space<vmem>>) target_semaphore(%dma_start3A_13 : memref<!tpu.dma_semaphore, #tpu.memory_space<semaphore_mem>>)
    %add3A_20 = arith.constant 16 : i32
    %add3A_21 = arith.addi %mul3A_2, %add3A_20 : i32
    %dma_start3A_22 = arith.constant 1 : i32
    %dma_start3A_23 = arith.constant 1 : i32
    %dma_start3A_24 = arith.constant 0 : i32
    %dma_start3A_25 = arith.constant 0 : i32
    %dma_start3A_26 = tpu.memref_slice %arg10[%dma_start3A_22, %dma_start3A_24, %dma_start3A_25] : memref<3x16x2048xf32, #tpu.memory_space<vmem>> -> memref<1x16x2048xf32, #tpu.memory_space<vmem>>
    %dma_start3A_27 = tpu.memref_squeeze %dma_start3A_26 : memref<1x16x2048xf32, #tpu.memory_space<vmem>> -> memref<16x2048xf32, #tpu.memory_space<vmem>>
    %dma_start3A_28 = arith.constant 0 : i32
    %dma_start3A_29 = tpu.memref_slice %arg2[%add3A_21, %dma_start3A_28] : memref<4096x2048xf32, #tpu.memory_space<hbm>> -> memref<16x2048xf32, #tpu.memory_space<hbm>>
    %dma_start3A_30 = tpu.memref_slice %arg11[%dma_start3A_23] : memref<3x!tpu.dma_semaphore, #tpu.memory_space<semaphore_mem>> -> memref<1x!tpu.dma_semaphore, #tpu.memory_space<semaphore_mem>>
    %dma_start3A_31 = tpu.memref_squeeze %dma_start3A_30 : memref<1x!tpu.dma_semaphore, #tpu.memory_space<semaphore_mem>> -> memref<!tpu.dma_semaphore, #tpu.memory_space<semaphore_mem>>
    %dma_start3A_32 = arith.constant 0 : i32
    %dma_start3A_33 = arith.constant 0 : i32
    %dma_start3A_34 = tpu.memref_slice %arg10[%dma_start3A_22, %dma_start3A_32, %dma_start3A_33] : memref<3x16x2048xf32, #tpu.memory_space<vmem>> -> memref<1x16x2048xf32, #tpu.memory_space<vmem>>
    %dma_start3A_35 = tpu.memref_squeeze %dma_start3A_34 : memref<1x16x2048xf32, #tpu.memory_space<vmem>> -> memref<16x2048xf32, #tpu.memory_space<vmem>>
    %dma_start3A_36 = arith.constant 0 : i32
    %dma_start3A_37 = tpu.memref_slice %arg2[%add3A_21, %dma_start3A_36] : memref<4096x2048xf32, #tpu.memory_space<hbm>> -> memref<16x2048xf32, #tpu.memory_space<hbm>>
    tpu.enqueue_dma source(%dma_start3A_37 : memref<16x2048xf32, #tpu.memory_space<hbm>>) target(%dma_start3A_35 : memref<16x2048xf32, #tpu.memory_space<vmem>>) target_semaphore(%dma_start3A_31 : memref<!tpu.dma_semaphore, #tpu.memory_space<semaphore_mem>>)
    %dma_start3A_38 = arith.constant 0 : i32
    %dma_start3A_39 = tpu.memref_slice %arg12[%dma_start3A_38] : memref<3x!tpu.dma_semaphore, #tpu.memory_space<semaphore_mem>> -> memref<1x!tpu.dma_semaphore, #tpu.memory_space<semaphore_mem>>
    %dma_start3A_40 = tpu.memref_squeeze %dma_start3A_39 : memref<1x!tpu.dma_semaphore, #tpu.memory_space<semaphore_mem>> -> memref<!tpu.dma_semaphore, #tpu.memory_space<semaphore_mem>>
    tpu.enqueue_dma source(%arg3 : memref<50xf32, #tpu.memory_space<hbm>>) target(%arg6 : memref<50xf32, #tpu.memory_space<vmem>>) target_semaphore(%dma_start3A_40 : memref<!tpu.dma_semaphore, #tpu.memory_space<semaphore_mem>>)
    %dma_start3A_41 = arith.constant 1 : i32
    %dma_start3A_42 = tpu.memref_slice %arg12[%dma_start3A_41] : memref<3x!tpu.dma_semaphore, #tpu.memory_space<semaphore_mem>> -> memref<1x!tpu.dma_semaphore, #tpu.memory_space<semaphore_mem>>
    %dma_start3A_43 = tpu.memref_squeeze %dma_start3A_42 : memref<1x!tpu.dma_semaphore, #tpu.memory_space<semaphore_mem>> -> memref<!tpu.dma_semaphore, #tpu.memory_space<semaphore_mem>>
    tpu.enqueue_dma source(%arg4 : memref<50xf32, #tpu.memory_space<hbm>>) target(%arg7 : memref<50xf32, #tpu.memory_space<vmem>>) target_semaphore(%dma_start3A_43 : memref<!tpu.dma_semaphore, #tpu.memory_space<semaphore_mem>>)
    %dma_wait3A = arith.constant 0 : i32
    %dma_wait3A_44 = tpu.memref_slice %arg12[%dma_wait3A] : memref<3x!tpu.dma_semaphore, #tpu.memory_space<semaphore_mem>> -> memref<1x!tpu.dma_semaphore, #tpu.memory_space<semaphore_mem>>
    %dma_wait3A_45 = tpu.memref_squeeze %dma_wait3A_44 : memref<1x!tpu.dma_semaphore, #tpu.memory_space<semaphore_mem>> -> memref<!tpu.dma_semaphore, #tpu.memory_space<semaphore_mem>>
    tpu.wait_dma2 semaphore(%dma_wait3A_45 : memref<!tpu.dma_semaphore, #tpu.memory_space<semaphore_mem>>) src(%arg3 : memref<50xf32, #tpu.memory_space<hbm>>) dst(%arg6 : memref<50xf32, #tpu.memory_space<vmem>>)
    %dma_wait3A_46 = arith.constant 1 : i32
    %dma_wait3A_47 = tpu.memref_slice %arg12[%dma_wait3A_46] : memref<3x!tpu.dma_semaphore, #tpu.memory_space<semaphore_mem>> -> memref<1x!tpu.dma_semaphore, #tpu.memory_space<semaphore_mem>>
    %dma_wait3A_48 = tpu.memref_squeeze %dma_wait3A_47 : memref<1x!tpu.dma_semaphore, #tpu.memory_space<semaphore_mem>> -> memref<!tpu.dma_semaphore, #tpu.memory_space<semaphore_mem>>
    tpu.wait_dma2 semaphore(%dma_wait3A_48 : memref<!tpu.dma_semaphore, #tpu.memory_space<semaphore_mem>>) src(%arg4 : memref<50xf32, #tpu.memory_space<hbm>>) dst(%arg7 : memref<50xf32, #tpu.memory_space<vmem>>)
    %iota3A = tpu.iota {dimensions = array<i32: 0>} : vector<16xi32>
    %add3A_49 = arith.constant 0 : i32
    %add3A_50 = vector.broadcast %add3A_49 : i32 to vector<16xi32>
    %add3A_51 = arith.addi %iota3A, %add3A_50 : vector<16xi32>
    %min3A = arith.constant 48 : i32
    %min3A_52 = vector.broadcast %min3A : i32 to vector<16xi32>
    %min3A_53 = arith.minsi %add3A_51, %min3A_52 : vector<16xi32>
    %add3A_54 = arith.constant 1 : i32
    %add3A_55 = vector.broadcast %add3A_54 : i32 to vector<16xi32>
    %add3A_56 = arith.addi %min3A_53, %add3A_55 : vector<16xi32>
    %gather3A = tpu.vector_load_idx %arg6[%min3A_53] : memref<50xf32, #tpu.memory_space<vmem>>[vector<16xi32>], vector<16xf32>,
    %gather3A_57 = tpu.vector_load_idx %arg6[%add3A_56] : memref<50xf32, #tpu.memory_space<vmem>>[vector<16xi32>], vector<16xf32>,
    %gather3A_58 = tpu.vector_load_idx %arg7[%min3A_53] : memref<50xf32, #tpu.memory_space<vmem>>[vector<16xi32>], vector<16xf32>,
    %gather3A_59 = tpu.vector_load_idx %arg7[%add3A_56] : memref<50xf32, #tpu.memory_space<vmem>>[vector<16xi32>], vector<16xf32>,
    %sub3A = arith.subf %gather3A_57, %gather3A : vector<16xf32>
    %sub3A_60 = arith.subf %gather3A_59, %gather3A_58 : vector<16xf32>
    %div3A = arith.divf %sub3A, %sub3A_60 : vector<16xf32>
    %swap3A = arith.constant 0 : index
    %swap3A_61 = tpu.vector_load %arg8[%swap3A] {strides = array<i32>} : memref<64xf32, #tpu.memory_space<vmem>>, vector<16xf32>,
    tpu.vector_store %arg8[%swap3A], %div3A {strides = array<i32>} : memref<64xf32, #tpu.memory_space<vmem>>, vector<16xf32>,
    %mul3A_62 = arith.mulf %div3A, %gather3A_58 : vector<16xf32>
    %sub3A_63 = arith.subf %gather3A, %mul3A_62 : vector<16xf32>
    %swap3A_64 = arith.constant 0 : index
    %swap3A_65 = tpu.vector_load %arg9[%swap3A_64] {strides = array<i32>} : memref<64xf32, #tpu.memory_space<vmem>>, vector<16xf32>,
    tpu.vector_store %arg9[%swap3A_64], %sub3A_63 {strides = array<i32>} : memref<64xf32, #tpu.memory_space<vmem>>, vector<16xf32>,
    %add3A_66 = arith.constant 16 : i32
    %add3A_67 = vector.broadcast %add3A_66 : i32 to vector<16xi32>
    %add3A_68 = arith.addi %iota3A, %add3A_67 : vector<16xi32>
    %min3A_69 = arith.constant 48 : i32
    %min3A_70 = vector.broadcast %min3A_69 : i32 to vector<16xi32>
    %min3A_71 = arith.minsi %add3A_68, %min3A_70 : vector<16xi32>
    %add3A_72 = arith.constant 1 : i32
    %add3A_73 = vector.broadcast %add3A_72 : i32 to vector<16xi32>
    %add3A_74 = arith.addi %min3A_71, %add3A_73 : vector<16xi32>
    %gather3A_75 = tpu.vector_load_idx %arg6[%min3A_71] : memref<50xf32, #tpu.memory_space<vmem>>[vector<16xi32>], vector<16xf32>,
    %gather3A_76 = tpu.vector_load_idx %arg6[%add3A_74] : memref<50xf32, #tpu.memory_space<vmem>>[vector<16xi32>], vector<16xf32>,
    %gather3A_77 = tpu.vector_load_idx %arg7[%min3A_71] : memref<50xf32, #tpu.memory_space<vmem>>[vector<16xi32>], vector<16xf32>,
    %gather3A_78 = tpu.vector_load_idx %arg7[%add3A_74] : memref<50xf32, #tpu.memory_space<vmem>>[vector<16xi32>], vector<16xf32>,
    %sub3A_79 = arith.subf %gather3A_76, %gather3A_75 : vector<16xf32>
    %sub3A_80 = arith.subf %gather3A_78, %gather3A_77 : vector<16xf32>
    %div3A_81 = arith.divf %sub3A_79, %sub3A_80 : vector<16xf32>
    %swap3A_82 = arith.constant 16 : index
    %swap3A_83 = tpu.vector_load %arg8[%swap3A_82] {strides = array<i32>} : memref<64xf32, #tpu.memory_space<vmem>>, vector<16xf32>,
    tpu.vector_store %arg8[%swap3A_82], %div3A_81 {strides = array<i32>} : memref<64xf32, #tpu.memory_space<vmem>>, vector<16xf32>,
    %mul3A_84 = arith.mulf %div3A_81, %gather3A_77 : vector<16xf32>
    %sub3A_85 = arith.subf %gather3A_75, %mul3A_84 : vector<16xf32>
    %swap3A_86 = arith.constant 16 : index
    %swap3A_87 = tpu.vector_load %arg9[%swap3A_86] {strides = array<i32>} : memref<64xf32, #tpu.memory_space<vmem>>, vector<16xf32>,
    tpu.vector_store %arg9[%swap3A_86], %sub3A_85 {strides = array<i32>} : memref<64xf32, #tpu.memory_space<vmem>>, vector<16xf32>,
    %add3A_88 = arith.constant 32 : i32
    %add3A_89 = vector.broadcast %add3A_88 : i32 to vector<16xi32>
    %add3A_90 = arith.addi %iota3A, %add3A_89 : vector<16xi32>
    %min3A_91 = arith.constant 48 : i32
    %min3A_92 = vector.broadcast %min3A_91 : i32 to vector<16xi32>
    %min3A_93 = arith.minsi %add3A_90, %min3A_92 : vector<16xi32>
    %add3A_94 = arith.constant 1 : i32
    %add3A_95 = vector.broadcast %add3A_94 : i32 to vector<16xi32>
    %add3A_96 = arith.addi %min3A_93, %add3A_95 : vector<16xi32>
    %gather3A_97 = tpu.vector_load_idx %arg6[%min3A_93] : memref<50xf32, #tpu.memory_space<vmem>>[vector<16xi32>], vector<16xf32>,
    %gather3A_98 = tpu.vector_load_idx %arg6[%add3A_96] : memref<50xf32, #tpu.memory_space<vmem>>[vector<16xi32>], vector<16xf32>,
    %gather3A_99 = tpu.vector_load_idx %arg7[%min3A_93] : memref<50xf32, #tpu.memory_space<vmem>>[vector<16xi32>], vector<16xf32>,
    %gather3A_100 = tpu.vector_load_idx %arg7[%add3A_96] : memref<50xf32, #tpu.memory_space<vmem>>[vector<16xi32>], vector<16xf32>,
    %sub3A_101 = arith.subf %gather3A_98, %gather3A_97 : vector<16xf32>
    %sub3A_102 = arith.subf %gather3A_100, %gather3A_99 : vector<16xf32>
    %div3A_103 = arith.divf %sub3A_101, %sub3A_102 : vector<16xf32>
    %swap3A_104 = arith.constant 32 : index
    %swap3A_105 = tpu.vector_load %arg8[%swap3A_104] {strides = array<i32>} : memref<64xf32, #tpu.memory_space<vmem>>, vector<16xf32>,
    tpu.vector_store %arg8[%swap3A_104], %div3A_103 {strides = array<i32>} : memref<64xf32, #tpu.memory_space<vmem>>, vector<16xf32>,
    %mul3A_106 = arith.mulf %div3A_103, %gather3A_99 : vector<16xf32>
    %sub3A_107 = arith.subf %gather3A_97, %mul3A_106 : vector<16xf32>
    %swap3A_108 = arith.constant 32 : index
    %swap3A_109 = tpu.vector_load %arg9[%swap3A_108] {strides = array<i32>} : memref<64xf32, #tpu.memory_space<vmem>>, vector<16xf32>,
    tpu.vector_store %arg9[%swap3A_108], %sub3A_107 {strides = array<i32>} : memref<64xf32, #tpu.memory_space<vmem>>, vector<16xf32>,
    %add3A_110 = arith.constant 48 : i32
    %add3A_111 = vector.broadcast %add3A_110 : i32 to vector<16xi32>
    %add3A_112 = arith.addi %iota3A, %add3A_111 : vector<16xi32>
    %min3A_113 = arith.constant 48 : i32
    %min3A_114 = vector.broadcast %min3A_113 : i32 to vector<16xi32>
    %min3A_115 = arith.minsi %add3A_112, %min3A_114 : vector<16xi32>
    %add3A_116 = arith.constant 1 : i32
    %add3A_117 = vector.broadcast %add3A_116 : i32 to vector<16xi32>
    %add3A_118 = arith.addi %min3A_115, %add3A_117 : vector<16xi32>
    %gather3A_119 = tpu.vector_load_idx %arg6[%min3A_115] : memref<50xf32, #tpu.memory_space<vmem>>[vector<16xi32>], vector<16xf32>,
    %gather3A_120 = tpu.vector_load_idx %arg6[%add3A_118] : memref<50xf32, #tpu.memory_space<vmem>>[vector<16xi32>], vector<16xf32>,
    %gather3A_121 = tpu.vector_load_idx %arg7[%min3A_115] : memref<50xf32, #tpu.memory_space<vmem>>[vector<16xi32>], vector<16xf32>,
    %gather3A_122 = tpu.vector_load_idx %arg7[%add3A_118] : memref<50xf32, #tpu.memory_space<vmem>>[vector<16xi32>], vector<16xf32>,
    %sub3A_123 = arith.subf %gather3A_120, %gather3A_119 : vector<16xf32>
    %sub3A_124 = arith.subf %gather3A_122, %gather3A_121 : vector<16xf32>
    %div3A_125 = arith.divf %sub3A_123, %sub3A_124 : vector<16xf32>
    %swap3A_126 = arith.constant 48 : index
    %swap3A_127 = tpu.vector_load %arg8[%swap3A_126] {strides = array<i32>} : memref<64xf32, #tpu.memory_space<vmem>>, vector<16xf32>,
    tpu.vector_store %arg8[%swap3A_126], %div3A_125 {strides = array<i32>} : memref<64xf32, #tpu.memory_space<vmem>>, vector<16xf32>,
    %mul3A_128 = arith.mulf %div3A_125, %gather3A_121 : vector<16xf32>
    %sub3A_129 = arith.subf %gather3A_119, %mul3A_128 : vector<16xf32>
    %swap3A_130 = arith.constant 48 : index
    %swap3A_131 = tpu.vector_load %arg9[%swap3A_130] {strides = array<i32>} : memref<64xf32, #tpu.memory_space<vmem>>, vector<16xf32>,
    tpu.vector_store %arg9[%swap3A_130], %sub3A_129 {strides = array<i32>} : memref<64xf32, #tpu.memory_space<vmem>>, vector<16xf32>,
    %dma_wait3A_132 = arith.constant 0 : i32
    %dma_wait3A_133 = arith.constant 0 : i32
    %dma_wait3A_134 = arith.constant 0 : i32
    %dma_wait3A_135 = arith.constant 0 : i32
    %dma_wait3A_136 = tpu.memref_slice %arg10[%dma_wait3A_132, %dma_wait3A_134, %dma_wait3A_135] : memref<3x16x2048xf32, #tpu.memory_space<vmem>> -> memref<1x16x2048xf32, #tpu.memory_space<vmem>>
    %dma_wait3A_137 = tpu.memref_squeeze %dma_wait3A_136 : memref<1x16x2048xf32, #tpu.memory_space<vmem>> -> memref<16x2048xf32, #tpu.memory_space<vmem>>
    %dma_wait3A_138 = arith.constant 0 : i32
    %dma_wait3A_139 = tpu.memref_slice %arg2[%add3A_4, %dma_wait3A_138] : memref<4096x2048xf32, #tpu.memory_space<hbm>> -> memref<16x2048xf32, #tpu.memory_space<hbm>>
    %dma_wait3A_140 = tpu.memref_slice %arg11[%dma_wait3A_133] : memref<3x!tpu.dma_semaphore, #tpu.memory_space<semaphore_mem>> -> memref<1x!tpu.dma_semaphore, #tpu.memory_space<semaphore_mem>>
    %dma_wait3A_141 = tpu.memref_squeeze %dma_wait3A_140 : memref<1x!tpu.dma_semaphore, #tpu.memory_space<semaphore_mem>> -> memref<!tpu.dma_semaphore, #tpu.memory_space<semaphore_mem>>
    %dma_wait3A_142 = arith.constant 0 : i32
    %dma_wait3A_143 = arith.constant 0 : i32
    %dma_wait3A_144 = tpu.memref_slice %arg10[%dma_wait3A_132, %dma_wait3A_142, %dma_wait3A_143] : memref<3x16x2048xf32, #tpu.memory_space<vmem>> -> memref<1x16x2048xf32, #tpu.memory_space<vmem>>
    %dma_wait3A_145 = tpu.memref_squeeze %dma_wait3A_144 : memref<1x16x2048xf32, #tpu.memory_space<vmem>> -> memref<16x2048xf32, #tpu.memory_space<vmem>>
    %dma_wait3A_146 = arith.constant 0 : i32
    %dma_wait3A_147 = tpu.memref_slice %arg2[%add3A_4, %dma_wait3A_146] : memref<4096x2048xf32, #tpu.memory_space<hbm>> -> memref<16x2048xf32, #tpu.memory_space<hbm>>
    tpu.wait_dma2 semaphore(%dma_wait3A_141 : memref<!tpu.dma_semaphore, #tpu.memory_space<semaphore_mem>>) src(%dma_wait3A_147 : memref<16x2048xf32, #tpu.memory_space<hbm>>) dst(%dma_wait3A_145 : memref<16x2048xf32, #tpu.memory_space<vmem>>)
    %parallel_loop3A = arith.constant 0 : i32
    %parallel_loop3A_148 = arith.constant 32768 : i32
    %parallel_loop3A_149 = arith.constant 16 : i32
    %parallel_loop3A_150 = arith.constant 0 : i32
    scf.for %parallel_loop3A_671 = %parallel_loop3A to %parallel_loop3A_148 step %parallel_loop3A_149  : i32 {
      %parallel_loop3A_672 = arith.constant 11 : i32
      %parallel_loop3A_673 = arith.shrui %parallel_loop3A_671, %parallel_loop3A_672 : i32
      %parallel_loop3A_674 = arith.constant 2047 : i32
      %parallel_loop3A_675 = arith.andi %parallel_loop3A_671, %parallel_loop3A_674 : i32
      %parallel_loop3A_676 = arith.constant 0 : i32
      %parallel_loop3A_677 = arith.constant 0 : i32
      %parallel_loop3A_678 = tpu.memref_slice %arg10[%parallel_loop3A_150, %parallel_loop3A_676, %parallel_loop3A_677] : memref<3x16x2048xf32, #tpu.memory_space<vmem>> -> memref<1x16x2048xf32, #tpu.memory_space<vmem>>
      %parallel_loop3A_679 = tpu.memref_squeeze %parallel_loop3A_678 : memref<1x16x2048xf32, #tpu.memory_space<vmem>> -> memref<16x2048xf32, #tpu.memory_space<vmem>>
      %parallel_loop3A_680 = arith.index_cast %parallel_loop3A_673 : i32 to index
      %parallel_loop3A_681 = arith.index_cast %parallel_loop3A_675 : i32 to index
      %parallel_loop3A_682 = tpu.vector_load %parallel_loop3A_679[%parallel_loop3A_680, %parallel_loop3A_681] {strides = array<i32>} : memref<16x2048xf32, #tpu.memory_space<vmem>>, vector<16xf32>,
      %parallel_loop3A_683 = arith.constant 4.900000e+00 : f32
      %parallel_loop3A_684 = vector.broadcast %parallel_loop3A_683 : f32 to vector<16xf32>
      %parallel_loop3A_685 = arith.mulf %parallel_loop3A_682, %parallel_loop3A_684 : vector<16xf32>
      %parallel_loop3A_686 = arith.constant 2.450000e+01 : f32
      %parallel_loop3A_687 = vector.broadcast %parallel_loop3A_686 : f32 to vector<16xf32>
      %parallel_loop3A_688 = arith.addf %parallel_loop3A_685, %parallel_loop3A_687 : vector<16xf32>
      %parallel_loop3A_689 = arith.constant 0.000000e+00 : f32
      %parallel_loop3A_690 = vector.broadcast %parallel_loop3A_689 : f32 to vector<16xf32>
      %parallel_loop3A_691 = arith.maximumf %parallel_loop3A_688, %parallel_loop3A_690 : vector<16xf32>
      %parallel_loop3A_692 = arith.constant 4.800000e+01 : f32
      %parallel_loop3A_693 = vector.broadcast %parallel_loop3A_692 : f32 to vector<16xf32>
      %parallel_loop3A_694 = arith.minimumf %parallel_loop3A_691, %parallel_loop3A_693 : vector<16xf32>
      %parallel_loop3A_695 = arith.fptosi %parallel_loop3A_694 : vector<16xf32> to vector<16xi32>
      %parallel_loop3A_696 = tpu.vector_load_idx %arg8[%parallel_loop3A_695] : memref<64xf32, #tpu.memory_space<vmem>>[vector<16xi32>], vector<16xf32>,
      %parallel_loop3A_697 = tpu.vector_load_idx %arg9[%parallel_loop3A_695] : memref<64xf32, #tpu.memory_space<vmem>>[vector<16xi32>], vector<16xf32>,
      %parallel_loop3A_698 = arith.mulf %parallel_loop3A_696, %parallel_loop3A_682 : vector<16xf32>
      %parallel_loop3A_699 = arith.addf %parallel_loop3A_697, %parallel_loop3A_698 : vector<16xf32>
      %parallel_loop3A_700 = arith.constant 0 : i32
      %parallel_loop3A_701 = arith.constant 0 : i32
      %parallel_loop3A_702 = tpu.memref_slice %arg10[%parallel_loop3A_150, %parallel_loop3A_700, %parallel_loop3A_701] : memref<3x16x2048xf32, #tpu.memory_space<vmem>> -> memref<1x16x2048xf32, #tpu.memory_space<vmem>>
      %parallel_loop3A_703 = tpu.memref_squeeze %parallel_loop3A_702 : memref<1x16x2048xf32, #tpu.memory_space<vmem>> -> memref<16x2048xf32, #tpu.memory_space<vmem>>
      %parallel_loop3A_704 = arith.index_cast %parallel_loop3A_673 : i32 to index
      %parallel_loop3A_705 = arith.index_cast %parallel_loop3A_675 : i32 to index
      %parallel_loop3A_706 = tpu.vector_load %parallel_loop3A_703[%parallel_loop3A_704, %parallel_loop3A_705] {strides = array<i32>} : memref<16x2048xf32, #tpu.memory_space<vmem>>, vector<16xf32>,
      tpu.vector_store %parallel_loop3A_703[%parallel_loop3A_704, %parallel_loop3A_705], %parallel_loop3A_699 {strides = array<i32>} : memref<16x2048xf32, #tpu.memory_space<vmem>>, vector<16xf32>,
    } {sc.loop_unroll_factor = 8 : i64, sc.parallel_access}
    %add3A_151 = arith.constant 0 : i32
    %add3A_152 = arith.addi %mul3A_2, %add3A_151 : i32
    %dma_start3A_153 = arith.constant 0 : i32
    %dma_start3A_154 = arith.constant 0 : i32
    %dma_start3A_155 = arith.constant 0 : i32
    %dma_start3A_156 = arith.constant 0 : i32
    %dma_start3A_157 = tpu.memref_slice %arg10[%dma_start3A_153, %dma_start3A_155, %dma_start3A_156] : memref<3x16x2048xf32, #tpu.memory_space<vmem>> -> memref<1x16x2048xf32, #tpu.memory_space<vmem>>
    %dma_start3A_158 = tpu.memref_squeeze %dma_start3A_157 : memref<1x16x2048xf32, #tpu.memory_space<vmem>> -> memref<16x2048xf32, #tpu.memory_space<vmem>>
    %dma_start3A_159 = arith.constant 0 : i32
    %dma_start3A_160 = tpu.memref_slice %arg5[%add3A_152, %dma_start3A_159] : memref<4096x2048xf32, #tpu.memory_space<hbm>> -> memref<16x2048xf32, #tpu.memory_space<hbm>>
    %dma_start3A_161 = tpu.memref_slice %arg12[%dma_start3A_154] : memref<3x!tpu.dma_semaphore, #tpu.memory_space<semaphore_mem>> -> memref<1x!tpu.dma_semaphore, #tpu.memory_space<semaphore_mem>>
    %dma_start3A_162 = tpu.memref_squeeze %dma_start3A_161 : memref<1x!tpu.dma_semaphore, #tpu.memory_space<semaphore_mem>> -> memref<!tpu.dma_semaphore, #tpu.memory_space<semaphore_mem>>
    %dma_start3A_163 = arith.constant 0 : i32
    %dma_start3A_164 = tpu.memref_slice %arg5[%add3A_152, %dma_start3A_163] : memref<4096x2048xf32, #tpu.memory_space<hbm>> -> memref<16x2048xf32, #tpu.memory_space<hbm>>
    %dma_start3A_165 = arith.constant 0 : i32
    %dma_start3A_166 = arith.constant 0 : i32
    %dma_start3A_167 = tpu.memref_slice %arg10[%dma_start3A_153, %dma_start3A_165, %dma_start3A_166] : memref<3x16x2048xf32, #tpu.memory_space<vmem>> -> memref<1x16x2048xf32, #tpu.memory_space<vmem>>
    %dma_start3A_168 = tpu.memref_squeeze %dma_start3A_167 : memref<1x16x2048xf32, #tpu.memory_space<vmem>> -> memref<16x2048xf32, #tpu.memory_space<vmem>>
    tpu.enqueue_dma source(%dma_start3A_168 : memref<16x2048xf32, #tpu.memory_space<vmem>>) target(%dma_start3A_164 : memref<16x2048xf32, #tpu.memory_space<hbm>>) target_semaphore(%dma_start3A_162 : memref<!tpu.dma_semaphore, #tpu.memory_space<semaphore_mem>>)
    %add3A_169 = arith.constant 32 : i32
    %add3A_170 = arith.addi %mul3A_2, %add3A_169 : i32
    %dma_start3A_171 = arith.constant 2 : i32
    %dma_start3A_172 = arith.constant 2 : i32
    %dma_start3A_173 = arith.constant 0 : i32
    %dma_start3A_174 = arith.constant 0 : i32
    %dma_start3A_175 = tpu.memref_slice %arg10[%dma_start3A_171, %dma_start3A_173, %dma_start3A_174] : memref<3x16x2048xf32, #tpu.memory_space<vmem>> -> memref<1x16x2048xf32, #tpu.memory_space<vmem>>
    %dma_start3A_176 = tpu.memref_squeeze %dma_start3A_175 : memref<1x16x2048xf32, #tpu.memory_space<vmem>> -> memref<16x2048xf32, #tpu.memory_space<vmem>>
    %dma_start3A_177 = arith.constant 0 : i32
    %dma_start3A_178 = tpu.memref_slice %arg2[%add3A_170, %dma_start3A_177] : memref<4096x2048xf32, #tpu.memory_space<hbm>> -> memref<16x2048xf32, #tpu.memory_space<hbm>>
    %dma_start3A_179 = tpu.memref_slice %arg11[%dma_start3A_172] : memref<3x!tpu.dma_semaphore, #tpu.memory_space<semaphore_mem>> -> memref<1x!tpu.dma_semaphore, #tpu.memory_space<semaphore_mem>>
    %dma_start3A_180 = tpu.memref_squeeze %dma_start3A_179 : memref<1x!tpu.dma_semaphore, #tpu.memory_space<semaphore_mem>> -> memref<!tpu.dma_semaphore, #tpu.memory_space<semaphore_mem>>
    %dma_start3A_181 = arith.constant 0 : i32
    %dma_start3A_182 = arith.constant 0 : i32
    %dma_start3A_183 = tpu.memref_slice %arg10[%dma_start3A_171, %dma_start3A_181, %dma_start3A_182] : memref<3x16x2048xf32, #tpu.memory_space<vmem>> -> memref<1x16x2048xf32, #tpu.memory_space<vmem>>
    %dma_start3A_184 = tpu.memref_squeeze %dma_start3A_183 : memref<1x16x2048xf32, #tpu.memory_space<vmem>> -> memref<16x2048xf32, #tpu.memory_space<vmem>>
    %dma_start3A_185 = arith.constant 0 : i32
    %dma_start3A_186 = tpu.memref_slice %arg2[%add3A_170, %dma_start3A_185] : memref<4096x2048xf32, #tpu.memory_space<hbm>> -> memref<16x2048xf32, #tpu.memory_space<hbm>>
    tpu.enqueue_dma source(%dma_start3A_186 : memref<16x2048xf32, #tpu.memory_space<hbm>>) target(%dma_start3A_184 : memref<16x2048xf32, #tpu.memory_space<vmem>>) target_semaphore(%dma_start3A_180 : memref<!tpu.dma_semaphore, #tpu.memory_space<semaphore_mem>>)
    %dma_wait3A_187 = arith.constant 1 : i32
    %dma_wait3A_188 = arith.constant 1 : i32
    %dma_wait3A_189 = arith.constant 0 : i32
    %dma_wait3A_190 = arith.constant 0 : i32
    %dma_wait3A_191 = tpu.memref_slice %arg10[%dma_wait3A_187, %dma_wait3A_189, %dma_wait3A_190] : memref<3x16x2048xf32, #tpu.memory_space<vmem>> -> memref<1x16x2048xf32, #tpu.memory_space<vmem>>
    %dma_wait3A_192 = tpu.memref_squeeze %dma_wait3A_191 : memref<1x16x2048xf32, #tpu.memory_space<vmem>> -> memref<16x2048xf32, #tpu.memory_space<vmem>>
    %dma_wait3A_193 = arith.constant 0 : i32
    %dma_wait3A_194 = tpu.memref_slice %arg2[%add3A_21, %dma_wait3A_193] : memref<4096x2048xf32, #tpu.memory_space<hbm>> -> memref<16x2048xf32, #tpu.memory_space<hbm>>
    %dma_wait3A_195 = tpu.memref_slice %arg11[%dma_wait3A_188] : memref<3x!tpu.dma_semaphore, #tpu.memory_space<semaphore_mem>> -> memref<1x!tpu.dma_semaphore, #tpu.memory_space<semaphore_mem>>
    %dma_wait3A_196 = tpu.memref_squeeze %dma_wait3A_195 : memref<1x!tpu.dma_semaphore, #tpu.memory_space<semaphore_mem>> -> memref<!tpu.dma_semaphore, #tpu.memory_space<semaphore_mem>>
    %dma_wait3A_197 = arith.constant 0 : i32
    %dma_wait3A_198 = arith.constant 0 : i32
    %dma_wait3A_199 = tpu.memref_slice %arg10[%dma_wait3A_187, %dma_wait3A_197, %dma_wait3A_198] : memref<3x16x2048xf32, #tpu.memory_space<vmem>> -> memref<1x16x2048xf32, #tpu.memory_space<vmem>>
    %dma_wait3A_200 = tpu.memref_squeeze %dma_wait3A_199 : memref<1x16x2048xf32, #tpu.memory_space<vmem>> -> memref<16x2048xf32, #tpu.memory_space<vmem>>
    %dma_wait3A_201 = arith.constant 0 : i32
    %dma_wait3A_202 = tpu.memref_slice %arg2[%add3A_21, %dma_wait3A_201] : memref<4096x2048xf32, #tpu.memory_space<hbm>> -> memref<16x2048xf32, #tpu.memory_space<hbm>>
    tpu.wait_dma2 semaphore(%dma_wait3A_196 : memref<!tpu.dma_semaphore, #tpu.memory_space<semaphore_mem>>) src(%dma_wait3A_202 : memref<16x2048xf32, #tpu.memory_space<hbm>>) dst(%dma_wait3A_200 : memref<16x2048xf32, #tpu.memory_space<vmem>>)
    %parallel_loop3A_203 = arith.constant 0 : i32
    %parallel_loop3A_204 = arith.constant 32768 : i32
    %parallel_loop3A_205 = arith.constant 16 : i32
    %parallel_loop3A_206 = arith.constant 1 : i32
    scf.for %parallel_loop3A_671 = %parallel_loop3A_203 to %parallel_loop3A_204 step %parallel_loop3A_205  : i32 {
      %parallel_loop3A_672 = arith.constant 11 : i32
      %parallel_loop3A_673 = arith.shrui %parallel_loop3A_671, %parallel_loop3A_672 : i32
      %parallel_loop3A_674 = arith.constant 2047 : i32
      %parallel_loop3A_675 = arith.andi %parallel_loop3A_671, %parallel_loop3A_674 : i32
      %parallel_loop3A_676 = arith.constant 0 : i32
      %parallel_loop3A_677 = arith.constant 0 : i32
      %parallel_loop3A_678 = tpu.memref_slice %arg10[%parallel_loop3A_206, %parallel_loop3A_676, %parallel_loop3A_677] : memref<3x16x2048xf32, #tpu.memory_space<vmem>> -> memref<1x16x2048xf32, #tpu.memory_space<vmem>>
      %parallel_loop3A_679 = tpu.memref_squeeze %parallel_loop3A_678 : memref<1x16x2048xf32, #tpu.memory_space<vmem>> -> memref<16x2048xf32, #tpu.memory_space<vmem>>
      %parallel_loop3A_680 = arith.index_cast %parallel_loop3A_673 : i32 to index
      %parallel_loop3A_681 = arith.index_cast %parallel_loop3A_675 : i32 to index
      %parallel_loop3A_682 = tpu.vector_load %parallel_loop3A_679[%parallel_loop3A_680, %parallel_loop3A_681] {strides = array<i32>} : memref<16x2048xf32, #tpu.memory_space<vmem>>, vector<16xf32>,
      %parallel_loop3A_683 = arith.constant 4.900000e+00 : f32
      %parallel_loop3A_684 = vector.broadcast %parallel_loop3A_683 : f32 to vector<16xf32>
      %parallel_loop3A_685 = arith.mulf %parallel_loop3A_682, %parallel_loop3A_684 : vector<16xf32>
      %parallel_loop3A_686 = arith.constant 2.450000e+01 : f32
      %parallel_loop3A_687 = vector.broadcast %parallel_loop3A_686 : f32 to vector<16xf32>
      %parallel_loop3A_688 = arith.addf %parallel_loop3A_685, %parallel_loop3A_687 : vector<16xf32>
      %parallel_loop3A_689 = arith.constant 0.000000e+00 : f32
      %parallel_loop3A_690 = vector.broadcast %parallel_loop3A_689 : f32 to vector<16xf32>
      %parallel_loop3A_691 = arith.maximumf %parallel_loop3A_688, %parallel_loop3A_690 : vector<16xf32>
      %parallel_loop3A_692 = arith.constant 4.800000e+01 : f32
      %parallel_loop3A_693 = vector.broadcast %parallel_loop3A_692 : f32 to vector<16xf32>
      %parallel_loop3A_694 = arith.minimumf %parallel_loop3A_691, %parallel_loop3A_693 : vector<16xf32>
      %parallel_loop3A_695 = arith.fptosi %parallel_loop3A_694 : vector<16xf32> to vector<16xi32>
      %parallel_loop3A_696 = tpu.vector_load_idx %arg8[%parallel_loop3A_695] : memref<64xf32, #tpu.memory_space<vmem>>[vector<16xi32>], vector<16xf32>,
      %parallel_loop3A_697 = tpu.vector_load_idx %arg9[%parallel_loop3A_695] : memref<64xf32, #tpu.memory_space<vmem>>[vector<16xi32>], vector<16xf32>,
      %parallel_loop3A_698 = arith.mulf %parallel_loop3A_696, %parallel_loop3A_682 : vector<16xf32>
      %parallel_loop3A_699 = arith.addf %parallel_loop3A_697, %parallel_loop3A_698 : vector<16xf32>
      %parallel_loop3A_700 = arith.constant 0 : i32
      %parallel_loop3A_701 = arith.constant 0 : i32
      %parallel_loop3A_702 = tpu.memref_slice %arg10[%parallel_loop3A_206, %parallel_loop3A_700, %parallel_loop3A_701] : memref<3x16x2048xf32, #tpu.memory_space<vmem>> -> memref<1x16x2048xf32, #tpu.memory_space<vmem>>
      %parallel_loop3A_703 = tpu.memref_squeeze %parallel_loop3A_702 : memref<1x16x2048xf32, #tpu.memory_space<vmem>> -> memref<16x2048xf32, #tpu.memory_space<vmem>>
      %parallel_loop3A_704 = arith.index_cast %parallel_loop3A_673 : i32 to index
      %parallel_loop3A_705 = arith.index_cast %parallel_loop3A_675 : i32 to index
      %parallel_loop3A_706 = tpu.vector_load %parallel_loop3A_703[%parallel_loop3A_704, %parallel_loop3A_705] {strides = array<i32>} : memref<16x2048xf32, #tpu.memory_space<vmem>>, vector<16xf32>,
      tpu.vector_store %parallel_loop3A_703[%parallel_loop3A_704, %parallel_loop3A_705], %parallel_loop3A_699 {strides = array<i32>} : memref<16x2048xf32, #tpu.memory_space<vmem>>, vector<16xf32>,
    } {sc.loop_unroll_factor = 8 : i64, sc.parallel_access}
    %add3A_207 = arith.constant 16 : i32
    %add3A_208 = arith.addi %mul3A_2, %add3A_207 : i32
    %dma_start3A_209 = arith.constant 1 : i32
    %dma_start3A_210 = arith.constant 1 : i32
    %dma_start3A_211 = arith.constant 0 : i32
    %dma_start3A_212 = arith.constant 0 : i32
    %dma_start3A_213 = tpu.memref_slice %arg10[%dma_start3A_209, %dma_start3A_211, %dma_start3A_212] : memref<3x16x2048xf32, #tpu.memory_space<vmem>> -> memref<1x16x2048xf32, #tpu.memory_space<vmem>>
    %dma_start3A_214 = tpu.memref_squeeze %dma_start3A_213 : memref<1x16x2048xf32, #tpu.memory_space<vmem>> -> memref<16x2048xf32, #tpu.memory_space<vmem>>
    %dma_start3A_215 = arith.constant 0 : i32
    %dma_start3A_216 = tpu.memref_slice %arg5[%add3A_208, %dma_start3A_215] : memref<4096x2048xf32, #tpu.memory_space<hbm>> -> memref<16x2048xf32, #tpu.memory_space<hbm>>
    %dma_start3A_217 = tpu.memref_slice %arg12[%dma_start3A_210] : memref<3x!tpu.dma_semaphore, #tpu.memory_space<semaphore_mem>> -> memref<1x!tpu.dma_semaphore, #tpu.memory_space<semaphore_mem>>
    %dma_start3A_218 = tpu.memref_squeeze %dma_start3A_217 : memref<1x!tpu.dma_semaphore, #tpu.memory_space<semaphore_mem>> -> memref<!tpu.dma_semaphore, #tpu.memory_space<semaphore_mem>>
    %dma_start3A_219 = arith.constant 0 : i32
    %dma_start3A_220 = tpu.memref_slice %arg5[%add3A_208, %dma_start3A_219] : memref<4096x2048xf32, #tpu.memory_space<hbm>> -> memref<16x2048xf32, #tpu.memory_space<hbm>>
    %dma_start3A_221 = arith.constant 0 : i32
    %dma_start3A_222 = arith.constant 0 : i32
    %dma_start3A_223 = tpu.memref_slice %arg10[%dma_start3A_209, %dma_start3A_221, %dma_start3A_222] : memref<3x16x2048xf32, #tpu.memory_space<vmem>> -> memref<1x16x2048xf32, #tpu.memory_space<vmem>>
    %dma_start3A_224 = tpu.memref_squeeze %dma_start3A_223 : memref<1x16x2048xf32, #tpu.memory_space<vmem>> -> memref<16x2048xf32, #tpu.memory_space<vmem>>
    tpu.enqueue_dma source(%dma_start3A_224 : memref<16x2048xf32, #tpu.memory_space<vmem>>) target(%dma_start3A_220 : memref<16x2048xf32, #tpu.memory_space<hbm>>) target_semaphore(%dma_start3A_218 : memref<!tpu.dma_semaphore, #tpu.memory_space<semaphore_mem>>)
    %dma_wait3A_225 = arith.constant 0 : i32
    %dma_wait3A_226 = arith.constant 0 : i32
    %dma_wait3A_227 = arith.constant 0 : i32
    %dma_wait3A_228 = arith.constant 0 : i32
    %dma_wait3A_229 = tpu.memref_slice %arg10[%dma_wait3A_225, %dma_wait3A_227, %dma_wait3A_228] : memref<3x16x2048xf32, #tpu.memory_space<vmem>> -> memref<1x16x2048xf32, #tpu.memory_space<vmem>>
    %dma_wait3A_230 = tpu.memref_squeeze %dma_wait3A_229 : memref<1x16x2048xf32, #tpu.memory_space<vmem>> -> memref<16x2048xf32, #tpu.memory_space<vmem>>
    %dma_wait3A_231 = arith.constant 0 : i32
    %dma_wait3A_232 = tpu.memref_slice %arg5[%add3A_152, %dma_wait3A_231] : memref<4096x2048xf32, #tpu.memory_space<hbm>> -> memref<16x2048xf32, #tpu.memory_space<hbm>>
    %dma_wait3A_233 = tpu.memref_slice %arg12[%dma_wait3A_226] : memref<3x!tpu.dma_semaphore, #tpu.memory_space<semaphore_mem>> -> memref<1x!tpu.dma_semaphore, #tpu.memory_space<semaphore_mem>>
    %dma_wait3A_234 = tpu.memref_squeeze %dma_wait3A_233 : memref<1x!tpu.dma_semaphore, #tpu.memory_space<semaphore_mem>> -> memref<!tpu.dma_semaphore, #tpu.memory_space<semaphore_mem>>
    %dma_wait3A_235 = arith.constant 0 : i32
    %dma_wait3A_236 = tpu.memref_slice %arg5[%add3A_152, %dma_wait3A_235] : memref<4096x2048xf32, #tpu.memory_space<hbm>> -> memref<16x2048xf32, #tpu.memory_space<hbm>>
    %dma_wait3A_237 = arith.constant 0 : i32
    %dma_wait3A_238 = arith.constant 0 : i32
    %dma_wait3A_239 = tpu.memref_slice %arg10[%dma_wait3A_225, %dma_wait3A_237, %dma_wait3A_238] : memref<3x16x2048xf32, #tpu.memory_space<vmem>> -> memref<1x16x2048xf32, #tpu.memory_space<vmem>>
    %dma_wait3A_240 = tpu.memref_squeeze %dma_wait3A_239 : memref<1x16x2048xf32, #tpu.memory_space<vmem>> -> memref<16x2048xf32, #tpu.memory_space<vmem>>
    tpu.wait_dma2 semaphore(%dma_wait3A_234 : memref<!tpu.dma_semaphore, #tpu.memory_space<semaphore_mem>>) src(%dma_wait3A_240 : memref<16x2048xf32, #tpu.memory_space<vmem>>) dst(%dma_wait3A_236 : memref<16x2048xf32, #tpu.memory_space<hbm>>)
    %add3A_241 = arith.constant 48 : i32
    %add3A_242 = arith.addi %mul3A_2, %add3A_241 : i32
    %dma_start3A_243 = arith.constant 0 : i32
    %dma_start3A_244 = arith.constant 0 : i32
    %dma_start3A_245 = arith.constant 0 : i32
    %dma_start3A_246 = arith.constant 0 : i32
    %dma_start3A_247 = tpu.memref_slice %arg10[%dma_start3A_243, %dma_start3A_245, %dma_start3A_246] : memref<3x16x2048xf32, #tpu.memory_space<vmem>> -> memref<1x16x2048xf32, #tpu.memory_space<vmem>>
    %dma_start3A_248 = tpu.memref_squeeze %dma_start3A_247 : memref<1x16x2048xf32, #tpu.memory_space<vmem>> -> memref<16x2048xf32, #tpu.memory_space<vmem>>
    %dma_start3A_249 = arith.constant 0 : i32
    %dma_start3A_250 = tpu.memref_slice %arg2[%add3A_242, %dma_start3A_249] : memref<4096x2048xf32, #tpu.memory_space<hbm>> -> memref<16x2048xf32, #tpu.memory_space<hbm>>
    %dma_start3A_251 = tpu.memref_slice %arg11[%dma_start3A_244] : memref<3x!tpu.dma_semaphore, #tpu.memory_space<semaphore_mem>> -> memref<1x!tpu.dma_semaphore, #tpu.memory_space<semaphore_mem>>
    %dma_start3A_252 = tpu.memref_squeeze %dma_start3A_251 : memref<1x!tpu.dma_semaphore, #tpu.memory_space<semaphore_mem>> -> memref<!tpu.dma_semaphore, #tpu.memory_space<semaphore_mem>>
    %dma_start3A_253 = arith.constant 0 : i32
    %dma_start3A_254 = arith.constant 0 : i32
    %dma_start3A_255 = tpu.memref_slice %arg10[%dma_start3A_243, %dma_start3A_253, %dma_start3A_254] : memref<3x16x2048xf32, #tpu.memory_space<vmem>> -> memref<1x16x2048xf32, #tpu.memory_space<vmem>>
    %dma_start3A_256 = tpu.memref_squeeze %dma_start3A_255 : memref<1x16x2048xf32, #tpu.memory_space<vmem>> -> memref<16x2048xf32, #tpu.memory_space<vmem>>
    %dma_start3A_257 = arith.constant 0 : i32
    %dma_start3A_258 = tpu.memref_slice %arg2[%add3A_242, %dma_start3A_257] : memref<4096x2048xf32, #tpu.memory_space<hbm>> -> memref<16x2048xf32, #tpu.memory_space<hbm>>
    tpu.enqueue_dma source(%dma_start3A_258 : memref<16x2048xf32, #tpu.memory_space<hbm>>) target(%dma_start3A_256 : memref<16x2048xf32, #tpu.memory_space<vmem>>) target_semaphore(%dma_start3A_252 : memref<!tpu.dma_semaphore, #tpu.memory_space<semaphore_mem>>)
    %dma_wait3A_259 = arith.constant 2 : i32
    %dma_wait3A_260 = arith.constant 2 : i32
    %dma_wait3A_261 = arith.constant 0 : i32
    %dma_wait3A_262 = arith.constant 0 : i32
    %dma_wait3A_263 = tpu.memref_slice %arg10[%dma_wait3A_259, %dma_wait3A_261, %dma_wait3A_262] : memref<3x16x2048xf32, #tpu.memory_space<vmem>> -> memref<1x16x2048xf32, #tpu.memory_space<vmem>>
    %dma_wait3A_264 = tpu.memref_squeeze %dma_wait3A_263 : memref<1x16x2048xf32, #tpu.memory_space<vmem>> -> memref<16x2048xf32, #tpu.memory_space<vmem>>
    %dma_wait3A_265 = arith.constant 0 : i32
    %dma_wait3A_266 = tpu.memref_slice %arg2[%add3A_170, %dma_wait3A_265] : memref<4096x2048xf32, #tpu.memory_space<hbm>> -> memref<16x2048xf32, #tpu.memory_space<hbm>>
    %dma_wait3A_267 = tpu.memref_slice %arg11[%dma_wait3A_260] : memref<3x!tpu.dma_semaphore, #tpu.memory_space<semaphore_mem>> -> memref<1x!tpu.dma_semaphore, #tpu.memory_space<semaphore_mem>>
    %dma_wait3A_268 = tpu.memref_squeeze %dma_wait3A_267 : memref<1x!tpu.dma_semaphore, #tpu.memory_space<semaphore_mem>> -> memref<!tpu.dma_semaphore, #tpu.memory_space<semaphore_mem>>
    %dma_wait3A_269 = arith.constant 0 : i32
    %dma_wait3A_270 = arith.constant 0 : i32
    %dma_wait3A_271 = tpu.memref_slice %arg10[%dma_wait3A_259, %dma_wait3A_269, %dma_wait3A_270] : memref<3x16x2048xf32, #tpu.memory_space<vmem>> -> memref<1x16x2048xf32, #tpu.memory_space<vmem>>
    %dma_wait3A_272 = tpu.memref_squeeze %dma_wait3A_271 : memref<1x16x2048xf32, #tpu.memory_space<vmem>> -> memref<16x2048xf32, #tpu.memory_space<vmem>>
    %dma_wait3A_273 = arith.constant 0 : i32
    %dma_wait3A_274 = tpu.memref_slice %arg2[%add3A_170, %dma_wait3A_273] : memref<4096x2048xf32, #tpu.memory_space<hbm>> -> memref<16x2048xf32, #tpu.memory_space<hbm>>
    tpu.wait_dma2 semaphore(%dma_wait3A_268 : memref<!tpu.dma_semaphore, #tpu.memory_space<semaphore_mem>>) src(%dma_wait3A_274 : memref<16x2048xf32, #tpu.memory_space<hbm>>) dst(%dma_wait3A_272 : memref<16x2048xf32, #tpu.memory_space<vmem>>)
    %parallel_loop3A_275 = arith.constant 0 : i32
    %parallel_loop3A_276 = arith.constant 32768 : i32
    %parallel_loop3A_277 = arith.constant 16 : i32
    %parallel_loop3A_278 = arith.constant 2 : i32
    scf.for %parallel_loop3A_671 = %parallel_loop3A_275 to %parallel_loop3A_276 step %parallel_loop3A_277  : i32 {
      %parallel_loop3A_672 = arith.constant 11 : i32
      %parallel_loop3A_673 = arith.shrui %parallel_loop3A_671, %parallel_loop3A_672 : i32
      %parallel_loop3A_674 = arith.constant 2047 : i32
      %parallel_loop3A_675 = arith.andi %parallel_loop3A_671, %parallel_loop3A_674 : i32
      %parallel_loop3A_676 = arith.constant 0 : i32
      %parallel_loop3A_677 = arith.constant 0 : i32
      %parallel_loop3A_678 = tpu.memref_slice %arg10[%parallel_loop3A_278, %parallel_loop3A_676, %parallel_loop3A_677] : memref<3x16x2048xf32, #tpu.memory_space<vmem>> -> memref<1x16x2048xf32, #tpu.memory_space<vmem>>
      %parallel_loop3A_679 = tpu.memref_squeeze %parallel_loop3A_678 : memref<1x16x2048xf32, #tpu.memory_space<vmem>> -> memref<16x2048xf32, #tpu.memory_space<vmem>>
      %parallel_loop3A_680 = arith.index_cast %parallel_loop3A_673 : i32 to index
      %parallel_loop3A_681 = arith.index_cast %parallel_loop3A_675 : i32 to index
      %parallel_loop3A_682 = tpu.vector_load %parallel_loop3A_679[%parallel_loop3A_680, %parallel_loop3A_681] {strides = array<i32>} : memref<16x2048xf32, #tpu.memory_space<vmem>>, vector<16xf32>,
      %parallel_loop3A_683 = arith.constant 4.900000e+00 : f32
      %parallel_loop3A_684 = vector.broadcast %parallel_loop3A_683 : f32 to vector<16xf32>
      %parallel_loop3A_685 = arith.mulf %parallel_loop3A_682, %parallel_loop3A_684 : vector<16xf32>
      %parallel_loop3A_686 = arith.constant 2.450000e+01 : f32
      %parallel_loop3A_687 = vector.broadcast %parallel_loop3A_686 : f32 to vector<16xf32>
      %parallel_loop3A_688 = arith.addf %parallel_loop3A_685, %parallel_loop3A_687 : vector<16xf32>
      %parallel_loop3A_689 = arith.constant 0.000000e+00 : f32
      %parallel_loop3A_690 = vector.broadcast %parallel_loop3A_689 : f32 to vector<16xf32>
      %parallel_loop3A_691 = arith.maximumf %parallel_loop3A_688, %parallel_loop3A_690 : vector<16xf32>
      %parallel_loop3A_692 = arith.constant 4.800000e+01 : f32
      %parallel_loop3A_693 = vector.broadcast %parallel_loop3A_692 : f32 to vector<16xf32>
      %parallel_loop3A_694 = arith.minimumf %parallel_loop3A_691, %parallel_loop3A_693 : vector<16xf32>
      %parallel_loop3A_695 = arith.fptosi %parallel_loop3A_694 : vector<16xf32> to vector<16xi32>
      %parallel_loop3A_696 = tpu.vector_load_idx %arg8[%parallel_loop3A_695] : memref<64xf32, #tpu.memory_space<vmem>>[vector<16xi32>], vector<16xf32>,
      %parallel_loop3A_697 = tpu.vector_load_idx %arg9[%parallel_loop3A_695] : memref<64xf32, #tpu.memory_space<vmem>>[vector<16xi32>], vector<16xf32>,
      %parallel_loop3A_698 = arith.mulf %parallel_loop3A_696, %parallel_loop3A_682 : vector<16xf32>
      %parallel_loop3A_699 = arith.addf %parallel_loop3A_697, %parallel_loop3A_698 : vector<16xf32>
      %parallel_loop3A_700 = arith.constant 0 : i32
      %parallel_loop3A_701 = arith.constant 0 : i32
      %parallel_loop3A_702 = tpu.memref_slice %arg10[%parallel_loop3A_278, %parallel_loop3A_700, %parallel_loop3A_701] : memref<3x16x2048xf32, #tpu.memory_space<vmem>> -> memref<1x16x2048xf32, #tpu.memory_space<vmem>>
      %parallel_loop3A_703 = tpu.memref_squeeze %parallel_loop3A_702 : memref<1x16x2048xf32, #tpu.memory_space<vmem>> -> memref<16x2048xf32, #tpu.memory_space<vmem>>
      %parallel_loop3A_704 = arith.index_cast %parallel_loop3A_673 : i32 to index
      %parallel_loop3A_705 = arith.index_cast %parallel_loop3A_675 : i32 to index
      %parallel_loop3A_706 = tpu.vector_load %parallel_loop3A_703[%parallel_loop3A_704, %parallel_loop3A_705] {strides = array<i32>} : memref<16x2048xf32, #tpu.memory_space<vmem>>, vector<16xf32>,
      tpu.vector_store %parallel_loop3A_703[%parallel_loop3A_704, %parallel_loop3A_705], %parallel_loop3A_699 {strides = array<i32>} : memref<16x2048xf32, #tpu.memory_space<vmem>>, vector<16xf32>,
    } {sc.loop_unroll_factor = 8 : i64, sc.parallel_access}
    %add3A_279 = arith.constant 32 : i32
    %add3A_280 = arith.addi %mul3A_2, %add3A_279 : i32
    %dma_start3A_281 = arith.constant 2 : i32
    %dma_start3A_282 = arith.constant 2 : i32
    %dma_start3A_283 = arith.constant 0 : i32
    %dma_start3A_284 = arith.constant 0 : i32
    %dma_start3A_285 = tpu.memref_slice %arg10[%dma_start3A_281, %dma_start3A_283, %dma_start3A_284] : memref<3x16x2048xf32, #tpu.memory_space<vmem>> -> memref<1x16x2048xf32, #tpu.memory_space<vmem>>
    %dma_start3A_286 = tpu.memref_squeeze %dma_start3A_285 : memref<1x16x2048xf32, #tpu.memory_space<vmem>> -> memref<16x2048xf32, #tpu.memory_space<vmem>>
    %dma_start3A_287 = arith.constant 0 : i32
    %dma_start3A_288 = tpu.memref_slice %arg5[%add3A_280, %dma_start3A_287] : memref<4096x2048xf32, #tpu.memory_space<hbm>> -> memref<16x2048xf32, #tpu.memory_space<hbm>>
    %dma_start3A_289 = tpu.memref_slice %arg12[%dma_start3A_282] : memref<3x!tpu.dma_semaphore, #tpu.memory_space<semaphore_mem>> -> memref<1x!tpu.dma_semaphore, #tpu.memory_space<semaphore_mem>>
    %dma_start3A_290 = tpu.memref_squeeze %dma_start3A_289 : memref<1x!tpu.dma_semaphore, #tpu.memory_space<semaphore_mem>> -> memref<!tpu.dma_semaphore, #tpu.memory_space<semaphore_mem>>
    %dma_start3A_291 = arith.constant 0 : i32
    %dma_start3A_292 = tpu.memref_slice %arg5[%add3A_280, %dma_start3A_291] : memref<4096x2048xf32, #tpu.memory_space<hbm>> -> memref<16x2048xf32, #tpu.memory_space<hbm>>
    %dma_start3A_293 = arith.constant 0 : i32
    %dma_start3A_294 = arith.constant 0 : i32
    %dma_start3A_295 = tpu.memref_slice %arg10[%dma_start3A_281, %dma_start3A_293, %dma_start3A_294] : memref<3x16x2048xf32, #tpu.memory_space<vmem>> -> memref<1x16x2048xf32, #tpu.memory_space<vmem>>
    %dma_start3A_296 = tpu.memref_squeeze %dma_start3A_295 : memref<1x16x2048xf32, #tpu.memory_space<vmem>> -> memref<16x2048xf32, #tpu.memory_space<vmem>>
    tpu.enqueue_dma source(%dma_start3A_296 : memref<16x2048xf32, #tpu.memory_space<vmem>>) target(%dma_start3A_292 : memref<16x2048xf32, #tpu.memory_space<hbm>>) target_semaphore(%dma_start3A_290 : memref<!tpu.dma_semaphore, #tpu.memory_space<semaphore_mem>>)
    %dma_wait3A_297 = arith.constant 1 : i32
    %dma_wait3A_298 = arith.constant 1 : i32
    %dma_wait3A_299 = arith.constant 0 : i32
    %dma_wait3A_300 = arith.constant 0 : i32
    %dma_wait3A_301 = tpu.memref_slice %arg10[%dma_wait3A_297, %dma_wait3A_299, %dma_wait3A_300] : memref<3x16x2048xf32, #tpu.memory_space<vmem>> -> memref<1x16x2048xf32, #tpu.memory_space<vmem>>
    %dma_wait3A_302 = tpu.memref_squeeze %dma_wait3A_301 : memref<1x16x2048xf32, #tpu.memory_space<vmem>> -> memref<16x2048xf32, #tpu.memory_space<vmem>>
    %dma_wait3A_303 = arith.constant 0 : i32
    %dma_wait3A_304 = tpu.memref_slice %arg5[%add3A_208, %dma_wait3A_303] : memref<4096x2048xf32, #tpu.memory_space<hbm>> -> memref<16x2048xf32, #tpu.memory_space<hbm>>
    %dma_wait3A_305 = tpu.memref_slice %arg12[%dma_wait3A_298] : memref<3x!tpu.dma_semaphore, #tpu.memory_space<semaphore_mem>> -> memref<1x!tpu.dma_semaphore, #tpu.memory_space<semaphore_mem>>
    %dma_wait3A_306 = tpu.memref_squeeze %dma_wait3A_305 : memref<1x!tpu.dma_semaphore, #tpu.memory_space<semaphore_mem>> -> memref<!tpu.dma_semaphore, #tpu.memory_space<semaphore_mem>>
    %dma_wait3A_307 = arith.constant 0 : i32
    %dma_wait3A_308 = tpu.memref_slice %arg5[%add3A_208, %dma_wait3A_307] : memref<4096x2048xf32, #tpu.memory_space<hbm>> -> memref<16x2048xf32, #tpu.memory_space<hbm>>
    %dma_wait3A_309 = arith.constant 0 : i32
    %dma_wait3A_310 = arith.constant 0 : i32
    %dma_wait3A_311 = tpu.memref_slice %arg10[%dma_wait3A_297, %dma_wait3A_309, %dma_wait3A_310] : memref<3x16x2048xf32, #tpu.memory_space<vmem>> -> memref<1x16x2048xf32, #tpu.memory_space<vmem>>
    %dma_wait3A_312 = tpu.memref_squeeze %dma_wait3A_311 : memref<1x16x2048xf32, #tpu.memory_space<vmem>> -> memref<16x2048xf32, #tpu.memory_space<vmem>>
    tpu.wait_dma2 semaphore(%dma_wait3A_306 : memref<!tpu.dma_semaphore, #tpu.memory_space<semaphore_mem>>) src(%dma_wait3A_312 : memref<16x2048xf32, #tpu.memory_space<vmem>>) dst(%dma_wait3A_308 : memref<16x2048xf32, #tpu.memory_space<hbm>>)
    %add3A_313 = arith.constant 64 : i32
    %add3A_314 = arith.addi %mul3A_2, %add3A_313 : i32
    %dma_start3A_315 = arith.constant 1 : i32
    %dma_start3A_316 = arith.constant 1 : i32
    %dma_start3A_317 = arith.constant 0 : i32
    %dma_start3A_318 = arith.constant 0 : i32
    %dma_start3A_319 = tpu.memref_slice %arg10[%dma_start3A_315, %dma_start3A_317, %dma_start3A_318] : memref<3x16x2048xf32, #tpu.memory_space<vmem>> -> memref<1x16x2048xf32, #tpu.memory_space<vmem>>
    %dma_start3A_320 = tpu.memref_squeeze %dma_start3A_319 : memref<1x16x2048xf32, #tpu.memory_space<vmem>> -> memref<16x2048xf32, #tpu.memory_space<vmem>>
    %dma_start3A_321 = arith.constant 0 : i32
    %dma_start3A_322 = tpu.memref_slice %arg2[%add3A_314, %dma_start3A_321] : memref<4096x2048xf32, #tpu.memory_space<hbm>> -> memref<16x2048xf32, #tpu.memory_space<hbm>>
    %dma_start3A_323 = tpu.memref_slice %arg11[%dma_start3A_316] : memref<3x!tpu.dma_semaphore, #tpu.memory_space<semaphore_mem>> -> memref<1x!tpu.dma_semaphore, #tpu.memory_space<semaphore_mem>>
    %dma_start3A_324 = tpu.memref_squeeze %dma_start3A_323 : memref<1x!tpu.dma_semaphore, #tpu.memory_space<semaphore_mem>> -> memref<!tpu.dma_semaphore, #tpu.memory_space<semaphore_mem>>
    %dma_start3A_325 = arith.constant 0 : i32
    %dma_start3A_326 = arith.constant 0 : i32
    %dma_start3A_327 = tpu.memref_slice %arg10[%dma_start3A_315, %dma_start3A_325, %dma_start3A_326] : memref<3x16x2048xf32, #tpu.memory_space<vmem>> -> memref<1x16x2048xf32, #tpu.memory_space<vmem>>
    %dma_start3A_328 = tpu.memref_squeeze %dma_start3A_327 : memref<1x16x2048xf32, #tpu.memory_space<vmem>> -> memref<16x2048xf32, #tpu.memory_space<vmem>>
    %dma_start3A_329 = arith.constant 0 : i32
    %dma_start3A_330 = tpu.memref_slice %arg2[%add3A_314, %dma_start3A_329] : memref<4096x2048xf32, #tpu.memory_space<hbm>> -> memref<16x2048xf32, #tpu.memory_space<hbm>>
    tpu.enqueue_dma source(%dma_start3A_330 : memref<16x2048xf32, #tpu.memory_space<hbm>>) target(%dma_start3A_328 : memref<16x2048xf32, #tpu.memory_space<vmem>>) target_semaphore(%dma_start3A_324 : memref<!tpu.dma_semaphore, #tpu.memory_space<semaphore_mem>>)
    %dma_wait3A_331 = arith.constant 0 : i32
    %dma_wait3A_332 = arith.constant 0 : i32
    %dma_wait3A_333 = arith.constant 0 : i32
    %dma_wait3A_334 = arith.constant 0 : i32
    %dma_wait3A_335 = tpu.memref_slice %arg10[%dma_wait3A_331, %dma_wait3A_333, %dma_wait3A_334] : memref<3x16x2048xf32, #tpu.memory_space<vmem>> -> memref<1x16x2048xf32, #tpu.memory_space<vmem>>
    %dma_wait3A_336 = tpu.memref_squeeze %dma_wait3A_335 : memref<1x16x2048xf32, #tpu.memory_space<vmem>> -> memref<16x2048xf32, #tpu.memory_space<vmem>>
    %dma_wait3A_337 = arith.constant 0 : i32
    %dma_wait3A_338 = tpu.memref_slice %arg2[%add3A_242, %dma_wait3A_337] : memref<4096x2048xf32, #tpu.memory_space<hbm>> -> memref<16x2048xf32, #tpu.memory_space<hbm>>
    %dma_wait3A_339 = tpu.memref_slice %arg11[%dma_wait3A_332] : memref<3x!tpu.dma_semaphore, #tpu.memory_space<semaphore_mem>> -> memref<1x!tpu.dma_semaphore, #tpu.memory_space<semaphore_mem>>
    %dma_wait3A_340 = tpu.memref_squeeze %dma_wait3A_339 : memref<1x!tpu.dma_semaphore, #tpu.memory_space<semaphore_mem>> -> memref<!tpu.dma_semaphore, #tpu.memory_space<semaphore_mem>>
    %dma_wait3A_341 = arith.constant 0 : i32
    %dma_wait3A_342 = arith.constant 0 : i32
    %dma_wait3A_343 = tpu.memref_slice %arg10[%dma_wait3A_331, %dma_wait3A_341, %dma_wait3A_342] : memref<3x16x2048xf32, #tpu.memory_space<vmem>> -> memref<1x16x2048xf32, #tpu.memory_space<vmem>>
    %dma_wait3A_344 = tpu.memref_squeeze %dma_wait3A_343 : memref<1x16x2048xf32, #tpu.memory_space<vmem>> -> memref<16x2048xf32, #tpu.memory_space<vmem>>
    %dma_wait3A_345 = arith.constant 0 : i32
    %dma_wait3A_346 = tpu.memref_slice %arg2[%add3A_242, %dma_wait3A_345] : memref<4096x2048xf32, #tpu.memory_space<hbm>> -> memref<16x2048xf32, #tpu.memory_space<hbm>>
    tpu.wait_dma2 semaphore(%dma_wait3A_340 : memref<!tpu.dma_semaphore, #tpu.memory_space<semaphore_mem>>) src(%dma_wait3A_346 : memref<16x2048xf32, #tpu.memory_space<hbm>>) dst(%dma_wait3A_344 : memref<16x2048xf32, #tpu.memory_space<vmem>>)
    %parallel_loop3A_347 = arith.constant 0 : i32
    %parallel_loop3A_348 = arith.constant 32768 : i32
    %parallel_loop3A_349 = arith.constant 16 : i32
    %parallel_loop3A_350 = arith.constant 0 : i32
    scf.for %parallel_loop3A_671 = %parallel_loop3A_347 to %parallel_loop3A_348 step %parallel_loop3A_349  : i32 {
      %parallel_loop3A_672 = arith.constant 11 : i32
      %parallel_loop3A_673 = arith.shrui %parallel_loop3A_671, %parallel_loop3A_672 : i32
      %parallel_loop3A_674 = arith.constant 2047 : i32
      %parallel_loop3A_675 = arith.andi %parallel_loop3A_671, %parallel_loop3A_674 : i32
      %parallel_loop3A_676 = arith.constant 0 : i32
      %parallel_loop3A_677 = arith.constant 0 : i32
      %parallel_loop3A_678 = tpu.memref_slice %arg10[%parallel_loop3A_350, %parallel_loop3A_676, %parallel_loop3A_677] : memref<3x16x2048xf32, #tpu.memory_space<vmem>> -> memref<1x16x2048xf32, #tpu.memory_space<vmem>>
      %parallel_loop3A_679 = tpu.memref_squeeze %parallel_loop3A_678 : memref<1x16x2048xf32, #tpu.memory_space<vmem>> -> memref<16x2048xf32, #tpu.memory_space<vmem>>
      %parallel_loop3A_680 = arith.index_cast %parallel_loop3A_673 : i32 to index
      %parallel_loop3A_681 = arith.index_cast %parallel_loop3A_675 : i32 to index
      %parallel_loop3A_682 = tpu.vector_load %parallel_loop3A_679[%parallel_loop3A_680, %parallel_loop3A_681] {strides = array<i32>} : memref<16x2048xf32, #tpu.memory_space<vmem>>, vector<16xf32>,
      %parallel_loop3A_683 = arith.constant 4.900000e+00 : f32
      %parallel_loop3A_684 = vector.broadcast %parallel_loop3A_683 : f32 to vector<16xf32>
      %parallel_loop3A_685 = arith.mulf %parallel_loop3A_682, %parallel_loop3A_684 : vector<16xf32>
      %parallel_loop3A_686 = arith.constant 2.450000e+01 : f32
      %parallel_loop3A_687 = vector.broadcast %parallel_loop3A_686 : f32 to vector<16xf32>
      %parallel_loop3A_688 = arith.addf %parallel_loop3A_685, %parallel_loop3A_687 : vector<16xf32>
      %parallel_loop3A_689 = arith.constant 0.000000e+00 : f32
      %parallel_loop3A_690 = vector.broadcast %parallel_loop3A_689 : f32 to vector<16xf32>
      %parallel_loop3A_691 = arith.maximumf %parallel_loop3A_688, %parallel_loop3A_690 : vector<16xf32>
      %parallel_loop3A_692 = arith.constant 4.800000e+01 : f32
      %parallel_loop3A_693 = vector.broadcast %parallel_loop3A_692 : f32 to vector<16xf32>
      %parallel_loop3A_694 = arith.minimumf %parallel_loop3A_691, %parallel_loop3A_693 : vector<16xf32>
      %parallel_loop3A_695 = arith.fptosi %parallel_loop3A_694 : vector<16xf32> to vector<16xi32>
      %parallel_loop3A_696 = tpu.vector_load_idx %arg8[%parallel_loop3A_695] : memref<64xf32, #tpu.memory_space<vmem>>[vector<16xi32>], vector<16xf32>,
      %parallel_loop3A_697 = tpu.vector_load_idx %arg9[%parallel_loop3A_695] : memref<64xf32, #tpu.memory_space<vmem>>[vector<16xi32>], vector<16xf32>,
      %parallel_loop3A_698 = arith.mulf %parallel_loop3A_696, %parallel_loop3A_682 : vector<16xf32>
      %parallel_loop3A_699 = arith.addf %parallel_loop3A_697, %parallel_loop3A_698 : vector<16xf32>
      %parallel_loop3A_700 = arith.constant 0 : i32
      %parallel_loop3A_701 = arith.constant 0 : i32
      %parallel_loop3A_702 = tpu.memref_slice %arg10[%parallel_loop3A_350, %parallel_loop3A_700, %parallel_loop3A_701] : memref<3x16x2048xf32, #tpu.memory_space<vmem>> -> memref<1x16x2048xf32, #tpu.memory_space<vmem>>
      %parallel_loop3A_703 = tpu.memref_squeeze %parallel_loop3A_702 : memref<1x16x2048xf32, #tpu.memory_space<vmem>> -> memref<16x2048xf32, #tpu.memory_space<vmem>>
      %parallel_loop3A_704 = arith.index_cast %parallel_loop3A_673 : i32 to index
      %parallel_loop3A_705 = arith.index_cast %parallel_loop3A_675 : i32 to index
      %parallel_loop3A_706 = tpu.vector_load %parallel_loop3A_703[%parallel_loop3A_704, %parallel_loop3A_705] {strides = array<i32>} : memref<16x2048xf32, #tpu.memory_space<vmem>>, vector<16xf32>,
      tpu.vector_store %parallel_loop3A_703[%parallel_loop3A_704, %parallel_loop3A_705], %parallel_loop3A_699 {strides = array<i32>} : memref<16x2048xf32, #tpu.memory_space<vmem>>, vector<16xf32>,
    } {sc.loop_unroll_factor = 8 : i64, sc.parallel_access}
    %add3A_351 = arith.constant 48 : i32
    %add3A_352 = arith.addi %mul3A_2, %add3A_351 : i32
    %dma_start3A_353 = arith.constant 0 : i32
    %dma_start3A_354 = arith.constant 0 : i32
    %dma_start3A_355 = arith.constant 0 : i32
    %dma_start3A_356 = arith.constant 0 : i32
    %dma_start3A_357 = tpu.memref_slice %arg10[%dma_start3A_353, %dma_start3A_355, %dma_start3A_356] : memref<3x16x2048xf32, #tpu.memory_space<vmem>> -> memref<1x16x2048xf32, #tpu.memory_space<vmem>>
    %dma_start3A_358 = tpu.memref_squeeze %dma_start3A_357 : memref<1x16x2048xf32, #tpu.memory_space<vmem>> -> memref<16x2048xf32, #tpu.memory_space<vmem>>
    %dma_start3A_359 = arith.constant 0 : i32
    %dma_start3A_360 = tpu.memref_slice %arg5[%add3A_352, %dma_start3A_359] : memref<4096x2048xf32, #tpu.memory_space<hbm>> -> memref<16x2048xf32, #tpu.memory_space<hbm>>
    %dma_start3A_361 = tpu.memref_slice %arg12[%dma_start3A_354] : memref<3x!tpu.dma_semaphore, #tpu.memory_space<semaphore_mem>> -> memref<1x!tpu.dma_semaphore, #tpu.memory_space<semaphore_mem>>
    %dma_start3A_362 = tpu.memref_squeeze %dma_start3A_361 : memref<1x!tpu.dma_semaphore, #tpu.memory_space<semaphore_mem>> -> memref<!tpu.dma_semaphore, #tpu.memory_space<semaphore_mem>>
    %dma_start3A_363 = arith.constant 0 : i32
    %dma_start3A_364 = tpu.memref_slice %arg5[%add3A_352, %dma_start3A_363] : memref<4096x2048xf32, #tpu.memory_space<hbm>> -> memref<16x2048xf32, #tpu.memory_space<hbm>>
    %dma_start3A_365 = arith.constant 0 : i32
    %dma_start3A_366 = arith.constant 0 : i32
    %dma_start3A_367 = tpu.memref_slice %arg10[%dma_start3A_353, %dma_start3A_365, %dma_start3A_366] : memref<3x16x2048xf32, #tpu.memory_space<vmem>> -> memref<1x16x2048xf32, #tpu.memory_space<vmem>>
    %dma_start3A_368 = tpu.memref_squeeze %dma_start3A_367 : memref<1x16x2048xf32, #tpu.memory_space<vmem>> -> memref<16x2048xf32, #tpu.memory_space<vmem>>
    tpu.enqueue_dma source(%dma_start3A_368 : memref<16x2048xf32, #tpu.memory_space<vmem>>) target(%dma_start3A_364 : memref<16x2048xf32, #tpu.memory_space<hbm>>) target_semaphore(%dma_start3A_362 : memref<!tpu.dma_semaphore, #tpu.memory_space<semaphore_mem>>)
    %dma_wait3A_369 = arith.constant 2 : i32
    %dma_wait3A_370 = arith.constant 2 : i32
    %dma_wait3A_371 = arith.constant 0 : i32
    %dma_wait3A_372 = arith.constant 0 : i32
    %dma_wait3A_373 = tpu.memref_slice %arg10[%dma_wait3A_369, %dma_wait3A_371, %dma_wait3A_372] : memref<3x16x2048xf32, #tpu.memory_space<vmem>> -> memref<1x16x2048xf32, #tpu.memory_space<vmem>>
    %dma_wait3A_374 = tpu.memref_squeeze %dma_wait3A_373 : memref<1x16x2048xf32, #tpu.memory_space<vmem>> -> memref<16x2048xf32, #tpu.memory_space<vmem>>
    %dma_wait3A_375 = arith.constant 0 : i32
    %dma_wait3A_376 = tpu.memref_slice %arg5[%add3A_280, %dma_wait3A_375] : memref<4096x2048xf32, #tpu.memory_space<hbm>> -> memref<16x2048xf32, #tpu.memory_space<hbm>>
    %dma_wait3A_377 = tpu.memref_slice %arg12[%dma_wait3A_370] : memref<3x!tpu.dma_semaphore, #tpu.memory_space<semaphore_mem>> -> memref<1x!tpu.dma_semaphore, #tpu.memory_space<semaphore_mem>>
    %dma_wait3A_378 = tpu.memref_squeeze %dma_wait3A_377 : memref<1x!tpu.dma_semaphore, #tpu.memory_space<semaphore_mem>> -> memref<!tpu.dma_semaphore, #tpu.memory_space<semaphore_mem>>
    %dma_wait3A_379 = arith.constant 0 : i32
    %dma_wait3A_380 = tpu.memref_slice %arg5[%add3A_280, %dma_wait3A_379] : memref<4096x2048xf32, #tpu.memory_space<hbm>> -> memref<16x2048xf32, #tpu.memory_space<hbm>>
    %dma_wait3A_381 = arith.constant 0 : i32
    %dma_wait3A_382 = arith.constant 0 : i32
    %dma_wait3A_383 = tpu.memref_slice %arg10[%dma_wait3A_369, %dma_wait3A_381, %dma_wait3A_382] : memref<3x16x2048xf32, #tpu.memory_space<vmem>> -> memref<1x16x2048xf32, #tpu.memory_space<vmem>>
    %dma_wait3A_384 = tpu.memref_squeeze %dma_wait3A_383 : memref<1x16x2048xf32, #tpu.memory_space<vmem>> -> memref<16x2048xf32, #tpu.memory_space<vmem>>
    tpu.wait_dma2 semaphore(%dma_wait3A_378 : memref<!tpu.dma_semaphore, #tpu.memory_space<semaphore_mem>>) src(%dma_wait3A_384 : memref<16x2048xf32, #tpu.memory_space<vmem>>) dst(%dma_wait3A_380 : memref<16x2048xf32, #tpu.memory_space<hbm>>)
    %add3A_385 = arith.constant 80 : i32
    %add3A_386 = arith.addi %mul3A_2, %add3A_385 : i32
    %dma_start3A_387 = arith.constant 2 : i32
    %dma_start3A_388 = arith.constant 2 : i32
    %dma_start3A_389 = arith.constant 0 : i32
    %dma_start3A_390 = arith.constant 0 : i32
    %dma_start3A_391 = tpu.memref_slice %arg10[%dma_start3A_387, %dma_start3A_389, %dma_start3A_390] : memref<3x16x2048xf32, #tpu.memory_space<vmem>> -> memref<1x16x2048xf32, #tpu.memory_space<vmem>>
    %dma_start3A_392 = tpu.memref_squeeze %dma_start3A_391 : memref<1x16x2048xf32, #tpu.memory_space<vmem>> -> memref<16x2048xf32, #tpu.memory_space<vmem>>
    %dma_start3A_393 = arith.constant 0 : i32
    %dma_start3A_394 = tpu.memref_slice %arg2[%add3A_386, %dma_start3A_393] : memref<4096x2048xf32, #tpu.memory_space<hbm>> -> memref<16x2048xf32, #tpu.memory_space<hbm>>
    %dma_start3A_395 = tpu.memref_slice %arg11[%dma_start3A_388] : memref<3x!tpu.dma_semaphore, #tpu.memory_space<semaphore_mem>> -> memref<1x!tpu.dma_semaphore, #tpu.memory_space<semaphore_mem>>
    %dma_start3A_396 = tpu.memref_squeeze %dma_start3A_395 : memref<1x!tpu.dma_semaphore, #tpu.memory_space<semaphore_mem>> -> memref<!tpu.dma_semaphore, #tpu.memory_space<semaphore_mem>>
    %dma_start3A_397 = arith.constant 0 : i32
    %dma_start3A_398 = arith.constant 0 : i32
    %dma_start3A_399 = tpu.memref_slice %arg10[%dma_start3A_387, %dma_start3A_397, %dma_start3A_398] : memref<3x16x2048xf32, #tpu.memory_space<vmem>> -> memref<1x16x2048xf32, #tpu.memory_space<vmem>>
    %dma_start3A_400 = tpu.memref_squeeze %dma_start3A_399 : memref<1x16x2048xf32, #tpu.memory_space<vmem>> -> memref<16x2048xf32, #tpu.memory_space<vmem>>
    %dma_start3A_401 = arith.constant 0 : i32
    %dma_start3A_402 = tpu.memref_slice %arg2[%add3A_386, %dma_start3A_401] : memref<4096x2048xf32, #tpu.memory_space<hbm>> -> memref<16x2048xf32, #tpu.memory_space<hbm>>
    tpu.enqueue_dma source(%dma_start3A_402 : memref<16x2048xf32, #tpu.memory_space<hbm>>) target(%dma_start3A_400 : memref<16x2048xf32, #tpu.memory_space<vmem>>) target_semaphore(%dma_start3A_396 : memref<!tpu.dma_semaphore, #tpu.memory_space<semaphore_mem>>)
    %dma_wait3A_403 = arith.constant 1 : i32
    %dma_wait3A_404 = arith.constant 1 : i32
    %dma_wait3A_405 = arith.constant 0 : i32
    %dma_wait3A_406 = arith.constant 0 : i32
    %dma_wait3A_407 = tpu.memref_slice %arg10[%dma_wait3A_403, %dma_wait3A_405, %dma_wait3A_406] : memref<3x16x2048xf32, #tpu.memory_space<vmem>> -> memref<1x16x2048xf32, #tpu.memory_space<vmem>>
    %dma_wait3A_408 = tpu.memref_squeeze %dma_wait3A_407 : memref<1x16x2048xf32, #tpu.memory_space<vmem>> -> memref<16x2048xf32, #tpu.memory_space<vmem>>
    %dma_wait3A_409 = arith.constant 0 : i32
    %dma_wait3A_410 = tpu.memref_slice %arg2[%add3A_314, %dma_wait3A_409] : memref<4096x2048xf32, #tpu.memory_space<hbm>> -> memref<16x2048xf32, #tpu.memory_space<hbm>>
    %dma_wait3A_411 = tpu.memref_slice %arg11[%dma_wait3A_404] : memref<3x!tpu.dma_semaphore, #tpu.memory_space<semaphore_mem>> -> memref<1x!tpu.dma_semaphore, #tpu.memory_space<semaphore_mem>>
    %dma_wait3A_412 = tpu.memref_squeeze %dma_wait3A_411 : memref<1x!tpu.dma_semaphore, #tpu.memory_space<semaphore_mem>> -> memref<!tpu.dma_semaphore, #tpu.memory_space<semaphore_mem>>
    %dma_wait3A_413 = arith.constant 0 : i32
    %dma_wait3A_414 = arith.constant 0 : i32
    %dma_wait3A_415 = tpu.memref_slice %arg10[%dma_wait3A_403, %dma_wait3A_413, %dma_wait3A_414] : memref<3x16x2048xf32, #tpu.memory_space<vmem>> -> memref<1x16x2048xf32, #tpu.memory_space<vmem>>
    %dma_wait3A_416 = tpu.memref_squeeze %dma_wait3A_415 : memref<1x16x2048xf32, #tpu.memory_space<vmem>> -> memref<16x2048xf32, #tpu.memory_space<vmem>>
    %dma_wait3A_417 = arith.constant 0 : i32
    %dma_wait3A_418 = tpu.memref_slice %arg2[%add3A_314, %dma_wait3A_417] : memref<4096x2048xf32, #tpu.memory_space<hbm>> -> memref<16x2048xf32, #tpu.memory_space<hbm>>
    tpu.wait_dma2 semaphore(%dma_wait3A_412 : memref<!tpu.dma_semaphore, #tpu.memory_space<semaphore_mem>>) src(%dma_wait3A_418 : memref<16x2048xf32, #tpu.memory_space<hbm>>) dst(%dma_wait3A_416 : memref<16x2048xf32, #tpu.memory_space<vmem>>)
    %parallel_loop3A_419 = arith.constant 0 : i32
    %parallel_loop3A_420 = arith.constant 32768 : i32
    %parallel_loop3A_421 = arith.constant 16 : i32
    %parallel_loop3A_422 = arith.constant 1 : i32
    scf.for %parallel_loop3A_671 = %parallel_loop3A_419 to %parallel_loop3A_420 step %parallel_loop3A_421  : i32 {
      %parallel_loop3A_672 = arith.constant 11 : i32
      %parallel_loop3A_673 = arith.shrui %parallel_loop3A_671, %parallel_loop3A_672 : i32
      %parallel_loop3A_674 = arith.constant 2047 : i32
      %parallel_loop3A_675 = arith.andi %parallel_loop3A_671, %parallel_loop3A_674 : i32
      %parallel_loop3A_676 = arith.constant 0 : i32
      %parallel_loop3A_677 = arith.constant 0 : i32
      %parallel_loop3A_678 = tpu.memref_slice %arg10[%parallel_loop3A_422, %parallel_loop3A_676, %parallel_loop3A_677] : memref<3x16x2048xf32, #tpu.memory_space<vmem>> -> memref<1x16x2048xf32, #tpu.memory_space<vmem>>
      %parallel_loop3A_679 = tpu.memref_squeeze %parallel_loop3A_678 : memref<1x16x2048xf32, #tpu.memory_space<vmem>> -> memref<16x2048xf32, #tpu.memory_space<vmem>>
      %parallel_loop3A_680 = arith.index_cast %parallel_loop3A_673 : i32 to index
      %parallel_loop3A_681 = arith.index_cast %parallel_loop3A_675 : i32 to index
      %parallel_loop3A_682 = tpu.vector_load %parallel_loop3A_679[%parallel_loop3A_680, %parallel_loop3A_681] {strides = array<i32>} : memref<16x2048xf32, #tpu.memory_space<vmem>>, vector<16xf32>,
      %parallel_loop3A_683 = arith.constant 4.900000e+00 : f32
      %parallel_loop3A_684 = vector.broadcast %parallel_loop3A_683 : f32 to vector<16xf32>
      %parallel_loop3A_685 = arith.mulf %parallel_loop3A_682, %parallel_loop3A_684 : vector<16xf32>
      %parallel_loop3A_686 = arith.constant 2.450000e+01 : f32
      %parallel_loop3A_687 = vector.broadcast %parallel_loop3A_686 : f32 to vector<16xf32>
      %parallel_loop3A_688 = arith.addf %parallel_loop3A_685, %parallel_loop3A_687 : vector<16xf32>
      %parallel_loop3A_689 = arith.constant 0.000000e+00 : f32
      %parallel_loop3A_690 = vector.broadcast %parallel_loop3A_689 : f32 to vector<16xf32>
      %parallel_loop3A_691 = arith.maximumf %parallel_loop3A_688, %parallel_loop3A_690 : vector<16xf32>
      %parallel_loop3A_692 = arith.constant 4.800000e+01 : f32
      %parallel_loop3A_693 = vector.broadcast %parallel_loop3A_692 : f32 to vector<16xf32>
      %parallel_loop3A_694 = arith.minimumf %parallel_loop3A_691, %parallel_loop3A_693 : vector<16xf32>
      %parallel_loop3A_695 = arith.fptosi %parallel_loop3A_694 : vector<16xf32> to vector<16xi32>
      %parallel_loop3A_696 = tpu.vector_load_idx %arg8[%parallel_loop3A_695] : memref<64xf32, #tpu.memory_space<vmem>>[vector<16xi32>], vector<16xf32>,
      %parallel_loop3A_697 = tpu.vector_load_idx %arg9[%parallel_loop3A_695] : memref<64xf32, #tpu.memory_space<vmem>>[vector<16xi32>], vector<16xf32>,
      %parallel_loop3A_698 = arith.mulf %parallel_loop3A_696, %parallel_loop3A_682 : vector<16xf32>
      %parallel_loop3A_699 = arith.addf %parallel_loop3A_697, %parallel_loop3A_698 : vector<16xf32>
      %parallel_loop3A_700 = arith.constant 0 : i32
      %parallel_loop3A_701 = arith.constant 0 : i32
      %parallel_loop3A_702 = tpu.memref_slice %arg10[%parallel_loop3A_422, %parallel_loop3A_700, %parallel_loop3A_701] : memref<3x16x2048xf32, #tpu.memory_space<vmem>> -> memref<1x16x2048xf32, #tpu.memory_space<vmem>>
      %parallel_loop3A_703 = tpu.memref_squeeze %parallel_loop3A_702 : memref<1x16x2048xf32, #tpu.memory_space<vmem>> -> memref<16x2048xf32, #tpu.memory_space<vmem>>
      %parallel_loop3A_704 = arith.index_cast %parallel_loop3A_673 : i32 to index
      %parallel_loop3A_705 = arith.index_cast %parallel_loop3A_675 : i32 to index
      %parallel_loop3A_706 = tpu.vector_load %parallel_loop3A_703[%parallel_loop3A_704, %parallel_loop3A_705] {strides = array<i32>} : memref<16x2048xf32, #tpu.memory_space<vmem>>, vector<16xf32>,
      tpu.vector_store %parallel_loop3A_703[%parallel_loop3A_704, %parallel_loop3A_705], %parallel_loop3A_699 {strides = array<i32>} : memref<16x2048xf32, #tpu.memory_space<vmem>>, vector<16xf32>,
    } {sc.loop_unroll_factor = 8 : i64, sc.parallel_access}
    %add3A_423 = arith.constant 64 : i32
    %add3A_424 = arith.addi %mul3A_2, %add3A_423 : i32
    %dma_start3A_425 = arith.constant 1 : i32
    %dma_start3A_426 = arith.constant 1 : i32
    %dma_start3A_427 = arith.constant 0 : i32
    %dma_start3A_428 = arith.constant 0 : i32
    %dma_start3A_429 = tpu.memref_slice %arg10[%dma_start3A_425, %dma_start3A_427, %dma_start3A_428] : memref<3x16x2048xf32, #tpu.memory_space<vmem>> -> memref<1x16x2048xf32, #tpu.memory_space<vmem>>
    %dma_start3A_430 = tpu.memref_squeeze %dma_start3A_429 : memref<1x16x2048xf32, #tpu.memory_space<vmem>> -> memref<16x2048xf32, #tpu.memory_space<vmem>>
    %dma_start3A_431 = arith.constant 0 : i32
    %dma_start3A_432 = tpu.memref_slice %arg5[%add3A_424, %dma_start3A_431] : memref<4096x2048xf32, #tpu.memory_space<hbm>> -> memref<16x2048xf32, #tpu.memory_space<hbm>>
    %dma_start3A_433 = tpu.memref_slice %arg12[%dma_start3A_426] : memref<3x!tpu.dma_semaphore, #tpu.memory_space<semaphore_mem>> -> memref<1x!tpu.dma_semaphore, #tpu.memory_space<semaphore_mem>>
    %dma_start3A_434 = tpu.memref_squeeze %dma_start3A_433 : memref<1x!tpu.dma_semaphore, #tpu.memory_space<semaphore_mem>> -> memref<!tpu.dma_semaphore, #tpu.memory_space<semaphore_mem>>
    %dma_start3A_435 = arith.constant 0 : i32
    %dma_start3A_436 = tpu.memref_slice %arg5[%add3A_424, %dma_start3A_435] : memref<4096x2048xf32, #tpu.memory_space<hbm>> -> memref<16x2048xf32, #tpu.memory_space<hbm>>
    %dma_start3A_437 = arith.constant 0 : i32
    %dma_start3A_438 = arith.constant 0 : i32
    %dma_start3A_439 = tpu.memref_slice %arg10[%dma_start3A_425, %dma_start3A_437, %dma_start3A_438] : memref<3x16x2048xf32, #tpu.memory_space<vmem>> -> memref<1x16x2048xf32, #tpu.memory_space<vmem>>
    %dma_start3A_440 = tpu.memref_squeeze %dma_start3A_439 : memref<1x16x2048xf32, #tpu.memory_space<vmem>> -> memref<16x2048xf32, #tpu.memory_space<vmem>>
    tpu.enqueue_dma source(%dma_start3A_440 : memref<16x2048xf32, #tpu.memory_space<vmem>>) target(%dma_start3A_436 : memref<16x2048xf32, #tpu.memory_space<hbm>>) target_semaphore(%dma_start3A_434 : memref<!tpu.dma_semaphore, #tpu.memory_space<semaphore_mem>>)
    %dma_wait3A_441 = arith.constant 0 : i32
    %dma_wait3A_442 = arith.constant 0 : i32
    %dma_wait3A_443 = arith.constant 0 : i32
    %dma_wait3A_444 = arith.constant 0 : i32
    %dma_wait3A_445 = tpu.memref_slice %arg10[%dma_wait3A_441, %dma_wait3A_443, %dma_wait3A_444] : memref<3x16x2048xf32, #tpu.memory_space<vmem>> -> memref<1x16x2048xf32, #tpu.memory_space<vmem>>
    %dma_wait3A_446 = tpu.memref_squeeze %dma_wait3A_445 : memref<1x16x2048xf32, #tpu.memory_space<vmem>> -> memref<16x2048xf32, #tpu.memory_space<vmem>>
    %dma_wait3A_447 = arith.constant 0 : i32
    %dma_wait3A_448 = tpu.memref_slice %arg5[%add3A_352, %dma_wait3A_447] : memref<4096x2048xf32, #tpu.memory_space<hbm>> -> memref<16x2048xf32, #tpu.memory_space<hbm>>
    %dma_wait3A_449 = tpu.memref_slice %arg12[%dma_wait3A_442] : memref<3x!tpu.dma_semaphore, #tpu.memory_space<semaphore_mem>> -> memref<1x!tpu.dma_semaphore, #tpu.memory_space<semaphore_mem>>
    %dma_wait3A_450 = tpu.memref_squeeze %dma_wait3A_449 : memref<1x!tpu.dma_semaphore, #tpu.memory_space<semaphore_mem>> -> memref<!tpu.dma_semaphore, #tpu.memory_space<semaphore_mem>>
    %dma_wait3A_451 = arith.constant 0 : i32
    %dma_wait3A_452 = tpu.memref_slice %arg5[%add3A_352, %dma_wait3A_451] : memref<4096x2048xf32, #tpu.memory_space<hbm>> -> memref<16x2048xf32, #tpu.memory_space<hbm>>
    %dma_wait3A_453 = arith.constant 0 : i32
    %dma_wait3A_454 = arith.constant 0 : i32
    %dma_wait3A_455 = tpu.memref_slice %arg10[%dma_wait3A_441, %dma_wait3A_453, %dma_wait3A_454] : memref<3x16x2048xf32, #tpu.memory_space<vmem>> -> memref<1x16x2048xf32, #tpu.memory_space<vmem>>
    %dma_wait3A_456 = tpu.memref_squeeze %dma_wait3A_455 : memref<1x16x2048xf32, #tpu.memory_space<vmem>> -> memref<16x2048xf32, #tpu.memory_space<vmem>>
    tpu.wait_dma2 semaphore(%dma_wait3A_450 : memref<!tpu.dma_semaphore, #tpu.memory_space<semaphore_mem>>) src(%dma_wait3A_456 : memref<16x2048xf32, #tpu.memory_space<vmem>>) dst(%dma_wait3A_452 : memref<16x2048xf32, #tpu.memory_space<hbm>>)
    %add3A_457 = arith.constant 96 : i32
    %add3A_458 = arith.addi %mul3A_2, %add3A_457 : i32
    %dma_start3A_459 = arith.constant 0 : i32
    %dma_start3A_460 = arith.constant 0 : i32
    %dma_start3A_461 = arith.constant 0 : i32
    %dma_start3A_462 = arith.constant 0 : i32
    %dma_start3A_463 = tpu.memref_slice %arg10[%dma_start3A_459, %dma_start3A_461, %dma_start3A_462] : memref<3x16x2048xf32, #tpu.memory_space<vmem>> -> memref<1x16x2048xf32, #tpu.memory_space<vmem>>
    %dma_start3A_464 = tpu.memref_squeeze %dma_start3A_463 : memref<1x16x2048xf32, #tpu.memory_space<vmem>> -> memref<16x2048xf32, #tpu.memory_space<vmem>>
    %dma_start3A_465 = arith.constant 0 : i32
    %dma_start3A_466 = tpu.memref_slice %arg2[%add3A_458, %dma_start3A_465] : memref<4096x2048xf32, #tpu.memory_space<hbm>> -> memref<16x2048xf32, #tpu.memory_space<hbm>>
    %dma_start3A_467 = tpu.memref_slice %arg11[%dma_start3A_460] : memref<3x!tpu.dma_semaphore, #tpu.memory_space<semaphore_mem>> -> memref<1x!tpu.dma_semaphore, #tpu.memory_space<semaphore_mem>>
    %dma_start3A_468 = tpu.memref_squeeze %dma_start3A_467 : memref<1x!tpu.dma_semaphore, #tpu.memory_space<semaphore_mem>> -> memref<!tpu.dma_semaphore, #tpu.memory_space<semaphore_mem>>
    %dma_start3A_469 = arith.constant 0 : i32
    %dma_start3A_470 = arith.constant 0 : i32
    %dma_start3A_471 = tpu.memref_slice %arg10[%dma_start3A_459, %dma_start3A_469, %dma_start3A_470] : memref<3x16x2048xf32, #tpu.memory_space<vmem>> -> memref<1x16x2048xf32, #tpu.memory_space<vmem>>
    %dma_start3A_472 = tpu.memref_squeeze %dma_start3A_471 : memref<1x16x2048xf32, #tpu.memory_space<vmem>> -> memref<16x2048xf32, #tpu.memory_space<vmem>>
    %dma_start3A_473 = arith.constant 0 : i32
    %dma_start3A_474 = tpu.memref_slice %arg2[%add3A_458, %dma_start3A_473] : memref<4096x2048xf32, #tpu.memory_space<hbm>> -> memref<16x2048xf32, #tpu.memory_space<hbm>>
    tpu.enqueue_dma source(%dma_start3A_474 : memref<16x2048xf32, #tpu.memory_space<hbm>>) target(%dma_start3A_472 : memref<16x2048xf32, #tpu.memory_space<vmem>>) target_semaphore(%dma_start3A_468 : memref<!tpu.dma_semaphore, #tpu.memory_space<semaphore_mem>>)
    %dma_wait3A_475 = arith.constant 2 : i32
    %dma_wait3A_476 = arith.constant 2 : i32
    %dma_wait3A_477 = arith.constant 0 : i32
    %dma_wait3A_478 = arith.constant 0 : i32
    %dma_wait3A_479 = tpu.memref_slice %arg10[%dma_wait3A_475, %dma_wait3A_477, %dma_wait3A_478] : memref<3x16x2048xf32, #tpu.memory_space<vmem>> -> memref<1x16x2048xf32, #tpu.memory_space<vmem>>
    %dma_wait3A_480 = tpu.memref_squeeze %dma_wait3A_479 : memref<1x16x2048xf32, #tpu.memory_space<vmem>> -> memref<16x2048xf32, #tpu.memory_space<vmem>>
    %dma_wait3A_481 = arith.constant 0 : i32
    %dma_wait3A_482 = tpu.memref_slice %arg2[%add3A_386, %dma_wait3A_481] : memref<4096x2048xf32, #tpu.memory_space<hbm>> -> memref<16x2048xf32, #tpu.memory_space<hbm>>
    %dma_wait3A_483 = tpu.memref_slice %arg11[%dma_wait3A_476] : memref<3x!tpu.dma_semaphore, #tpu.memory_space<semaphore_mem>> -> memref<1x!tpu.dma_semaphore, #tpu.memory_space<semaphore_mem>>
    %dma_wait3A_484 = tpu.memref_squeeze %dma_wait3A_483 : memref<1x!tpu.dma_semaphore, #tpu.memory_space<semaphore_mem>> -> memref<!tpu.dma_semaphore, #tpu.memory_space<semaphore_mem>>
    %dma_wait3A_485 = arith.constant 0 : i32
    %dma_wait3A_486 = arith.constant 0 : i32
    %dma_wait3A_487 = tpu.memref_slice %arg10[%dma_wait3A_475, %dma_wait3A_485, %dma_wait3A_486] : memref<3x16x2048xf32, #tpu.memory_space<vmem>> -> memref<1x16x2048xf32, #tpu.memory_space<vmem>>
    %dma_wait3A_488 = tpu.memref_squeeze %dma_wait3A_487 : memref<1x16x2048xf32, #tpu.memory_space<vmem>> -> memref<16x2048xf32, #tpu.memory_space<vmem>>
    %dma_wait3A_489 = arith.constant 0 : i32
    %dma_wait3A_490 = tpu.memref_slice %arg2[%add3A_386, %dma_wait3A_489] : memref<4096x2048xf32, #tpu.memory_space<hbm>> -> memref<16x2048xf32, #tpu.memory_space<hbm>>
    tpu.wait_dma2 semaphore(%dma_wait3A_484 : memref<!tpu.dma_semaphore, #tpu.memory_space<semaphore_mem>>) src(%dma_wait3A_490 : memref<16x2048xf32, #tpu.memory_space<hbm>>) dst(%dma_wait3A_488 : memref<16x2048xf32, #tpu.memory_space<vmem>>)
    %parallel_loop3A_491 = arith.constant 0 : i32
    %parallel_loop3A_492 = arith.constant 32768 : i32
    %parallel_loop3A_493 = arith.constant 16 : i32
    %parallel_loop3A_494 = arith.constant 2 : i32
    scf.for %parallel_loop3A_671 = %parallel_loop3A_491 to %parallel_loop3A_492 step %parallel_loop3A_493  : i32 {
      %parallel_loop3A_672 = arith.constant 11 : i32
      %parallel_loop3A_673 = arith.shrui %parallel_loop3A_671, %parallel_loop3A_672 : i32
      %parallel_loop3A_674 = arith.constant 2047 : i32
      %parallel_loop3A_675 = arith.andi %parallel_loop3A_671, %parallel_loop3A_674 : i32
      %parallel_loop3A_676 = arith.constant 0 : i32
      %parallel_loop3A_677 = arith.constant 0 : i32
      %parallel_loop3A_678 = tpu.memref_slice %arg10[%parallel_loop3A_494, %parallel_loop3A_676, %parallel_loop3A_677] : memref<3x16x2048xf32, #tpu.memory_space<vmem>> -> memref<1x16x2048xf32, #tpu.memory_space<vmem>>
      %parallel_loop3A_679 = tpu.memref_squeeze %parallel_loop3A_678 : memref<1x16x2048xf32, #tpu.memory_space<vmem>> -> memref<16x2048xf32, #tpu.memory_space<vmem>>
      %parallel_loop3A_680 = arith.index_cast %parallel_loop3A_673 : i32 to index
      %parallel_loop3A_681 = arith.index_cast %parallel_loop3A_675 : i32 to index
      %parallel_loop3A_682 = tpu.vector_load %parallel_loop3A_679[%parallel_loop3A_680, %parallel_loop3A_681] {strides = array<i32>} : memref<16x2048xf32, #tpu.memory_space<vmem>>, vector<16xf32>,
      %parallel_loop3A_683 = arith.constant 4.900000e+00 : f32
      %parallel_loop3A_684 = vector.broadcast %parallel_loop3A_683 : f32 to vector<16xf32>
      %parallel_loop3A_685 = arith.mulf %parallel_loop3A_682, %parallel_loop3A_684 : vector<16xf32>
      %parallel_loop3A_686 = arith.constant 2.450000e+01 : f32
      %parallel_loop3A_687 = vector.broadcast %parallel_loop3A_686 : f32 to vector<16xf32>
      %parallel_loop3A_688 = arith.addf %parallel_loop3A_685, %parallel_loop3A_687 : vector<16xf32>
      %parallel_loop3A_689 = arith.constant 0.000000e+00 : f32
      %parallel_loop3A_690 = vector.broadcast %parallel_loop3A_689 : f32 to vector<16xf32>
      %parallel_loop3A_691 = arith.maximumf %parallel_loop3A_688, %parallel_loop3A_690 : vector<16xf32>
      %parallel_loop3A_692 = arith.constant 4.800000e+01 : f32
      %parallel_loop3A_693 = vector.broadcast %parallel_loop3A_692 : f32 to vector<16xf32>
      %parallel_loop3A_694 = arith.minimumf %parallel_loop3A_691, %parallel_loop3A_693 : vector<16xf32>
      %parallel_loop3A_695 = arith.fptosi %parallel_loop3A_694 : vector<16xf32> to vector<16xi32>
      %parallel_loop3A_696 = tpu.vector_load_idx %arg8[%parallel_loop3A_695] : memref<64xf32, #tpu.memory_space<vmem>>[vector<16xi32>], vector<16xf32>,
      %parallel_loop3A_697 = tpu.vector_load_idx %arg9[%parallel_loop3A_695] : memref<64xf32, #tpu.memory_space<vmem>>[vector<16xi32>], vector<16xf32>,
      %parallel_loop3A_698 = arith.mulf %parallel_loop3A_696, %parallel_loop3A_682 : vector<16xf32>
      %parallel_loop3A_699 = arith.addf %parallel_loop3A_697, %parallel_loop3A_698 : vector<16xf32>
      %parallel_loop3A_700 = arith.constant 0 : i32
      %parallel_loop3A_701 = arith.constant 0 : i32
      %parallel_loop3A_702 = tpu.memref_slice %arg10[%parallel_loop3A_494, %parallel_loop3A_700, %parallel_loop3A_701] : memref<3x16x2048xf32, #tpu.memory_space<vmem>> -> memref<1x16x2048xf32, #tpu.memory_space<vmem>>
      %parallel_loop3A_703 = tpu.memref_squeeze %parallel_loop3A_702 : memref<1x16x2048xf32, #tpu.memory_space<vmem>> -> memref<16x2048xf32, #tpu.memory_space<vmem>>
      %parallel_loop3A_704 = arith.index_cast %parallel_loop3A_673 : i32 to index
      %parallel_loop3A_705 = arith.index_cast %parallel_loop3A_675 : i32 to index
      %parallel_loop3A_706 = tpu.vector_load %parallel_loop3A_703[%parallel_loop3A_704, %parallel_loop3A_705] {strides = array<i32>} : memref<16x2048xf32, #tpu.memory_space<vmem>>, vector<16xf32>,
      tpu.vector_store %parallel_loop3A_703[%parallel_loop3A_704, %parallel_loop3A_705], %parallel_loop3A_699 {strides = array<i32>} : memref<16x2048xf32, #tpu.memory_space<vmem>>, vector<16xf32>,
    } {sc.loop_unroll_factor = 8 : i64, sc.parallel_access}
    %add3A_495 = arith.constant 80 : i32
    %add3A_496 = arith.addi %mul3A_2, %add3A_495 : i32
    %dma_start3A_497 = arith.constant 2 : i32
    %dma_start3A_498 = arith.constant 2 : i32
    %dma_start3A_499 = arith.constant 0 : i32
    %dma_start3A_500 = arith.constant 0 : i32
    %dma_start3A_501 = tpu.memref_slice %arg10[%dma_start3A_497, %dma_start3A_499, %dma_start3A_500] : memref<3x16x2048xf32, #tpu.memory_space<vmem>> -> memref<1x16x2048xf32, #tpu.memory_space<vmem>>
    %dma_start3A_502 = tpu.memref_squeeze %dma_start3A_501 : memref<1x16x2048xf32, #tpu.memory_space<vmem>> -> memref<16x2048xf32, #tpu.memory_space<vmem>>
    %dma_start3A_503 = arith.constant 0 : i32
    %dma_start3A_504 = tpu.memref_slice %arg5[%add3A_496, %dma_start3A_503] : memref<4096x2048xf32, #tpu.memory_space<hbm>> -> memref<16x2048xf32, #tpu.memory_space<hbm>>
    %dma_start3A_505 = tpu.memref_slice %arg12[%dma_start3A_498] : memref<3x!tpu.dma_semaphore, #tpu.memory_space<semaphore_mem>> -> memref<1x!tpu.dma_semaphore, #tpu.memory_space<semaphore_mem>>
    %dma_start3A_506 = tpu.memref_squeeze %dma_start3A_505 : memref<1x!tpu.dma_semaphore, #tpu.memory_space<semaphore_mem>> -> memref<!tpu.dma_semaphore, #tpu.memory_space<semaphore_mem>>
    %dma_start3A_507 = arith.constant 0 : i32
    %dma_start3A_508 = tpu.memref_slice %arg5[%add3A_496, %dma_start3A_507] : memref<4096x2048xf32, #tpu.memory_space<hbm>> -> memref<16x2048xf32, #tpu.memory_space<hbm>>
    %dma_start3A_509 = arith.constant 0 : i32
    %dma_start3A_510 = arith.constant 0 : i32
    %dma_start3A_511 = tpu.memref_slice %arg10[%dma_start3A_497, %dma_start3A_509, %dma_start3A_510] : memref<3x16x2048xf32, #tpu.memory_space<vmem>> -> memref<1x16x2048xf32, #tpu.memory_space<vmem>>
    %dma_start3A_512 = tpu.memref_squeeze %dma_start3A_511 : memref<1x16x2048xf32, #tpu.memory_space<vmem>> -> memref<16x2048xf32, #tpu.memory_space<vmem>>
    tpu.enqueue_dma source(%dma_start3A_512 : memref<16x2048xf32, #tpu.memory_space<vmem>>) target(%dma_start3A_508 : memref<16x2048xf32, #tpu.memory_space<hbm>>) target_semaphore(%dma_start3A_506 : memref<!tpu.dma_semaphore, #tpu.memory_space<semaphore_mem>>)
    %dma_wait3A_513 = arith.constant 1 : i32
    %dma_wait3A_514 = arith.constant 1 : i32
    %dma_wait3A_515 = arith.constant 0 : i32
    %dma_wait3A_516 = arith.constant 0 : i32
    %dma_wait3A_517 = tpu.memref_slice %arg10[%dma_wait3A_513, %dma_wait3A_515, %dma_wait3A_516] : memref<3x16x2048xf32, #tpu.memory_space<vmem>> -> memref<1x16x2048xf32, #tpu.memory_space<vmem>>
    %dma_wait3A_518 = tpu.memref_squeeze %dma_wait3A_517 : memref<1x16x2048xf32, #tpu.memory_space<vmem>> -> memref<16x2048xf32, #tpu.memory_space<vmem>>
    %dma_wait3A_519 = arith.constant 0 : i32
    %dma_wait3A_520 = tpu.memref_slice %arg5[%add3A_424, %dma_wait3A_519] : memref<4096x2048xf32, #tpu.memory_space<hbm>> -> memref<16x2048xf32, #tpu.memory_space<hbm>>
    %dma_wait3A_521 = tpu.memref_slice %arg12[%dma_wait3A_514] : memref<3x!tpu.dma_semaphore, #tpu.memory_space<semaphore_mem>> -> memref<1x!tpu.dma_semaphore, #tpu.memory_space<semaphore_mem>>
    %dma_wait3A_522 = tpu.memref_squeeze %dma_wait3A_521 : memref<1x!tpu.dma_semaphore, #tpu.memory_space<semaphore_mem>> -> memref<!tpu.dma_semaphore, #tpu.memory_space<semaphore_mem>>
    %dma_wait3A_523 = arith.constant 0 : i32
    %dma_wait3A_524 = tpu.memref_slice %arg5[%add3A_424, %dma_wait3A_523] : memref<4096x2048xf32, #tpu.memory_space<hbm>> -> memref<16x2048xf32, #tpu.memory_space<hbm>>
    %dma_wait3A_525 = arith.constant 0 : i32
    %dma_wait3A_526 = arith.constant 0 : i32
    %dma_wait3A_527 = tpu.memref_slice %arg10[%dma_wait3A_513, %dma_wait3A_525, %dma_wait3A_526] : memref<3x16x2048xf32, #tpu.memory_space<vmem>> -> memref<1x16x2048xf32, #tpu.memory_space<vmem>>
    %dma_wait3A_528 = tpu.memref_squeeze %dma_wait3A_527 : memref<1x16x2048xf32, #tpu.memory_space<vmem>> -> memref<16x2048xf32, #tpu.memory_space<vmem>>
    tpu.wait_dma2 semaphore(%dma_wait3A_522 : memref<!tpu.dma_semaphore, #tpu.memory_space<semaphore_mem>>) src(%dma_wait3A_528 : memref<16x2048xf32, #tpu.memory_space<vmem>>) dst(%dma_wait3A_524 : memref<16x2048xf32, #tpu.memory_space<hbm>>)
    %add3A_529 = arith.constant 112 : i32
    %add3A_530 = arith.addi %mul3A_2, %add3A_529 : i32
    %dma_start3A_531 = arith.constant 1 : i32
    %dma_start3A_532 = arith.constant 1 : i32
    %dma_start3A_533 = arith.constant 0 : i32
    %dma_start3A_534 = arith.constant 0 : i32
    %dma_start3A_535 = tpu.memref_slice %arg10[%dma_start3A_531, %dma_start3A_533, %dma_start3A_534] : memref<3x16x2048xf32, #tpu.memory_space<vmem>> -> memref<1x16x2048xf32, #tpu.memory_space<vmem>>
    %dma_start3A_536 = tpu.memref_squeeze %dma_start3A_535 : memref<1x16x2048xf32, #tpu.memory_space<vmem>> -> memref<16x2048xf32, #tpu.memory_space<vmem>>
    %dma_start3A_537 = arith.constant 0 : i32
    %dma_start3A_538 = tpu.memref_slice %arg2[%add3A_530, %dma_start3A_537] : memref<4096x2048xf32, #tpu.memory_space<hbm>> -> memref<16x2048xf32, #tpu.memory_space<hbm>>
    %dma_start3A_539 = tpu.memref_slice %arg11[%dma_start3A_532] : memref<3x!tpu.dma_semaphore, #tpu.memory_space<semaphore_mem>> -> memref<1x!tpu.dma_semaphore, #tpu.memory_space<semaphore_mem>>
    %dma_start3A_540 = tpu.memref_squeeze %dma_start3A_539 : memref<1x!tpu.dma_semaphore, #tpu.memory_space<semaphore_mem>> -> memref<!tpu.dma_semaphore, #tpu.memory_space<semaphore_mem>>
    %dma_start3A_541 = arith.constant 0 : i32
    %dma_start3A_542 = arith.constant 0 : i32
    %dma_start3A_543 = tpu.memref_slice %arg10[%dma_start3A_531, %dma_start3A_541, %dma_start3A_542] : memref<3x16x2048xf32, #tpu.memory_space<vmem>> -> memref<1x16x2048xf32, #tpu.memory_space<vmem>>
    %dma_start3A_544 = tpu.memref_squeeze %dma_start3A_543 : memref<1x16x2048xf32, #tpu.memory_space<vmem>> -> memref<16x2048xf32, #tpu.memory_space<vmem>>
    %dma_start3A_545 = arith.constant 0 : i32
    %dma_start3A_546 = tpu.memref_slice %arg2[%add3A_530, %dma_start3A_545] : memref<4096x2048xf32, #tpu.memory_space<hbm>> -> memref<16x2048xf32, #tpu.memory_space<hbm>>
    tpu.enqueue_dma source(%dma_start3A_546 : memref<16x2048xf32, #tpu.memory_space<hbm>>) target(%dma_start3A_544 : memref<16x2048xf32, #tpu.memory_space<vmem>>) target_semaphore(%dma_start3A_540 : memref<!tpu.dma_semaphore, #tpu.memory_space<semaphore_mem>>)
    %dma_wait3A_547 = arith.constant 0 : i32
    %dma_wait3A_548 = arith.constant 0 : i32
    %dma_wait3A_549 = arith.constant 0 : i32
    %dma_wait3A_550 = arith.constant 0 : i32
    %dma_wait3A_551 = tpu.memref_slice %arg10[%dma_wait3A_547, %dma_wait3A_549, %dma_wait3A_550] : memref<3x16x2048xf32, #tpu.memory_space<vmem>> -> memref<1x16x2048xf32, #tpu.memory_space<vmem>>
    %dma_wait3A_552 = tpu.memref_squeeze %dma_wait3A_551 : memref<1x16x2048xf32, #tpu.memory_space<vmem>> -> memref<16x2048xf32, #tpu.memory_space<vmem>>
    %dma_wait3A_553 = arith.constant 0 : i32
    %dma_wait3A_554 = tpu.memref_slice %arg2[%add3A_458, %dma_wait3A_553] : memref<4096x2048xf32, #tpu.memory_space<hbm>> -> memref<16x2048xf32, #tpu.memory_space<hbm>>
    %dma_wait3A_555 = tpu.memref_slice %arg11[%dma_wait3A_548] : memref<3x!tpu.dma_semaphore, #tpu.memory_space<semaphore_mem>> -> memref<1x!tpu.dma_semaphore, #tpu.memory_space<semaphore_mem>>
    %dma_wait3A_556 = tpu.memref_squeeze %dma_wait3A_555 : memref<1x!tpu.dma_semaphore, #tpu.memory_space<semaphore_mem>> -> memref<!tpu.dma_semaphore, #tpu.memory_space<semaphore_mem>>
    %dma_wait3A_557 = arith.constant 0 : i32
    %dma_wait3A_558 = arith.constant 0 : i32
    %dma_wait3A_559 = tpu.memref_slice %arg10[%dma_wait3A_547, %dma_wait3A_557, %dma_wait3A_558] : memref<3x16x2048xf32, #tpu.memory_space<vmem>> -> memref<1x16x2048xf32, #tpu.memory_space<vmem>>
    %dma_wait3A_560 = tpu.memref_squeeze %dma_wait3A_559 : memref<1x16x2048xf32, #tpu.memory_space<vmem>> -> memref<16x2048xf32, #tpu.memory_space<vmem>>
    %dma_wait3A_561 = arith.constant 0 : i32
    %dma_wait3A_562 = tpu.memref_slice %arg2[%add3A_458, %dma_wait3A_561] : memref<4096x2048xf32, #tpu.memory_space<hbm>> -> memref<16x2048xf32, #tpu.memory_space<hbm>>
    tpu.wait_dma2 semaphore(%dma_wait3A_556 : memref<!tpu.dma_semaphore, #tpu.memory_space<semaphore_mem>>) src(%dma_wait3A_562 : memref<16x2048xf32, #tpu.memory_space<hbm>>) dst(%dma_wait3A_560 : memref<16x2048xf32, #tpu.memory_space<vmem>>)
    %parallel_loop3A_563 = arith.constant 0 : i32
    %parallel_loop3A_564 = arith.constant 32768 : i32
    %parallel_loop3A_565 = arith.constant 16 : i32
    %parallel_loop3A_566 = arith.constant 0 : i32
    scf.for %parallel_loop3A_671 = %parallel_loop3A_563 to %parallel_loop3A_564 step %parallel_loop3A_565  : i32 {
      %parallel_loop3A_672 = arith.constant 11 : i32
      %parallel_loop3A_673 = arith.shrui %parallel_loop3A_671, %parallel_loop3A_672 : i32
      %parallel_loop3A_674 = arith.constant 2047 : i32
      %parallel_loop3A_675 = arith.andi %parallel_loop3A_671, %parallel_loop3A_674 : i32
      %parallel_loop3A_676 = arith.constant 0 : i32
      %parallel_loop3A_677 = arith.constant 0 : i32
      %parallel_loop3A_678 = tpu.memref_slice %arg10[%parallel_loop3A_566, %parallel_loop3A_676, %parallel_loop3A_677] : memref<3x16x2048xf32, #tpu.memory_space<vmem>> -> memref<1x16x2048xf32, #tpu.memory_space<vmem>>
      %parallel_loop3A_679 = tpu.memref_squeeze %parallel_loop3A_678 : memref<1x16x2048xf32, #tpu.memory_space<vmem>> -> memref<16x2048xf32, #tpu.memory_space<vmem>>
      %parallel_loop3A_680 = arith.index_cast %parallel_loop3A_673 : i32 to index
      %parallel_loop3A_681 = arith.index_cast %parallel_loop3A_675 : i32 to index
      %parallel_loop3A_682 = tpu.vector_load %parallel_loop3A_679[%parallel_loop3A_680, %parallel_loop3A_681] {strides = array<i32>} : memref<16x2048xf32, #tpu.memory_space<vmem>>, vector<16xf32>,
      %parallel_loop3A_683 = arith.constant 4.900000e+00 : f32
      %parallel_loop3A_684 = vector.broadcast %parallel_loop3A_683 : f32 to vector<16xf32>
      %parallel_loop3A_685 = arith.mulf %parallel_loop3A_682, %parallel_loop3A_684 : vector<16xf32>
      %parallel_loop3A_686 = arith.constant 2.450000e+01 : f32
      %parallel_loop3A_687 = vector.broadcast %parallel_loop3A_686 : f32 to vector<16xf32>
      %parallel_loop3A_688 = arith.addf %parallel_loop3A_685, %parallel_loop3A_687 : vector<16xf32>
      %parallel_loop3A_689 = arith.constant 0.000000e+00 : f32
      %parallel_loop3A_690 = vector.broadcast %parallel_loop3A_689 : f32 to vector<16xf32>
      %parallel_loop3A_691 = arith.maximumf %parallel_loop3A_688, %parallel_loop3A_690 : vector<16xf32>
      %parallel_loop3A_692 = arith.constant 4.800000e+01 : f32
      %parallel_loop3A_693 = vector.broadcast %parallel_loop3A_692 : f32 to vector<16xf32>
      %parallel_loop3A_694 = arith.minimumf %parallel_loop3A_691, %parallel_loop3A_693 : vector<16xf32>
      %parallel_loop3A_695 = arith.fptosi %parallel_loop3A_694 : vector<16xf32> to vector<16xi32>
      %parallel_loop3A_696 = tpu.vector_load_idx %arg8[%parallel_loop3A_695] : memref<64xf32, #tpu.memory_space<vmem>>[vector<16xi32>], vector<16xf32>,
      %parallel_loop3A_697 = tpu.vector_load_idx %arg9[%parallel_loop3A_695] : memref<64xf32, #tpu.memory_space<vmem>>[vector<16xi32>], vector<16xf32>,
      %parallel_loop3A_698 = arith.mulf %parallel_loop3A_696, %parallel_loop3A_682 : vector<16xf32>
      %parallel_loop3A_699 = arith.addf %parallel_loop3A_697, %parallel_loop3A_698 : vector<16xf32>
      %parallel_loop3A_700 = arith.constant 0 : i32
      %parallel_loop3A_701 = arith.constant 0 : i32
      %parallel_loop3A_702 = tpu.memref_slice %arg10[%parallel_loop3A_566, %parallel_loop3A_700, %parallel_loop3A_701] : memref<3x16x2048xf32, #tpu.memory_space<vmem>> -> memref<1x16x2048xf32, #tpu.memory_space<vmem>>
      %parallel_loop3A_703 = tpu.memref_squeeze %parallel_loop3A_702 : memref<1x16x2048xf32, #tpu.memory_space<vmem>> -> memref<16x2048xf32, #tpu.memory_space<vmem>>
      %parallel_loop3A_704 = arith.index_cast %parallel_loop3A_673 : i32 to index
      %parallel_loop3A_705 = arith.index_cast %parallel_loop3A_675 : i32 to index
      %parallel_loop3A_706 = tpu.vector_load %parallel_loop3A_703[%parallel_loop3A_704, %parallel_loop3A_705] {strides = array<i32>} : memref<16x2048xf32, #tpu.memory_space<vmem>>, vector<16xf32>,
      tpu.vector_store %parallel_loop3A_703[%parallel_loop3A_704, %parallel_loop3A_705], %parallel_loop3A_699 {strides = array<i32>} : memref<16x2048xf32, #tpu.memory_space<vmem>>, vector<16xf32>,
    } {sc.loop_unroll_factor = 8 : i64, sc.parallel_access}
    %add3A_567 = arith.constant 96 : i32
    %add3A_568 = arith.addi %mul3A_2, %add3A_567 : i32
    %dma_start3A_569 = arith.constant 0 : i32
    %dma_start3A_570 = arith.constant 0 : i32
    %dma_start3A_571 = arith.constant 0 : i32
    %dma_start3A_572 = arith.constant 0 : i32
    %dma_start3A_573 = tpu.memref_slice %arg10[%dma_start3A_569, %dma_start3A_571, %dma_start3A_572] : memref<3x16x2048xf32, #tpu.memory_space<vmem>> -> memref<1x16x2048xf32, #tpu.memory_space<vmem>>
    %dma_start3A_574 = tpu.memref_squeeze %dma_start3A_573 : memref<1x16x2048xf32, #tpu.memory_space<vmem>> -> memref<16x2048xf32, #tpu.memory_space<vmem>>
    %dma_start3A_575 = arith.constant 0 : i32
    %dma_start3A_576 = tpu.memref_slice %arg5[%add3A_568, %dma_start3A_575] : memref<4096x2048xf32, #tpu.memory_space<hbm>> -> memref<16x2048xf32, #tpu.memory_space<hbm>>
    %dma_start3A_577 = tpu.memref_slice %arg12[%dma_start3A_570] : memref<3x!tpu.dma_semaphore, #tpu.memory_space<semaphore_mem>> -> memref<1x!tpu.dma_semaphore, #tpu.memory_space<semaphore_mem>>
    %dma_start3A_578 = tpu.memref_squeeze %dma_start3A_577 : memref<1x!tpu.dma_semaphore, #tpu.memory_space<semaphore_mem>> -> memref<!tpu.dma_semaphore, #tpu.memory_space<semaphore_mem>>
    %dma_start3A_579 = arith.constant 0 : i32
    %dma_start3A_580 = tpu.memref_slice %arg5[%add3A_568, %dma_start3A_579] : memref<4096x2048xf32, #tpu.memory_space<hbm>> -> memref<16x2048xf32, #tpu.memory_space<hbm>>
    %dma_start3A_581 = arith.constant 0 : i32
    %dma_start3A_582 = arith.constant 0 : i32
    %dma_start3A_583 = tpu.memref_slice %arg10[%dma_start3A_569, %dma_start3A_581, %dma_start3A_582] : memref<3x16x2048xf32, #tpu.memory_space<vmem>> -> memref<1x16x2048xf32, #tpu.memory_space<vmem>>
    %dma_start3A_584 = tpu.memref_squeeze %dma_start3A_583 : memref<1x16x2048xf32, #tpu.memory_space<vmem>> -> memref<16x2048xf32, #tpu.memory_space<vmem>>
    tpu.enqueue_dma source(%dma_start3A_584 : memref<16x2048xf32, #tpu.memory_space<vmem>>) target(%dma_start3A_580 : memref<16x2048xf32, #tpu.memory_space<hbm>>) target_semaphore(%dma_start3A_578 : memref<!tpu.dma_semaphore, #tpu.memory_space<semaphore_mem>>)
    %dma_wait3A_585 = arith.constant 1 : i32
    %dma_wait3A_586 = arith.constant 1 : i32
    %dma_wait3A_587 = arith.constant 0 : i32
    %dma_wait3A_588 = arith.constant 0 : i32
    %dma_wait3A_589 = tpu.memref_slice %arg10[%dma_wait3A_585, %dma_wait3A_587, %dma_wait3A_588] : memref<3x16x2048xf32, #tpu.memory_space<vmem>> -> memref<1x16x2048xf32, #tpu.memory_space<vmem>>
    %dma_wait3A_590 = tpu.memref_squeeze %dma_wait3A_589 : memref<1x16x2048xf32, #tpu.memory_space<vmem>> -> memref<16x2048xf32, #tpu.memory_space<vmem>>
    %dma_wait3A_591 = arith.constant 0 : i32
    %dma_wait3A_592 = tpu.memref_slice %arg2[%add3A_530, %dma_wait3A_591] : memref<4096x2048xf32, #tpu.memory_space<hbm>> -> memref<16x2048xf32, #tpu.memory_space<hbm>>
    %dma_wait3A_593 = tpu.memref_slice %arg11[%dma_wait3A_586] : memref<3x!tpu.dma_semaphore, #tpu.memory_space<semaphore_mem>> -> memref<1x!tpu.dma_semaphore, #tpu.memory_space<semaphore_mem>>
    %dma_wait3A_594 = tpu.memref_squeeze %dma_wait3A_593 : memref<1x!tpu.dma_semaphore, #tpu.memory_space<semaphore_mem>> -> memref<!tpu.dma_semaphore, #tpu.memory_space<semaphore_mem>>
    %dma_wait3A_595 = arith.constant 0 : i32
    %dma_wait3A_596 = arith.constant 0 : i32
    %dma_wait3A_597 = tpu.memref_slice %arg10[%dma_wait3A_585, %dma_wait3A_595, %dma_wait3A_596] : memref<3x16x2048xf32, #tpu.memory_space<vmem>> -> memref<1x16x2048xf32, #tpu.memory_space<vmem>>
    %dma_wait3A_598 = tpu.memref_squeeze %dma_wait3A_597 : memref<1x16x2048xf32, #tpu.memory_space<vmem>> -> memref<16x2048xf32, #tpu.memory_space<vmem>>
    %dma_wait3A_599 = arith.constant 0 : i32
    %dma_wait3A_600 = tpu.memref_slice %arg2[%add3A_530, %dma_wait3A_599] : memref<4096x2048xf32, #tpu.memory_space<hbm>> -> memref<16x2048xf32, #tpu.memory_space<hbm>>
    tpu.wait_dma2 semaphore(%dma_wait3A_594 : memref<!tpu.dma_semaphore, #tpu.memory_space<semaphore_mem>>) src(%dma_wait3A_600 : memref<16x2048xf32, #tpu.memory_space<hbm>>) dst(%dma_wait3A_598 : memref<16x2048xf32, #tpu.memory_space<vmem>>)
    %parallel_loop3A_601 = arith.constant 0 : i32
    %parallel_loop3A_602 = arith.constant 32768 : i32
    %parallel_loop3A_603 = arith.constant 16 : i32
    %parallel_loop3A_604 = arith.constant 1 : i32
    scf.for %parallel_loop3A_671 = %parallel_loop3A_601 to %parallel_loop3A_602 step %parallel_loop3A_603  : i32 {
      %parallel_loop3A_672 = arith.constant 11 : i32
      %parallel_loop3A_673 = arith.shrui %parallel_loop3A_671, %parallel_loop3A_672 : i32
      %parallel_loop3A_674 = arith.constant 2047 : i32
      %parallel_loop3A_675 = arith.andi %parallel_loop3A_671, %parallel_loop3A_674 : i32
      %parallel_loop3A_676 = arith.constant 0 : i32
      %parallel_loop3A_677 = arith.constant 0 : i32
      %parallel_loop3A_678 = tpu.memref_slice %arg10[%parallel_loop3A_604, %parallel_loop3A_676, %parallel_loop3A_677] : memref<3x16x2048xf32, #tpu.memory_space<vmem>> -> memref<1x16x2048xf32, #tpu.memory_space<vmem>>
      %parallel_loop3A_679 = tpu.memref_squeeze %parallel_loop3A_678 : memref<1x16x2048xf32, #tpu.memory_space<vmem>> -> memref<16x2048xf32, #tpu.memory_space<vmem>>
      %parallel_loop3A_680 = arith.index_cast %parallel_loop3A_673 : i32 to index
      %parallel_loop3A_681 = arith.index_cast %parallel_loop3A_675 : i32 to index
      %parallel_loop3A_682 = tpu.vector_load %parallel_loop3A_679[%parallel_loop3A_680, %parallel_loop3A_681] {strides = array<i32>} : memref<16x2048xf32, #tpu.memory_space<vmem>>, vector<16xf32>,
      %parallel_loop3A_683 = arith.constant 4.900000e+00 : f32
      %parallel_loop3A_684 = vector.broadcast %parallel_loop3A_683 : f32 to vector<16xf32>
      %parallel_loop3A_685 = arith.mulf %parallel_loop3A_682, %parallel_loop3A_684 : vector<16xf32>
      %parallel_loop3A_686 = arith.constant 2.450000e+01 : f32
      %parallel_loop3A_687 = vector.broadcast %parallel_loop3A_686 : f32 to vector<16xf32>
      %parallel_loop3A_688 = arith.addf %parallel_loop3A_685, %parallel_loop3A_687 : vector<16xf32>
      %parallel_loop3A_689 = arith.constant 0.000000e+00 : f32
      %parallel_loop3A_690 = vector.broadcast %parallel_loop3A_689 : f32 to vector<16xf32>
      %parallel_loop3A_691 = arith.maximumf %parallel_loop3A_688, %parallel_loop3A_690 : vector<16xf32>
      %parallel_loop3A_692 = arith.constant 4.800000e+01 : f32
      %parallel_loop3A_693 = vector.broadcast %parallel_loop3A_692 : f32 to vector<16xf32>
      %parallel_loop3A_694 = arith.minimumf %parallel_loop3A_691, %parallel_loop3A_693 : vector<16xf32>
      %parallel_loop3A_695 = arith.fptosi %parallel_loop3A_694 : vector<16xf32> to vector<16xi32>
      %parallel_loop3A_696 = tpu.vector_load_idx %arg8[%parallel_loop3A_695] : memref<64xf32, #tpu.memory_space<vmem>>[vector<16xi32>], vector<16xf32>,
      %parallel_loop3A_697 = tpu.vector_load_idx %arg9[%parallel_loop3A_695] : memref<64xf32, #tpu.memory_space<vmem>>[vector<16xi32>], vector<16xf32>,
      %parallel_loop3A_698 = arith.mulf %parallel_loop3A_696, %parallel_loop3A_682 : vector<16xf32>
      %parallel_loop3A_699 = arith.addf %parallel_loop3A_697, %parallel_loop3A_698 : vector<16xf32>
      %parallel_loop3A_700 = arith.constant 0 : i32
      %parallel_loop3A_701 = arith.constant 0 : i32
      %parallel_loop3A_702 = tpu.memref_slice %arg10[%parallel_loop3A_604, %parallel_loop3A_700, %parallel_loop3A_701] : memref<3x16x2048xf32, #tpu.memory_space<vmem>> -> memref<1x16x2048xf32, #tpu.memory_space<vmem>>
      %parallel_loop3A_703 = tpu.memref_squeeze %parallel_loop3A_702 : memref<1x16x2048xf32, #tpu.memory_space<vmem>> -> memref<16x2048xf32, #tpu.memory_space<vmem>>
      %parallel_loop3A_704 = arith.index_cast %parallel_loop3A_673 : i32 to index
      %parallel_loop3A_705 = arith.index_cast %parallel_loop3A_675 : i32 to index
      %parallel_loop3A_706 = tpu.vector_load %parallel_loop3A_703[%parallel_loop3A_704, %parallel_loop3A_705] {strides = array<i32>} : memref<16x2048xf32, #tpu.memory_space<vmem>>, vector<16xf32>,
      tpu.vector_store %parallel_loop3A_703[%parallel_loop3A_704, %parallel_loop3A_705], %parallel_loop3A_699 {strides = array<i32>} : memref<16x2048xf32, #tpu.memory_space<vmem>>, vector<16xf32>,
    } {sc.loop_unroll_factor = 8 : i64, sc.parallel_access}
    %add3A_605 = arith.constant 112 : i32
    %add3A_606 = arith.addi %mul3A_2, %add3A_605 : i32
    %dma_start3A_607 = arith.constant 1 : i32
    %dma_start3A_608 = arith.constant 1 : i32
    %dma_start3A_609 = arith.constant 0 : i32
    %dma_start3A_610 = arith.constant 0 : i32
    %dma_start3A_611 = tpu.memref_slice %arg10[%dma_start3A_607, %dma_start3A_609, %dma_start3A_610] : memref<3x16x2048xf32, #tpu.memory_space<vmem>> -> memref<1x16x2048xf32, #tpu.memory_space<vmem>>
    %dma_start3A_612 = tpu.memref_squeeze %dma_start3A_611 : memref<1x16x2048xf32, #tpu.memory_space<vmem>> -> memref<16x2048xf32, #tpu.memory_space<vmem>>
    %dma_start3A_613 = arith.constant 0 : i32
    %dma_start3A_614 = tpu.memref_slice %arg5[%add3A_606, %dma_start3A_613] : memref<4096x2048xf32, #tpu.memory_space<hbm>> -> memref<16x2048xf32, #tpu.memory_space<hbm>>
    %dma_start3A_615 = tpu.memref_slice %arg12[%dma_start3A_608] : memref<3x!tpu.dma_semaphore, #tpu.memory_space<semaphore_mem>> -> memref<1x!tpu.dma_semaphore, #tpu.memory_space<semaphore_mem>>
    %dma_start3A_616 = tpu.memref_squeeze %dma_start3A_615 : memref<1x!tpu.dma_semaphore, #tpu.memory_space<semaphore_mem>> -> memref<!tpu.dma_semaphore, #tpu.memory_space<semaphore_mem>>
    %dma_start3A_617 = arith.constant 0 : i32
    %dma_start3A_618 = tpu.memref_slice %arg5[%add3A_606, %dma_start3A_617] : memref<4096x2048xf32, #tpu.memory_space<hbm>> -> memref<16x2048xf32, #tpu.memory_space<hbm>>
    %dma_start3A_619 = arith.constant 0 : i32
    %dma_start3A_620 = arith.constant 0 : i32
    %dma_start3A_621 = tpu.memref_slice %arg10[%dma_start3A_607, %dma_start3A_619, %dma_start3A_620] : memref<3x16x2048xf32, #tpu.memory_space<vmem>> -> memref<1x16x2048xf32, #tpu.memory_space<vmem>>
    %dma_start3A_622 = tpu.memref_squeeze %dma_start3A_621 : memref<1x16x2048xf32, #tpu.memory_space<vmem>> -> memref<16x2048xf32, #tpu.memory_space<vmem>>
    tpu.enqueue_dma source(%dma_start3A_622 : memref<16x2048xf32, #tpu.memory_space<vmem>>) target(%dma_start3A_618 : memref<16x2048xf32, #tpu.memory_space<hbm>>) target_semaphore(%dma_start3A_616 : memref<!tpu.dma_semaphore, #tpu.memory_space<semaphore_mem>>)
    %dma_wait3A_623 = arith.constant 2 : i32
    %dma_wait3A_624 = arith.constant 2 : i32
    %dma_wait3A_625 = arith.constant 0 : i32
    %dma_wait3A_626 = arith.constant 0 : i32
    %dma_wait3A_627 = tpu.memref_slice %arg10[%dma_wait3A_623, %dma_wait3A_625, %dma_wait3A_626] : memref<3x16x2048xf32, #tpu.memory_space<vmem>> -> memref<1x16x2048xf32, #tpu.memory_space<vmem>>
    %dma_wait3A_628 = tpu.memref_squeeze %dma_wait3A_627 : memref<1x16x2048xf32, #tpu.memory_space<vmem>> -> memref<16x2048xf32, #tpu.memory_space<vmem>>
    %dma_wait3A_629 = arith.constant 0 : i32
    %dma_wait3A_630 = tpu.memref_slice %arg5[%add3A_496, %dma_wait3A_629] : memref<4096x2048xf32, #tpu.memory_space<hbm>> -> memref<16x2048xf32, #tpu.memory_space<hbm>>
    %dma_wait3A_631 = tpu.memref_slice %arg12[%dma_wait3A_624] : memref<3x!tpu.dma_semaphore, #tpu.memory_space<semaphore_mem>> -> memref<1x!tpu.dma_semaphore, #tpu.memory_space<semaphore_mem>>
    %dma_wait3A_632 = tpu.memref_squeeze %dma_wait3A_631 : memref<1x!tpu.dma_semaphore, #tpu.memory_space<semaphore_mem>> -> memref<!tpu.dma_semaphore, #tpu.memory_space<semaphore_mem>>
    %dma_wait3A_633 = arith.constant 0 : i32
    %dma_wait3A_634 = tpu.memref_slice %arg5[%add3A_496, %dma_wait3A_633] : memref<4096x2048xf32, #tpu.memory_space<hbm>> -> memref<16x2048xf32, #tpu.memory_space<hbm>>
    %dma_wait3A_635 = arith.constant 0 : i32
    %dma_wait3A_636 = arith.constant 0 : i32
    %dma_wait3A_637 = tpu.memref_slice %arg10[%dma_wait3A_623, %dma_wait3A_635, %dma_wait3A_636] : memref<3x16x2048xf32, #tpu.memory_space<vmem>> -> memref<1x16x2048xf32, #tpu.memory_space<vmem>>
    %dma_wait3A_638 = tpu.memref_squeeze %dma_wait3A_637 : memref<1x16x2048xf32, #tpu.memory_space<vmem>> -> memref<16x2048xf32, #tpu.memory_space<vmem>>
    tpu.wait_dma2 semaphore(%dma_wait3A_632 : memref<!tpu.dma_semaphore, #tpu.memory_space<semaphore_mem>>) src(%dma_wait3A_638 : memref<16x2048xf32, #tpu.memory_space<vmem>>) dst(%dma_wait3A_634 : memref<16x2048xf32, #tpu.memory_space<hbm>>)
    %dma_wait3A_639 = arith.constant 0 : i32
    %dma_wait3A_640 = arith.constant 0 : i32
    %dma_wait3A_641 = arith.constant 0 : i32
    %dma_wait3A_642 = arith.constant 0 : i32
    %dma_wait3A_643 = tpu.memref_slice %arg10[%dma_wait3A_639, %dma_wait3A_641, %dma_wait3A_642] : memref<3x16x2048xf32, #tpu.memory_space<vmem>> -> memref<1x16x2048xf32, #tpu.memory_space<vmem>>
    %dma_wait3A_644 = tpu.memref_squeeze %dma_wait3A_643 : memref<1x16x2048xf32, #tpu.memory_space<vmem>> -> memref<16x2048xf32, #tpu.memory_space<vmem>>
    %dma_wait3A_645 = arith.constant 0 : i32
    %dma_wait3A_646 = tpu.memref_slice %arg5[%add3A_568, %dma_wait3A_645] : memref<4096x2048xf32, #tpu.memory_space<hbm>> -> memref<16x2048xf32, #tpu.memory_space<hbm>>
    %dma_wait3A_647 = tpu.memref_slice %arg12[%dma_wait3A_640] : memref<3x!tpu.dma_semaphore, #tpu.memory_space<semaphore_mem>> -> memref<1x!tpu.dma_semaphore, #tpu.memory_space<semaphore_mem>>
    %dma_wait3A_648 = tpu.memref_squeeze %dma_wait3A_647 : memref<1x!tpu.dma_semaphore, #tpu.memory_space<semaphore_mem>> -> memref<!tpu.dma_semaphore, #tpu.memory_space<semaphore_mem>>
    %dma_wait3A_649 = arith.constant 0 : i32
    %dma_wait3A_650 = tpu.memref_slice %arg5[%add3A_568, %dma_wait3A_649] : memref<4096x2048xf32, #tpu.memory_space<hbm>> -> memref<16x2048xf32, #tpu.memory_space<hbm>>
    %dma_wait3A_651 = arith.constant 0 : i32
    %dma_wait3A_652 = arith.constant 0 : i32
    %dma_wait3A_653 = tpu.memref_slice %arg10[%dma_wait3A_639, %dma_wait3A_651, %dma_wait3A_652] : memref<3x16x2048xf32, #tpu.memory_space<vmem>> -> memref<1x16x2048xf32, #tpu.memory_space<vmem>>
    %dma_wait3A_654 = tpu.memref_squeeze %dma_wait3A_653 : memref<1x16x2048xf32, #tpu.memory_space<vmem>> -> memref<16x2048xf32, #tpu.memory_space<vmem>>
    tpu.wait_dma2 semaphore(%dma_wait3A_648 : memref<!tpu.dma_semaphore, #tpu.memory_space<semaphore_mem>>) src(%dma_wait3A_654 : memref<16x2048xf32, #tpu.memory_space<vmem>>) dst(%dma_wait3A_650 : memref<16x2048xf32, #tpu.memory_space<hbm>>)
    %dma_wait3A_655 = arith.constant 1 : i32
    %dma_wait3A_656 = arith.constant 1 : i32
    %dma_wait3A_657 = arith.constant 0 : i32
    %dma_wait3A_658 = arith.constant 0 : i32
    %dma_wait3A_659 = tpu.memref_slice %arg10[%dma_wait3A_655, %dma_wait3A_657, %dma_wait3A_658] : memref<3x16x2048xf32, #tpu.memory_space<vmem>> -> memref<1x16x2048xf32, #tpu.memory_space<vmem>>
    %dma_wait3A_660 = tpu.memref_squeeze %dma_wait3A_659 : memref<1x16x2048xf32, #tpu.memory_space<vmem>> -> memref<16x2048xf32, #tpu.memory_space<vmem>>
    %dma_wait3A_661 = arith.constant 0 : i32
    %dma_wait3A_662 = tpu.memref_slice %arg5[%add3A_606, %dma_wait3A_661] : memref<4096x2048xf32, #tpu.memory_space<hbm>> -> memref<16x2048xf32, #tpu.memory_space<hbm>>
    %dma_wait3A_663 = tpu.memref_slice %arg12[%dma_wait3A_656] : memref<3x!tpu.dma_semaphore, #tpu.memory_space<semaphore_mem>> -> memref<1x!tpu.dma_semaphore, #tpu.memory_space<semaphore_mem>>
    %dma_wait3A_664 = tpu.memref_squeeze %dma_wait3A_663 : memref<1x!tpu.dma_semaphore, #tpu.memory_space<semaphore_mem>> -> memref<!tpu.dma_semaphore, #tpu.memory_space<semaphore_mem>>
    %dma_wait3A_665 = arith.constant 0 : i32
    %dma_wait3A_666 = tpu.memref_slice %arg5[%add3A_606, %dma_wait3A_665] : memref<4096x2048xf32, #tpu.memory_space<hbm>> -> memref<16x2048xf32, #tpu.memory_space<hbm>>
    %dma_wait3A_667 = arith.constant 0 : i32
    %dma_wait3A_668 = arith.constant 0 : i32
    %dma_wait3A_669 = tpu.memref_slice %arg10[%dma_wait3A_655, %dma_wait3A_667, %dma_wait3A_668] : memref<3x16x2048xf32, #tpu.memory_space<vmem>> -> memref<1x16x2048xf32, #tpu.memory_space<vmem>>
    %dma_wait3A_670 = tpu.memref_squeeze %dma_wait3A_669 : memref<1x16x2048xf32, #tpu.memory_space<vmem>> -> memref<16x2048xf32, #tpu.memory_space<vmem>>
    tpu.wait_dma2 semaphore(%dma_wait3A_664 : memref<!tpu.dma_semaphore, #tpu.memory_space<semaphore_mem>>) src(%dma_wait3A_670 : memref<16x2048xf32, #tpu.memory_space<vmem>>) dst(%dma_wait3A_666 : memref<16x2048xf32, #tpu.memory_space<hbm>>)
    return
  }
}

</mosaic_0001>

<sc_bundles>
// kernel: kernel.3.cloned.1.call-start
scs
__scs_entry_jumppad:
0x0: {  	(pc) =	sbr.rel $0x88, $3  }
0x1: {  	(tag) =	ssettag $0x0;
	lr =	simm.s32 $0x1  }
0x2: {  	[smem:$0x3F9E] =	sst lr;
	_ =	strace $0xD0000000  }
0x3: {  	_ = 	snop  }
0x4: {  	_ = 	snop  }
0x5: {  	_ = 	snop  }
0x6: {  	_ = 	snop  }
0x7: {  	_ = 	snop  }
__scs_overlays_trampoline_lowered:
0x8: {  	[smem:$0x3FAD] =	sst s0  }
0x9: {  	[smem:$0x3FAE] =	sst s1  }
0xa: {  	[smem:$0x3FAF] =	sst s2  }
0xb: {  	[smem:$0x3FB0] =	sst s3  }
0xc: {  	[smem:$0x3FB1] =	sst s4  }
0xd: {  	[smem:$0x3FB2] =	sst s5  }
0xe: {  	[smem:$0x3FB3] =	sst s6  }
0xf: {  	[smem:$0x3FB4] =	sst s7  }
0x10: {  	[smem:$0x3FB5] =	sst s8  }
0x11: {  	[smem:$0x3FB6] =	sst s9;
	s0 =	simm.s32 @!p0 $0x0  }
0x12: {  	s1 =	sld [smem:$0x3F9C];
	s0 =	simm.s32 @p0 $0x1  }
0x13: {  	[smem:$0x3FB7] =	sst s0;
	s0 =	simm.s32 @!p1 $0x0  }
0x14: {  	s2 =	sld [smem:$0x3F9B];
	s0 =	simm.s32 @p1 $0x1  }
0x15: {  	[smem:$0x3FB8] =	sst s0;
	s0 =	simm.s32 @!p2 $0x0  }
0x16: {  	s3 =	sld [smem:$0x3FDB];
	s0 =	simm.s32 @p2 $0x1  }
0x17: {  	s4 =	simm.s32 $0x1BF5;
	[smem:$0x3FBA] =	sst s0  }
0x18: {  	s0 =	sld [smem:$0x3F9D];
	_ =	swait.ge [sflag:s4], $0x0  }
0x19: {  	s7 =	sld [smem:$0x3F9E]  }
0x1a: {  	s8 =	sadd.s32 $0xFFFFE003, lr  }
0x1b: {  	s9 =	sadd.s32 $0xFFFFFEF7, lr;
	s5 =	simm.s32 $0xFFFFFFFF;
	p2 =	slt.u32 s8, $0xFFFFF086  }
0x1c: {  	p1 =	slt.u32 s9, $0xF7A;
	s5 =	simm.s32 @!p2 $0x0  }
0x1d: {  	s5 =	simm.s32 @p1 $0x1;
	p0 =	seq.s32 s7, s2  }
0x1e: {  	s7 =	smul.u32 @!p0 $0xF7A, s2;
	p2 =	seq.s32 @!p0 s5, $0x0  }
0x1f: {  	s9 =	smul.u32 $0xF7A, s1;
	s8 =	simm.s32 @!p0 $0x1BF5;
	p2 =	por !p2, p0  }
0x20: {  	[sflag:s8] =	ssyncset.s32 @!p0 $0xFFFFF086;
	s6 =	sadd.s32 @!p0 s3, s7;
	s7 =	simm.s32 @!p0 $0x108  }
0x21: {  	s3 =	sadd.s32 s3, s9;
	s6 =	sadd.s32 @!p0 $0x88, s6;
	s7 =	simm.s32 @p2 $0x1082  }
0x22: {  	[simem:s7], [sflag:s8] =	dma.local @!p0 [hbm:s6], $0xF7A  }
0x23: {  	s9 =	sor.u32 $0xD0000000, s2;
	s6 =	simm.s32 $0x108;
	_ =	swait.ge @!p0 [sflag:s8], $0x0  }
0x24: {  	s3 =	sadd.s32 $0x88, s3;
	s6 =	simm.s32 @!p1 $0x1082;
	[sflag:s4] =	ssyncset.s32 $0xFFFFF086  }
0x25: {  	[simem:s6], [sflag:s4] =	dma.local [hbm:s3], $0xF7A  }
0x26: {  	[smem:$0x3F9E] =	sst s1;
	(tag) =	ssettag s2;
	_ =	strace s9  }
0x27: {  	s1 =	sld [smem:$0x3FAE]  }
0x28: {  	s2 =	sld [smem:$0x3FAF]  }
0x29: {  	s4 =	sld [smem:$0x3FB1]  }
0x2a: {  	p0 =	seq.s32 s5, $0x0;
	s5 =	sld [smem:$0x3FB2]  }
0x2b: {  	s6 =	sld [smem:$0x3FB3]  }
0x2c: {  	s7 =	sld [smem:$0x3FB4]  }
0x2d: {  	s3 =	simm.s32 $0x108;
	s8 =	sld [smem:$0x3FB5]  }
0x2e: {  	s3 =	simm.s32 @!p0 $0x1082;
	s9 =	sld [smem:$0x3FB6]  }
0x2f: {  	lr =	sadd.s32 s0, s3;
	s0 =	sld [smem:$0x3FAD]  }
0x30: {  	s3 =	sld [smem:$0x3FB0]  }
0x31: {  	[smem:$0x3FB9] =	sst s10  }
0x32: {  	s10 =	sld [smem:$0x3FB7];
	_ =	sdelay $0x3  }
0x33: {  	p0 =	seq.s32 s10, $0x1;
	s10 =	sld [smem:$0x3FB9];
	_ =	sdelay $0x3  }
0x34: {  	[smem:$0x3FB9] =	sst s10  }
0x35: {  	s10 =	sld [smem:$0x3FB8];
	_ =	sdelay $0x3  }
0x36: {  	p1 =	seq.s32 s10, $0x1;
	s10 =	sld [smem:$0x3FB9];
	_ =	sdelay $0x3  }
0x37: {  	[smem:$0x3FB9] =	sst s10  }
0x38: {  	s10 =	sld [smem:$0x3FBA]  }
0x39: {  	_ = 	snop;
	(pc) =	sbr.ind lr, $3  }
0x3a: {  	_ = 	snop  }
0x3b: {  	_ = 	snop  }
0x3c: {  	p2 =	seq.s32 s10, $0x1;
	s10 =	sld [smem:$0x3FB9]  }
0x3d: {  	_ =	shalt  }
0x3e: {  	_ =	shalt  }
0x3f: {  	_ =	shalt  }
0x40: {  	_ =	shalt  }
0x41: {  	_ =	shalt  }
0x42: {  	_ =	shalt  }
0x43: {  	_ =	shalt  }
0x44: {  	_ =	shalt  }
0x45: {  	_ =	shalt  }
0x46: {  	_ =	shalt  }
0x47: {  	_ =	shalt  }
0x48: {  	_ =	shalt  }
0x49: {  	_ =	shalt  }
0x4a: {  	_ =	shalt  }
0x4b: {  	_ =	shalt  }
0x4c: {  	_ =	shalt  }
0x4d: {  	_ =	shalt  }
0x4e: {  	_ =	shalt  }
0x4f: {  	_ =	shalt  }
0x50: {  	_ =	shalt  }
0x51: {  	_ =	shalt  }
0x52: {  	_ =	shalt  }
0x53: {  	_ =	shalt  }
0x54: {  	_ =	shalt  }
0x55: {  	_ =	shalt  }
0x56: {  	_ =	shalt  }
0x57: {  	_ =	shalt  }
0x58: {  	_ =	shalt  }
0x59: {  	_ =	shalt  }
0x5a: {  	_ =	shalt  }
0x5b: {  	_ =	shalt  }
0x5c: {  	_ =	shalt  }
0x5d: {  	_ =	shalt  }
0x5e: {  	_ =	shalt  }
0x5f: {  	_ =	shalt  }
0x60: {  	_ =	shalt  }
0x61: {  	_ =	shalt  }
0x62: {  	_ =	shalt  }
0x63: {  	_ =	shalt  }
0x64: {  	_ =	shalt  }
0x65: {  	_ =	shalt  }
0x66: {  	_ =	shalt  }
0x67: {  	_ =	shalt  }
0x68: {  	_ =	shalt  }
0x69: {  	_ =	shalt  }
0x6a: {  	_ =	shalt  }
0x6b: {  	_ =	shalt  }
0x6c: {  	_ =	shalt  }
0x6d: {  	_ =	shalt  }
0x6e: {  	_ =	shalt  }
0x6f: {  	_ =	shalt  }
0x70: {  	_ =	shalt  }
0x71: {  	_ =	shalt  }
0x72: {  	_ =	shalt  }
0x73: {  	_ =	shalt  }
0x74: {  	_ =	shalt  }
0x75: {  	_ =	shalt  }
0x76: {  	_ =	shalt  }
0x77: {  	_ =	shalt  }
0x78: {  	_ =	shalt  }
0x79: {  	_ =	shalt  }
0x7a: {  	_ =	shalt  }
0x7b: {  	_ =	shalt  }
0x7c: {  	_ =	shalt  }
0x7d: {  	_ =	shalt  }
0x7e: {  	_ =	shalt  }
0x7f: {  	_ =	shalt  }
0x80: {  	_ =	shalt  }
0x81: {  	_ =	shalt  }
0x82: {  	_ =	shalt  }
0x83: {  	_ =	shalt  }
0x84: {  	_ =	shalt  }
0x85: {  	_ =	shalt  }
0x86: {  	_ =	shalt  }
0x87: {  	_ =	shalt  }
.Lfunc_end0:
.L_simem_size_0:
called_computation_lowered:
.L_overlay_start_0:
0x88: {  	s2 =	sld [smem:$0x3FD9]  }
0x89: {  	s3 =	sld [smem:$0x3FFE];
	_ =	sdelay $0x1  }
0x8a: {  	s1 =	srdreg.scid  }
0x8b: {  	s0 =	sand.u32 $0x1, s1  }
0x8c: {  	s18 =	sshll.u32 s0, $0xA;
	s2 =	sadd.s32 s3, s2  }
0x8d: {  	s2 =	sadd.s32 s2, s18  }
0x8e: {  	[smem:$0x3FC5] =	sst s2  }
0x8f: {  	_ = 	snop  }
0x90: {  	s2 =	sld [smem:$0x3FC9]  }
0x91: {  	s19 =	sld [smem:$0x3FC8]  }
0x92: {  	s4 =	sld [smem:$0x3FC7]  }
0x93: {  	s5 =	sld [smem:$0x3FD0];
	(tm) =	ssettm $0x1  }
0x94: {  	s6 =	sld [smem:$0x3FFB];
	_ =	sdelay $0x3  }
0x95: {  	_ =	strace s6  }
0x96: {  	s6 =	sld [smem:$0x3FFC];
	_ =	sdelay $0x3  }
0x97: {  	_ =	strace s6  }
0x98: {  	s6 =	sld [smem:$0x3FFD];
	_ =	sdelay $0x3  }
0x99: {  	_ =	strace s6  }
0x9a: {  	_ =	strace $0x8FFFFFFF  }
0x9b: {  	s20 =	sld [smem:$0x3FDB];
	_ =	sdelay $0x1  }
0x9c: {  	s7 =	simm.s32 $_scs_section_size  }
0x9d: {  	s8 =	simm.s32 $_size__tile_overlayer_lowered;
	s9 =	simm.s32 $_tile_overlayer_lowered  }
0x9e: {  	s23 =	simm.s32 $0x1BFF;
	s22 =	sshll.u32 s9, $0x1;
	s6 =	sadd.s32 s7, s20  }
0x9f: {  	s10 =	simm.s32 $0x0;
	s21 =	sshll.u32 s8, $0x1;
	s8 =	sadd.s32 s22, s6  }
0xa0: {  	[timem:s10], [sflag:s23] =	dma.local [hbm:s8], s21  }
0xa1: {  	_ =	swait.ge [sflag:s23], s21  }
0xa2: {  	s7 =	ssub.s32 $0x0, s21;
	[sflag:s23] =	ssyncset.done $0x0  }
0xa3: {  	[sflag:s23] =	ssyncadd.s32 s7;
	_ =	sdelay $0x1  }
0xa4: {  	s24 =	simm.s32 $0x1B8B  }
0xa5: {  	_ =	swait.ge [sflag:s24], $0x1  }
0xa6: {  	[sflag:s24] =	ssyncset.done $0x0  }
0xa7: {  	s25 =	simm.s32 $0x1B8E;
	[sflag:s24] =	ssyncadd.s32 $0xFFFFFFFF  }
0xa8: {  	s26 =	simm.s32 $execute0_lowered;
	[smem:$0x3FD2] =	sst s25  }
0xa9: {  	s7 =	sshll.u32 s26, $0x1;
	_ =	strace $0x80000046;
	[dreg:$0x1] =	wrdreg $0xFFFFFFFF  }
0xaa: {  	s28 =	simm.s32 $_size_execute0_lowered;
	s6 =	sadd.s32 s6, s7;
	[dreg:$0x0] =	wrdreg $0x0  }
0xab: {  	s7 =	sshll.u32 s28, $0x1;
	[dreg:$0x2] =	wrdreg s6  }
0xac: {  	[dreg:$0x3] =	wrdreg s7  }
0xad: {  	[dreg:$0x4] =	wrdreg $0xC0  }
0xae: {  	_ =	task [dreg:s10], $0x5FFFF  }
0xaf: {  	[dreg:$0x1] =	wrdreg $0xFFFFFFFF  }
0xb0: {  	[dreg:$0x0] =	wrdreg $0x60  }
0xb1: {  	[dreg:$0x2] =	wrdreg s2  }
0xb2: {  	[dreg:$0x3] =	wrdreg s19  }
0xb3: {  	[dreg:$0x4] =	wrdreg s4  }
0xb4: {  	[dreg:$0x5] =	wrdreg s5  }
0xb5: {  	[dreg:$0x6] =	wrdreg $0x9  }
0xb6: {  	_ =	task.clear_ibuf [dreg:s10], $0x7FFFF;
	_ =	strace $0x90000046  }
0xb7: {  	s29 =	simm.s32 $0x9;
	_ =	strace $0x80000048  }
0xb8: {  	_ =	swait.ge [sflag:s29], $0x1  }
0xb9: {  	[sflag:s29] =	ssyncadd.s32 $0xFFFFFFFF  }
0xba: {  	_ =	strace $0x90000048  }
0xbb: {  	_ =	sfence  }
0xbc: {  	s30 =	sld [smem:$0x0];
	_ =	sdelay $0x2  }
0xbd: {  	s31 =	sshll.u32 s1, $0xD;
	s1 =	sshrl.u32 s1, $0x2  }
0xbe: {  	s3 =	sand.u32 $0x4000, s31;
	s1 =	sadd.s32 s1, s30  }
0xbf: {  	s0 =	sor.u32 s3, s0;
	s1 =	sshll.u32 s1, $0x11  }
0xc0: {  	s0 =	sor.u32 s1, s0  }
0xc1: {  	s0 =	sadd.s32 $0x8F2B, s0  }
0xc2: {  	[sflag:s0] =	ssyncadd.remote.s32 $0x1  }
0xc3: {  	_ =	sfence.sel $0xFFFF  }
0xc4: {  	[dreg:$0x0] =	wrdreg $0xFFFFFFFF;
	(pc) =	sbr.abs _section_cstart, $3  }
0xc5: {  	[dreg:$0x1] =	wrdreg $0xFFFFFFFF  }
0xc6: {  	_ =	task.clear_ibuf [dreg:s10], $0x2FFFF;
	_ =	strace $0x9FFFFFFF  }
0xc7: {  	(tm) =	ssettm $0x7FFFFFFF  }
tec
execute0_lowered:
.L_overlay_start_1:
0x0: {  	(tag) =	ssettag $0x1  }
0x1: {  	s0 =	rddreg [dreg:$0x0]  }
0x2: {  	s1 =	rddreg [dreg:$0x3];
	s2 =	srdreg.scid;
	s4 =	simm.s32 $0x0  }
0x3: {  	s5 =	stileid.u32;
	s28 =	simm.s32 $0x1;
	s29 =	simm.s32 $0x100  }
0x4: {  	s30 =	simm.s32 $0x180;
	s31 =	simm.s32 $0x10200;
	s2 =	sand.u32 $0x1, s2  }
0x5: {  	s5 =	sshll.u32 s5, $0x10;
	s3 =	ssub.s32 $0x2, s2;
	s2 =	sshll.u32 s2, $0xF  }
0x6: {  	[smem:$0x7FF] =	sst s4;
	s6 =	sshrl.u32 s3, $0x1;
	s2 =	sor.u32 s2, s5  }
0x7: {  	_ =	strace $0x80000047;
	s3 =	ssub.s32 s3, s6;
	s5 =	sor.u32 $0x1000, s2  }
0x8: {  	s16 =	sadd.s32 s0, s2;
	s18 =	sor.u32 $0x2000, s2;
	s7 =	sadd.s32 s1, s2  }
0x9: {  	s20 =	sor.u32 $0x3000, s2;
	s22 =	sor.u32 $0x4000, s2;
	[dreg:$0x5] =	wrdreg s16  }
0xa: {  	s24 =	sor.u32 $0x5000, s2;
	s17 =	sadd.s32 s0, s5;
	[dreg:$0x7] =	wrdreg s7  }
0xb: {  	s26 =	sor.u32 $0x6000, s2;
	s19 =	sadd.s32 s0, s18;
	[dreg:$0x6] =	wrdreg s17  }
0xc: {  	s2 =	sor.u32 $0x7000, s2;
	s5 =	sadd.s32 s1, s5;
	[dreg:$0x8] =	wrdreg s19  }
0xd: {  	s21 =	sadd.s32 s0, s20;
	s6 =	sadd.s32 s1, s18;
	[dreg:$0x9] =	wrdreg s5  }
0xe: {  	s23 =	sadd.s32 s0, s22;
	s7 =	sadd.s32 s1, s20;
	[dreg:$0xa] =	wrdreg s21  }
0xf: {  	s25 =	sadd.s32 s0, s24;
	s15 =	sadd.s32 s1, s22;
	[dreg:$0xb] =	wrdreg s6  }
0x10: {  	s16 =	sadd.s32 s0, s26;
	s18 =	sadd.s32 s0, s2;
	[dreg:$0xc] =	wrdreg s23  }
0x11: {  	s20 =	sadd.s32 s1, s2;
	s22 =	simm.s32 $0x200;
	[dreg:$0xd] =	wrdreg s7  }
0x12: {  	s0 =	simm.s32 $0x2;
	s2 =	simm.s32 $0x0;
	[dreg:$0xe] =	wrdreg s25  }
0x13: {  	v0 =	vlaneseq.u32;
	v6 =	vimm.s32 $0x30;
	s17 =	sadd.s32 s1, s24;
	s19 =	sadd.s32 s1, s26;
	s21 =	smax.u32 s3, $0x1  }
0x14: {  	v7 =	vimm.s32 $0x31;
	v1 =	vadd.s32 $0x1, v0;
	v2 =	vor.u32 $0x10, v0;
	s23 =	simm.s32 $0x8200;
	s24 =	simm.s32 $0x80;
	s25 =	simm.s32 $0x4  }
0x15: {  	v3 =	vadd.s32 $0x11, v0;
	v4 =	vor.u32 $0x20, v0;
	v5 =	vadd.s32 $0x21, v0;
	s26 =	simm.s32 $0x5;
	s3 =	simm.s32 $0x3;
	s1 =	simm.s32 $0x6  }
.LBB2_1:
0x16: {  	s5 =	rddreg [dreg:$0x5]  }
0x17: {  	[tilespmem:s22], [sflag:$0x1] =	stream.linear.gather [hbm4b:s5+s4], $0x8000, $0x38;
	[tilespmem:$0x18200] =	vst v63  }
0x18: {  	s10 =	rddreg [dreg:$0x6]  }
0x19: {  	[tilespmem:s23], [sflag:$0x2] =	stream.linear.gather [hbm4b:s10+s4], $0x8000, $0x38;
	[tilespmem:$0x18200] =	vst v63  }
0x1a: {  	s11 =	rddreg [dreg:$0x1]  }
0x1b: {  	[tilespmem:s4], [sflag:$0x4] =	stream.linear.gather [hbm4b:s11+s4], $0x80, $0x38;
	[tilespmem:$0x18200] =	vst v63  }
0x1c: {  	s12 =	rddreg [dreg:$0x2]  }
0x1d: {  	[tilespmem:s24], [sflag:$0x5] =	stream.linear.gather [hbm4b:s12+s4], $0x80, $0x38;
	[tilespmem:$0x18200] =	vst v63  }
0x1e: {  	_ =	swait.ge [sflag:s25], $0x80  }
0x1f: {  	[sflag:s25] =	ssyncset.done $0x0  }
0x20: {  	[sflag:s25] =	ssyncadd.s32 $0xFFFFFF80  }
0x21: {  	_ =	swait.ge [sflag:s26], $0x80  }
0x22: {  	[sflag:s26] =	ssyncset.done $0x0  }
0x23: {  	[sflag:s26] =	ssyncadd.s32 $0xFFFFFF80  }
0x24: {  	v8 =	vld.idx.msk [tilespmem:v0+s24+$0x0], $0xffff  }
0x25: {  	v9 =	vld.idx.msk [tilespmem:v1+s24+$0x0], $0xffff;
	_ =	sdelay $0x4  }
0x26: {  	v9 =	vsub.f32 v9, v8;
	_ =	sdelay $0x1  }
0x27: {  	(erf) = vrcp.f32 v9;
	_ =	sdelay $0x1  }
0x28: {  	v10 =	vld.idx.msk [tilespmem:v1+s4+$0x0], $0xffff  }
0x29: {  	v9 =	vld.idx.msk [tilespmem:v0+s4+$0x0], $0xffff;
	_ =	sdelay $0x4  }
0x2a: {  	v10 =	vsub.f32 v10, v9  }
0x2b: {  	v11 =	vpop (erf)  }
0x2c: {  	v10 =	vmul.f32 v11, v10;
	_ =	sdelay $0x1  }
0x2d: {  	v8 =	vmul.f32 v10, v8;
	_ =	sdelay $0x1  }
0x2e: {  	v8 =	vsub.f32 v9, v8  }
0x2f: {  	[tilespmem:$0x100] =	vst v10  }
0x30: {  	[tilespmem:$0x180] =	vst v8  }
0x31: {  	v8 =	vld.idx.msk [tilespmem:v2+s24+$0x0], $0xffff  }
0x32: {  	v9 =	vld.idx.msk [tilespmem:v3+s24+$0x0], $0xffff;
	_ =	sdelay $0x4  }
0x33: {  	v9 =	vsub.f32 v9, v8;
	_ =	sdelay $0x1  }
0x34: {  	(erf) = vrcp.f32 v9;
	_ =	sdelay $0x1  }
0x35: {  	v10 =	vld.idx.msk [tilespmem:v3+s4+$0x0], $0xffff  }
0x36: {  	v9 =	vld.idx.msk [tilespmem:v2+s4+$0x0], $0xffff;
	_ =	sdelay $0x4  }
0x37: {  	v10 =	vsub.f32 v10, v9  }
0x38: {  	v11 =	vpop (erf)  }
0x39: {  	v10 =	vmul.f32 v11, v10;
	_ =	sdelay $0x1  }
0x3a: {  	v8 =	vmul.f32 v10, v8;
	_ =	sdelay $0x1  }
0x3b: {  	v8 =	vsub.f32 v9, v8  }
0x3c: {  	[tilespmem:$0x110] =	vst v10  }
0x3d: {  	[tilespmem:$0x190] =	vst v8  }
0x3e: {  	v8 =	vld.idx.msk [tilespmem:v4+s24+$0x0], $0xffff  }
0x3f: {  	v9 =	vld.idx.msk [tilespmem:v5+s24+$0x0], $0xffff;
	_ =	sdelay $0x4  }
0x40: {  	v9 =	vsub.f32 v9, v8;
	_ =	sdelay $0x1  }
0x41: {  	(erf) = vrcp.f32 v9;
	_ =	sdelay $0x1  }
0x42: {  	v10 =	vld.idx.msk [tilespmem:v5+s4+$0x0], $0xffff  }
0x43: {  	v9 =	vld.idx.msk [tilespmem:v4+s4+$0x0], $0xffff;
	_ =	sdelay $0x4  }
0x44: {  	v10 =	vsub.f32 v10, v9  }
0x45: {  	v11 =	vpop (erf)  }
0x46: {  	v10 =	vmul.f32 v11, v10;
	_ =	sdelay $0x1  }
0x47: {  	v8 =	vmul.f32 v10, v8;
	_ =	sdelay $0x1  }
0x48: {  	v8 =	vsub.f32 v9, v8  }
0x49: {  	[tilespmem:$0x120] =	vst v10  }
0x4a: {  	[tilespmem:$0x1A0] =	vst v8  }
0x4b: {  	v8 =	vld.idx.msk [tilespmem:v6+s24+$0x0], $0xffff  }
0x4c: {  	v9 =	vld.idx.msk [tilespmem:v7+s24+$0x0], $0xffff;
	_ =	sdelay $0x4  }
0x4d: {  	v9 =	vsub.f32 v9, v8;
	_ =	sdelay $0x1  }
0x4e: {  	(erf) = vrcp.f32 v9;
	_ =	sdelay $0x1  }
0x4f: {  	v10 =	vld.idx.msk [tilespmem:v7+s4+$0x0], $0xffff  }
0x50: {  	v9 =	vld.idx.msk [tilespmem:v6+s4+$0x0], $0xffff;
	_ =	sdelay $0x4  }
0x51: {  	v10 =	vsub.f32 v10, v9  }
0x52: {  	v11 =	vpop (erf)  }
0x53: {  	v10 =	vmul.f32 v11, v10;
	_ =	sdelay $0x1  }
0x54: {  	v8 =	vmul.f32 v10, v8;
	_ =	sdelay $0x1  }
0x55: {  	v8 =	vsub.f32 v9, v8  }
0x56: {  	[tilespmem:$0x130] =	vst v10  }
0x57: {  	s13 =	simm.s32 $0x0;
	[tilespmem:$0x1B0] =	vst v8  }
0x58: {  	s6 =	sand.u32 $0x3C00, s4;
	s5 =	sand.u32 $0x4000, s13;
	_ =	swait.ge [sflag:s28], $0x8000  }
0x59: {  	s7 =	sand.u32 $0x380, s4;
	s5 =	sor.u32 s6, s5;
	[sflag:s28] =	ssyncset.done $0x0  }
0x5a: {  	s5 =	sor.u32 s5, s7;
	[sflag:s28] =	ssyncadd.s32 $0xFFFF8000  }
0x5b: {  	v18 =	vld [tilespmem:s5+$0x270]  }
0x5c: {  	v9 =	vld [tilespmem:s5+$0x200]  }
0x5d: {  	v8 =	vld [tilespmem:s5+$0x210]  }
0x5e: {  	v10 =	vld [tilespmem:s5+$0x220]  }
0x5f: {  	v11 =	vld [tilespmem:s5+$0x230]  }
0x60: {  	v14 =	vld [tilespmem:s5+$0x240]  }
0x61: {  	v13 =	vld [tilespmem:s5+$0x250];
	_ =	sdelay $0x1  }
0x62: {  	v12 =	vmul.f32 $4.900000100e+00, v18  }
0x63: {  	v15 =	vmul.f32 $4.900000100e+00, v9;
	v17 =	vmul.f32 $4.900000100e+00, v8  }
0x64: {  	v19 =	vmul.f32 $4.900000100e+00, v10;
	v20 =	vmul.f32 $4.900000100e+00, v11;
	v12 =	vadd.f32 $2.450000000e+01, v12  }
0x65: {  	v21 =	vmul.f32 $4.900000100e+00, v14;
	v22 =	vmul.f32 $4.900000100e+00, v13  }
0x66: {  	v15 =	vadd.f32 $2.450000000e+01, v15;
	v17 =	vadd.f32 $2.450000000e+01, v17;
	v16 =	vmax.f32 v12, $0.0e+00  }
0x67: {  	s8 =	simm.s32 $0x400;
	s7 =	simm.s32 $0x80;
	v19 =	vadd.f32 $2.450000000e+01, v19;
	v20 =	vadd.f32 $2.450000000e+01, v20;
	v16 =	vmin.f32 v16, $4.800000000e+01  }
0x68: {  	s9 =	simm.s32 $0x8;
	s10 =	sand.u32 $0x3C00, s8;
	s14 =	sand.u32 $0x4000, s7;
	v21 =	vadd.f32 $2.450000000e+01, v21;
	v15 =	vmax.f32 v15, $0.0e+00;
	v16 =	vtrunc.f32 v16  }
0x69: {  	s11 =	sand.u32 $0x380, s9;
	s6 =	sor.u32 s10, s14;
	v12 =	vld [tilespmem:s5+$0x260];
	v19 =	vmax.f32 v19, $0.0e+00;
	v20 =	vmax.f32 v20, $0.0e+00;
	v16 =	vcvt.f32.s32 v16  }
0x6a: {  	s6 =	sor.u32 s6, s11;
	v21 =	vmax.f32 v21, $0.0e+00;
	v15 =	vmin.f32 v15, $4.800000000e+01;
	v19 =	vmin.f32 v19, $4.800000000e+01  }
0x6b: {  	v25 =	vtrunc.f32 v15;
	v15 =	vmin.f32 v21, $4.800000000e+01;
	v19 =	vtrunc.f32 v19;
	v21 =	vld [tilespmem:s6+$0x270]  }
0x6c: {  	v20 =	vmin.f32 v20, $4.800000000e+01;
	v36 =	vcvt.f32.s32 v19;
	v19 =	vld [tilespmem:s6+$0x230]  }
0x6d: {  	v22 =	vadd.f32 $2.450000000e+01, v22;
	v17 =	vmax.f32 v17, $0.0e+00;
	v20 =	vtrunc.f32 v20  }
0x6e: {  	v17 =	vmin.f32 v17, $4.800000000e+01;
	v46 =	vcvt.f32.s32 v20;
	v20 =	vld [tilespmem:s6+$0x240];
	v23 =	vmul.f32 $4.900000100e+00, v12  }
0x6f: {  	v22 =	vmax.f32 v22, $0.0e+00;
	v17 =	vtrunc.f32 v17;
	v24 =	vld.idx.msk [tilespmem:v16+s29+$0x0], $0xffff  }
0x70: {  	v33 =	vcvt.f32.s32 v25;
	v34 =	vcvt.f32.s32 v17;
	v17 =	vld [tilespmem:s6+$0x220];
	v23 =	vadd.f32 $2.450000000e+01, v23  }
0x71: {  	v28 =	vmul.f32 $4.900000100e+00, v21;
	v31 =	vmul.f32 $4.900000100e+00, v19;
	v26 =	vld.idx.msk [tilespmem:v16+s30+$0x0], $0xffff;
	v16 =	vmin.f32 v22, $4.800000000e+01  }
0x72: {  	v23 =	vmax.f32 v23, $0.0e+00;
	v22 =	vtrunc.f32 v15;
	v27 =	vtrunc.f32 v16;
	v16 =	vld [tilespmem:s6+$0x210]  }
0x73: {  	v37 =	vmul.f32 $4.900000100e+00, v20;
	v15 =	vld [tilespmem:s6+$0x200];
	v23 =	vmin.f32 v23, $4.800000000e+01;
	v25 =	vcvt.f32.s32 v22  }
0x74: {  	v22 =	vld [tilespmem:s6+$0x250];
	v23 =	vtrunc.f32 v23;
	v29 =	vmul.f32 v24, v18  }
0x75: {  	v23 =	vcvt.f32.s32 v23;
	v24 =	vcvt.f32.s32 v27;
	v18 =	vld [tilespmem:s6+$0x260];
	v27 =	vadd.f32 $2.450000000e+01, v28  }
0x76: {  	v39 =	vadd.f32 $2.450000000e+01, v31;
	v40 =	vadd.f32 v29, v26;
	v26 =	vld.idx.msk [tilespmem:v33+s29+$0x0], $0xffff  }
0x77: {  	v41 =	vadd.f32 $2.450000000e+01, v37;
	v28 =	vmul.f32 $4.900000100e+00, v16;
	v32 =	vmax.f32 v27, $0.0e+00;
	v27 =	vld.idx.msk [tilespmem:v34+s29+$0x0], $0xffff  }
0x78: {  	v39 =	vmax.f32 v39, $0.0e+00;
	v30 =	vmul.f32 $4.900000100e+00, v15;
	v29 =	vmul.f32 $4.900000100e+00, v17;
	v34 =	vld.idx.msk [tilespmem:v34+s30+$0x0], $0xffff  }
0x79: {  	v63 =	vmul.f32 $4.900000100e+00, v22;
	v35 =	vadd.f32 $2.450000000e+01, v28;
	v32 =	vmin.f32 v32, $4.800000000e+01;
	v28 =	vld.idx.msk [tilespmem:v36+s29+$0x0], $0xffff  }
0x7a: {  	v30 =	vadd.f32 $2.450000000e+01, v30;
	v38 =	vadd.f32 $2.450000000e+01, v29;
	v31 =	vtrunc.f32 v32;
	v29 =	vld.idx.msk [tilespmem:v46+s29+$0x0], $0xffff  }
0x7b: {  	v41 =	vmax.f32 v41, $0.0e+00;
	v49 =	vmin.f32 v39, $4.800000000e+01;
	v32 =	vld.idx.msk [tilespmem:v23+s29+$0x0], $0xffff;
	v37 =	vcvt.f32.s32 v31  }
0x7c: {  	v45 =	vadd.f32 $2.450000000e+01, v63;
	v43 =	vmax.f32 v30, $0.0e+00;
	v31 =	vld.idx.msk [tilespmem:v25+s29+$0x0], $0xffff;
	v42 =	vmul.f32 $4.900000100e+00, v18  }
0x7d: {  	[tilespmem:s5+$0x270] =	vst v40;
	v40 =	vtrunc.f32 v49;
	v44 =	vmax.f32 v35, $0.0e+00;
	v47 =	vmin.f32 v43, $4.800000000e+01;
	v35 =	vld.idx.msk [tilespmem:v33+s30+$0x0], $0xffff  }
0x7e: {  	v45 =	vmax.f32 v45, $0.0e+00;
	v43 =	vmin.f32 v41, $4.800000000e+01;
	v33 =	vld.idx.msk [tilespmem:v36+s30+$0x0], $0xffff;
	v42 =	vadd.f32 $2.450000000e+01, v42  }
0x7f: {  	v36 =	vld.idx.msk [tilespmem:v46+s30+$0x0], $0xffff;
	v38 =	vmax.f32 v38, $0.0e+00;
	v44 =	vmin.f32 v44, $4.800000000e+01;
	v41 =	vmin.f32 v45, $4.800000000e+01  }
0x80: {  	v30 =	vld.idx.msk [tilespmem:v24+s29+$0x0], $0xffff;
	v45 =	vtrunc.f32 v47;
	v48 =	vmin.f32 v38, $4.800000000e+01;
	v42 =	vmax.f32 v42, $0.0e+00  }
0x81: {  	v39 =	vtrunc.f32 v44;
	v44 =	vtrunc.f32 v48;
	v42 =	vmin.f32 v42, $4.800000000e+01;
	v38 =	vld.idx.msk [tilespmem:v37+s29+$0x0], $0xffff  }
.LBB2_2:
0x82: {  	s7 =	sadd.s32 $0x80, s7;
	v43 =	vtrunc.f32 v43;
	v41 =	vtrunc.f32 v41;
	v37 =	vld.idx.msk [tilespmem:v37+s30+$0x0], $0xffff;
	s8 =	sadd.s32 $0x400, s8  }
0x83: {  	v45 =	vcvt.f32.s32 v45;
	v42 =	vtrunc.f32 v42;
	s9 =	sadd.s32 $0x8, s9;
	s10 =	sand.u32 $0x4000, s7;
	s11 =	sand.u32 $0x3C00, s8;
	v46 =	vld.idx.msk [tilespmem:v25+s30+$0x0], $0xffff  }
0x84: {  	v39 =	vcvt.f32.s32 v39;
	v44 =	vcvt.f32.s32 v44;
	s12 =	sand.u32 $0x380, s9;
	p0 =	slt.u32 s7, $0x7F80;
	s10 =	sor.u32 s11, s10;
	v47 =	vld.idx.msk [tilespmem:v24+s30+$0x0], $0xffff  }
0x85: {  	v48 =	vcvt.f32.s32 v40;
	v25 =	vcvt.f32.s32 v43;
	s10 =	sor.u32 s10, s12;
	v40 =	vld.idx.msk [tilespmem:v23+s30+$0x0], $0xffff  }
0x86: {  	v24 =	vcvt.f32.s32 v41;
	v38 =	vmul.f32 v38, v21;
	v21 =	vld [tilespmem:s10+$0x270]  }
0x87: {  	v26 =	vmul.f32 v26, v9;
	v9 =	vmov v15;
	v23 =	vcvt.f32.s32 v42;
	v15 =	vld [tilespmem:s10+$0x200]  }
0x88: {  	v27 =	vmul.f32 v27, v8;
	v28 =	vmul.f32 v28, v10;
	v8 =	vmovc v16;
	v37 =	vadd.f32 v38, v37;
	v16 =	vld [tilespmem:s10+$0x210]  }
0x89: {  	v10 =	vmovc v17;
	v26 =	vadd.f32 v26, v35;
	v35 =	vmul.f32 v29, v11;
	v38 =	vmul.f32 v31, v14;
	v17 =	vld [tilespmem:s10+$0x220]  }
0x8a: {  	v27 =	vadd.f32 v27, v34;
	v41 =	vmul.f32 v32, v12;
	v29 =	vld [tilespmem:s10+$0x230];
	[tilespmem:s6+$0x270] =	vst v37;
	v37 =	vmul.f32 v30, v13  }
0x8b: {  	v11 =	vmovc v19;
	v30 =	vld [tilespmem:s10+$0x240];
	v31 =	vmul.f32 $4.900000100e+00, v21;
	[tilespmem:s5+$0x200] =	vst v26;
	v26 =	vadd.f32 v28, v33;
	v28 =	vadd.f32 v35, v36  }
0x8c: {  	v14 =	vmovc v20;
	v33 =	vadd.f32 v38, v46;
	v42 =	vmul.f32 $4.900000100e+00, v15;
	v32 =	vld [tilespmem:s10+$0x250];
	[tilespmem:s5+$0x210] =	vst v27;
	v34 =	vadd.f32 v37, v47  }
0x8d: {  	v12 =	vmovc v18;
	v13 =	vmovc v22;
	v43 =	vmul.f32 $4.900000100e+00, v16;
	v27 =	vadd.f32 $2.450000000e+01, v31;
	[tilespmem:s5+$0x220] =	vst v26;
	v31 =	vadd.f32 v41, v40;
	v18 =	vld [tilespmem:s10+$0x260]  }
0x8e: {  	v35 =	vadd.f32 $2.450000000e+01, v42;
	v41 =	vmul.f32 $4.900000100e+00, v17;
	v26 =	vld.idx.msk [tilespmem:v45+s29+$0x0], $0xffff;
	[tilespmem:s5+$0x230] =	vst v28  }
0x8f: {  	v36 =	vadd.f32 $2.450000000e+01, v43;
	v37 =	vmul.f32 $4.900000100e+00, v29;
	v40 =	vmax.f32 v27, $0.0e+00;
	v27 =	vld.idx.msk [tilespmem:v39+s29+$0x0], $0xffff;
	[tilespmem:s5+$0x240] =	vst v33;
	v19 =	vmovc v29  }
0x90: {  	v33 =	vadd.f32 $2.450000000e+01, v41;
	v38 =	vmul.f32 $4.900000100e+00, v30;
	v40 =	vmin.f32 v40, $4.800000000e+01;
	v28 =	vld.idx.msk [tilespmem:v44+s29+$0x0], $0xffff;
	[tilespmem:s5+$0x250] =	vst v34;
	v20 =	vmovc v30  }
0x91: {  	v34 =	vadd.f32 $2.450000000e+01, v37;
	v30 =	vmul.f32 $4.900000100e+00, v32;
	v37 =	vtrunc.f32 v40;
	v29 =	vld.idx.msk [tilespmem:v48+s29+$0x0], $0xffff;
	[tilespmem:s5+$0x260] =	vst v31;
	v22 =	vmovc v32;
	s5 =	smov.u32 s6;
	s6 =	smov.u32 s10  }
0x92: {  	v38 =	vadd.f32 $2.450000000e+01, v38;
	v32 =	vmul.f32 $4.900000100e+00, v18;
	v37 =	vcvt.f32.s32 v37;
	v31 =	vld.idx.msk [tilespmem:v25+s29+$0x0], $0xffff  }
0x93: {  	v35 =	vmax.f32 v35, $0.0e+00;
	v36 =	vmax.f32 v36, $0.0e+00;
	v40 =	vadd.f32 $2.450000000e+01, v30;
	v30 =	vld.idx.msk [tilespmem:v24+s29+$0x0], $0xffff  }
0x94: {  	v33 =	vmax.f32 v33, $0.0e+00;
	v41 =	vmax.f32 v34, $0.0e+00;
	v34 =	vadd.f32 $2.450000000e+01, v32;
	v32 =	vld.idx.msk [tilespmem:v23+s29+$0x0], $0xffff  }
.Ltmp0:
0x95: {  	v42 =	vmin.f32 v35, $4.800000000e+01;
	v38 =	vmax.f32 v38, $0.0e+00;
	v40 =	vmax.f32 v40, $0.0e+00;
	v35 =	vld.idx.msk [tilespmem:v45+s30+$0x0], $0xffff;
	(pc) =	sbr.rel @p0 .LBB2_2-.Ltmp0, $4  }
0x96: {  	v36 =	vmin.f32 v36, $4.800000000e+01;
	v46 =	vmin.f32 v33, $4.800000000e+01;
	v47 =	vmax.f32 v34, $0.0e+00;
	v34 =	vld.idx.msk [tilespmem:v39+s30+$0x0], $0xffff  }
0x97: {  	v49 =	vmin.f32 v41, $4.800000000e+01;
	v43 =	vmin.f32 v38, $4.800000000e+01;
	v41 =	vmin.f32 v40, $4.800000000e+01;
	v33 =	vld.idx.msk [tilespmem:v44+s30+$0x0], $0xffff  }
0x98: {  	v45 =	vtrunc.f32 v42;
	v39 =	vtrunc.f32 v36;
	v42 =	vmin.f32 v47, $4.800000000e+01;
	v38 =	vld.idx.msk [tilespmem:v37+s29+$0x0], $0xffff  }
0x99: {  	v40 =	vtrunc.f32 v49;
	v44 =	vtrunc.f32 v46;
	v36 =	vld.idx.msk [tilespmem:v48+s30+$0x0], $0xffff  }
0x9a: {  	_ =	sdelay $0x1  }
0x9b: {  	v45 =	vcvt.f32.s32 v45  }
0x9c: {  	v39 =	vcvt.f32.s32 v39  }
0x9d: {  	v37 =	vld.idx.msk [tilespmem:v37+s30+$0x0], $0xffff;
	v44 =	vcvt.f32.s32 v44  }
0x9e: {  	v25 =	vld.idx.msk [tilespmem:v25+s30+$0x0], $0xffff;
	v40 =	vcvt.f32.s32 v40  }
0x9f: {  	v24 =	vld.idx.msk [tilespmem:v24+s30+$0x0], $0xffff  }
0xa0: {  	v43 =	vtrunc.f32 v43;
	v23 =	vld.idx.msk [tilespmem:v23+s30+$0x0], $0xffff  }
0xa1: {  	v41 =	vtrunc.f32 v41;
	v9 =	vmul.f32 v26, v9;
	v46 =	vld.idx.msk [tilespmem:v45+s29+$0x0], $0xffff  }
0xa2: {  	v42 =	vtrunc.f32 v42;
	v8 =	vmul.f32 v27, v8;
	v47 =	vld.idx.msk [tilespmem:v39+s29+$0x0], $0xffff  }
0xa3: {  	v10 =	vmul.f32 v28, v10;
	v43 =	vcvt.f32.s32 v43;
	v9 =	vadd.f32 v9, v35;
	v50 =	vld.idx.msk [tilespmem:v44+s29+$0x0], $0xffff  }
0xa4: {  	v11 =	vmul.f32 v29, v11;
	v41 =	vcvt.f32.s32 v41;
	v8 =	vadd.f32 v8, v34;
	v26 =	vld.idx.msk [tilespmem:v40+s29+$0x0], $0xffff  }
0xa5: {  	v42 =	vcvt.f32.s32 v42;
	[tilespmem:s5+$0x200] =	vst v9;
	v9 =	vadd.f32 v10, v33;
	v10 =	vld.idx.msk [tilespmem:v45+s30+$0x0], $0xffff  }
0xa6: {  	v11 =	vadd.f32 v11, v36;
	[tilespmem:s5+$0x210] =	vst v8;
	v8 =	vld.idx.msk [tilespmem:v39+s30+$0x0], $0xffff  }
0xa7: {  	v21 =	vmul.f32 v38, v21;
	[tilespmem:s5+$0x220] =	vst v9;
	v9 =	vld.idx.msk [tilespmem:v44+s30+$0x0], $0xffff  }
0xa8: {  	v14 =	vmul.f32 v31, v14;
	[tilespmem:s5+$0x230] =	vst v11;
	v11 =	vld.idx.msk [tilespmem:v40+s30+$0x0], $0xffff  }
0xa9: {  	v13 =	vmul.f32 v30, v13;
	v21 =	vadd.f32 v21, v37;
	v27 =	vld.idx.msk [tilespmem:v43+s29+$0x0], $0xffff  }
0xaa: {  	v12 =	vmul.f32 v32, v12;
	v14 =	vadd.f32 v14, v25;
	v28 =	vld.idx.msk [tilespmem:v41+s29+$0x0], $0xffff  }
0xab: {  	v13 =	vadd.f32 v13, v24;
	[tilespmem:s6+$0x270] =	vst v21;
	v21 =	vld.idx.msk [tilespmem:v42+s29+$0x0], $0xffff;
	v15 =	vmul.f32 v46, v15  }
0xac: {  	v12 =	vadd.f32 v12, v23;
	[tilespmem:s5+$0x240] =	vst v14;
	v14 =	vld.idx.msk [tilespmem:v43+s30+$0x0], $0xffff;
	v16 =	vmul.f32 v47, v16  }
0xad: {  	[tilespmem:s5+$0x250] =	vst v13;
	v13 =	vld.idx.msk [tilespmem:v41+s30+$0x0], $0xffff;
	v17 =	vmul.f32 v50, v17;
	v10 =	vadd.f32 v15, v10  }
0xae: {  	[tilespmem:s5+$0x260] =	vst v12;
	v12 =	vld.idx.msk [tilespmem:v42+s30+$0x0], $0xffff;
	v15 =	vmul.f32 v26, v19;
	v8 =	vadd.f32 v16, v8  }
0xaf: {  	v16 =	vmul.f32 v27, v20;
	v9 =	vadd.f32 v17, v9;
	[tilespmem:s6+$0x200] =	vst v10  }
0xb0: {  	v10 =	vmul.f32 v28, v22;
	v11 =	vadd.f32 v15, v11;
	[tilespmem:s6+$0x210] =	vst v8  }
0xb1: {  	v8 =	vmul.f32 v21, v18;
	v14 =	vadd.f32 v16, v14;
	[tilespmem:s6+$0x220] =	vst v9  }
0xb2: {  	v9 =	vadd.f32 v10, v13;
	[tilespmem:s6+$0x230] =	vst v11  }
0xb3: {  	v8 =	vadd.f32 v8, v12;
	[tilespmem:s6+$0x240] =	vst v14  }
0xb4: {  	[tilespmem:s6+$0x250] =	vst v9  }
0xb5: {  	[tilespmem:s6+$0x260] =	vst v8  }
0xb6: {  	s11 =	simm.s32 $0x0;
	s6 =	rddreg [dreg:$0x7]  }
0xb7: {  	[hbm4b:s6+s11] =	stream.linear.scatter [tilespmem:s22], [sflag:$0x4], $0x8000, $0x38;
	[tilespmem:$0x18200] =	vst v63  }
0xb8: {  	s13 =	simm.s32 $0x0;
	s12 =	rddreg [dreg:$0x8]  }
0xb9: {  	[tilespmem:s31], [sflag:$0x3] =	stream.linear.gather [hbm4b:s12+s11], $0x8000, $0x38;
	[tilespmem:$0x18200] =	vst v63  }
0xba: {  	s7 =	sand.u32 $0x3C00, s11;
	s6 =	sand.u32 $0x4000, s13;
	_ =	swait.ge [sflag:s0], $0x8000  }
0xbb: {  	s5 =	sand.u32 $0x380, s11;
	s6 =	sor.u32 s7, s6;
	[sflag:s0] =	ssyncset.done $0x0  }
0xbc: {  	s5 =	sor.u32 s6, s5;
	[sflag:s0] =	ssyncadd.s32 $0xFFFF8000  }
0xbd: {  	v18 =	vld [tilespmem:s5+$0x8270]  }
0xbe: {  	v9 =	vld [tilespmem:s5+$0x8200]  }
0xbf: {  	v8 =	vld [tilespmem:s5+$0x8210]  }
0xc0: {  	v10 =	vld [tilespmem:s5+$0x8220]  }
0xc1: {  	v11 =	vld [tilespmem:s5+$0x8230]  }
0xc2: {  	v14 =	vld [tilespmem:s5+$0x8240]  }
0xc3: {  	v13 =	vld [tilespmem:s5+$0x8250];
	_ =	sdelay $0x1  }
0xc4: {  	v12 =	vmul.f32 $4.900000100e+00, v18;
	v15 =	vmul.f32 $4.900000100e+00, v9  }
0xc5: {  	v17 =	vmul.f32 $4.900000100e+00, v8;
	v19 =	vmul.f32 $4.900000100e+00, v10  }
0xc6: {  	v20 =	vmul.f32 $4.900000100e+00, v11;
	v21 =	vmul.f32 $4.900000100e+00, v14;
	v12 =	vadd.f32 $2.450000000e+01, v12  }
0xc7: {  	v22 =	vmul.f32 $4.900000100e+00, v13;
	v15 =	vadd.f32 $2.450000000e+01, v15;
	v17 =	vadd.f32 $2.450000000e+01, v17  }
0xc8: {  	v19 =	vadd.f32 $2.450000000e+01, v19;
	v20 =	vadd.f32 $2.450000000e+01, v20;
	v16 =	vmax.f32 v12, $0.0e+00  }
0xc9: {  	s8 =	simm.s32 $0x400;
	s7 =	simm.s32 $0x80;
	v21 =	vadd.f32 $2.450000000e+01, v21;
	v15 =	vmax.f32 v15, $0.0e+00;
	v16 =	vmin.f32 v16, $4.800000000e+01  }
0xca: {  	s9 =	simm.s32 $0x8;
	s10 =	sand.u32 $0x3C00, s8;
	s14 =	sand.u32 $0x4000, s7;
	v17 =	vmax.f32 v17, $0.0e+00;
	v19 =	vmax.f32 v19, $0.0e+00;
	v16 =	vtrunc.f32 v16  }
0xcb: {  	s11 =	sand.u32 $0x380, s9;
	s6 =	sor.u32 s10, s14;
	v12 =	vld [tilespmem:s5+$0x8260];
	v20 =	vmax.f32 v20, $0.0e+00;
	v19 =	vmin.f32 v19, $4.800000000e+01;
	v16 =	vcvt.f32.s32 v16  }
0xcc: {  	s6 =	sor.u32 s6, s11;
	v21 =	vmax.f32 v21, $0.0e+00;
	v20 =	vmin.f32 v20, $4.800000000e+01;
	v19 =	vtrunc.f32 v19  }
0xcd: {  	v15 =	vmin.f32 v15, $4.800000000e+01;
	v20 =	vtrunc.f32 v20;
	v36 =	vcvt.f32.s32 v19;
	v19 =	vld [tilespmem:s6+$0x8230]  }
0xce: {  	v17 =	vmin.f32 v17, $4.800000000e+01;
	v25 =	vtrunc.f32 v15;
	v46 =	vcvt.f32.s32 v20;
	v20 =	vld [tilespmem:s6+$0x8240]  }
0xcf: {  	v15 =	vmin.f32 v21, $4.800000000e+01;
	v17 =	vtrunc.f32 v17;
	v21 =	vld [tilespmem:s6+$0x8270];
	v51 =	vcvt.f32.s32 v25  }
0xd0: {  	v22 =	vadd.f32 $2.450000000e+01, v22;
	v34 =	vcvt.f32.s32 v17;
	v17 =	vld [tilespmem:s6+$0x8220];
	v23 =	vmul.f32 $4.900000100e+00, v12  }
0xd1: {  	v24 =	vld.idx.msk [tilespmem:v16+s29+$0x0], $0xffff  }
0xd2: {  	v22 =	vmax.f32 v22, $0.0e+00;
	v23 =	vadd.f32 $2.450000000e+01, v23;
	v31 =	vmul.f32 $4.900000100e+00, v19;
	v26 =	vld.idx.msk [tilespmem:v16+s30+$0x0], $0xffff  }
0xd3: {  	v54 =	vmul.f32 $4.900000100e+00, v20;
	v16 =	vmin.f32 v22, $4.800000000e+01;
	v22 =	vtrunc.f32 v15;
	v15 =	vld [tilespmem:s6+$0x8200]  }
0xd4: {  	v23 =	vmax.f32 v23, $0.0e+00;
	v27 =	vtrunc.f32 v16;
	v16 =	vld [tilespmem:s6+$0x8210];
	v56 =	vadd.f32 $2.450000000e+01, v31  }
0xd5: {  	v28 =	vmul.f32 $4.900000100e+00, v21;
	v23 =	vmin.f32 v23, $4.800000000e+01;
	v25 =	vcvt.f32.s32 v22;
	v22 =	vld [tilespmem:s6+$0x8250]  }
0xd6: {  	v35 =	vld.idx.msk [tilespmem:v51+s30+$0x0], $0xffff;
	v58 =	vadd.f32 $2.450000000e+01, v54;
	v23 =	vtrunc.f32 v23;
	v39 =	vmax.f32 v56, $0.0e+00  }
0xd7: {  	v33 =	vld.idx.msk [tilespmem:v36+s30+$0x0], $0xffff;
	v29 =	vmul.f32 v24, v18;
	v24 =	vcvt.f32.s32 v27;
	v27 =	vadd.f32 $2.450000000e+01, v28  }
0xd8: {  	v23 =	vcvt.f32.s32 v23;
	v41 =	vmax.f32 v58, $0.0e+00;
	v49 =	vmin.f32 v39, $4.800000000e+01;
	v18 =	vld [tilespmem:s6+$0x8260]  }
0xd9: {  	v30 =	vmul.f32 $4.900000100e+00, v15;
	v40 =	vadd.f32 v29, v26;
	v26 =	vld.idx.msk [tilespmem:v51+s29+$0x0], $0xffff;
	v52 =	vmax.f32 v27, $0.0e+00  }
0xda: {  	v28 =	vmul.f32 $4.900000100e+00, v16;
	v57 =	vmul.f32 $4.900000100e+00, v22;
	v27 =	vld.idx.msk [tilespmem:v34+s29+$0x0], $0xffff;
	v32 =	vmin.f32 v52, $4.800000000e+01  }
0xdb: {  	v43 =	vmin.f32 v41, $4.800000000e+01;
	v29 =	vmul.f32 $4.900000100e+00, v17;
	v34 =	vld.idx.msk [tilespmem:v34+s30+$0x0], $0xffff;
	v31 =	vtrunc.f32 v32  }
0xdc: {  	v30 =	vadd.f32 $2.450000000e+01, v30;
	v53 =	vadd.f32 $2.450000000e+01, v28;
	v28 =	vld.idx.msk [tilespmem:v36+s29+$0x0], $0xffff;
	v37 =	vcvt.f32.s32 v31  }
0xdd: {  	v62 =	vadd.f32 $2.450000000e+01, v57;
	v36 =	vld.idx.msk [tilespmem:v46+s30+$0x0], $0xffff;
	v55 =	vadd.f32 $2.450000000e+01, v29;
	v59 =	vmul.f32 $4.900000100e+00, v18  }
0xde: {  	v29 =	vld.idx.msk [tilespmem:v46+s29+$0x0], $0xffff;
	v60 =	vmax.f32 v30, $0.0e+00;
	[tilespmem:s5+$0x8270] =	vst v40;
	v40 =	vtrunc.f32 v49;
	v61 =	vmax.f32 v53, $0.0e+00  }
0xdf: {  	v32 =	vld.idx.msk [tilespmem:v23+s29+$0x0], $0xffff;
	v63 =	vmin.f32 v60, $4.800000000e+01;
	v45 =	vmax.f32 v62, $0.0e+00;
	v42 =	vadd.f32 $2.450000000e+01, v59  }
0xe0: {  	v31 =	vld.idx.msk [tilespmem:v25+s29+$0x0], $0xffff;
	v38 =	vmax.f32 v55, $0.0e+00;
	v44 =	vmin.f32 v61, $4.800000000e+01;
	v41 =	vmin.f32 v45, $4.800000000e+01  }
0xe1: {  	v30 =	vld.idx.msk [tilespmem:v24+s29+$0x0], $0xffff;
	v45 =	vtrunc.f32 v63;
	v48 =	vmin.f32 v38, $4.800000000e+01;
	v42 =	vmax.f32 v42, $0.0e+00  }
0xe2: {  	v39 =	vtrunc.f32 v44;
	v44 =	vtrunc.f32 v48;
	v42 =	vmin.f32 v42, $4.800000000e+01;
	v38 =	vld.idx.msk [tilespmem:v37+s29+$0x0], $0xffff  }
.LBB2_4:
0xe3: {  	s7 =	sadd.s32 $0x80, s7;
	v43 =	vtrunc.f32 v43;
	v41 =	vtrunc.f32 v41;
	v37 =	vld.idx.msk [tilespmem:v37+s30+$0x0], $0xffff;
	s8 =	sadd.s32 $0x400, s8  }
0xe4: {  	v45 =	vcvt.f32.s32 v45;
	v42 =	vtrunc.f32 v42;
	s9 =	sadd.s32 $0x8, s9;
	s10 =	sand.u32 $0x4000, s7;
	s11 =	sand.u32 $0x3C00, s8;
	v46 =	vld.idx.msk [tilespmem:v25+s30+$0x0], $0xffff  }
0xe5: {  	v39 =	vcvt.f32.s32 v39;
	v44 =	vcvt.f32.s32 v44;
	s12 =	sand.u32 $0x380, s9;
	p0 =	slt.u32 s7, $0x7F80;
	s10 =	sor.u32 s11, s10;
	v47 =	vld.idx.msk [tilespmem:v24+s30+$0x0], $0xffff  }
0xe6: {  	v48 =	vcvt.f32.s32 v40;
	v25 =	vcvt.f32.s32 v43;
	s10 =	sor.u32 s10, s12;
	v40 =	vld.idx.msk [tilespmem:v23+s30+$0x0], $0xffff  }
0xe7: {  	v24 =	vcvt.f32.s32 v41;
	v38 =	vmul.f32 v38, v21;
	v21 =	vld [tilespmem:s10+$0x8270]  }
0xe8: {  	v26 =	vmul.f32 v26, v9;
	v9 =	vmov v15;
	v23 =	vcvt.f32.s32 v42;
	v15 =	vld [tilespmem:s10+$0x8200]  }
0xe9: {  	v27 =	vmul.f32 v27, v8;
	v28 =	vmul.f32 v28, v10;
	v8 =	vmovc v16;
	v37 =	vadd.f32 v38, v37;
	v16 =	vld [tilespmem:s10+$0x8210]  }
0xea: {  	v10 =	vmovc v17;
	v26 =	vadd.f32 v26, v35;
	v35 =	vmul.f32 v29, v11;
	v38 =	vmul.f32 v31, v14;
	v17 =	vld [tilespmem:s10+$0x8220]  }
0xeb: {  	v27 =	vadd.f32 v27, v34;
	v41 =	vmul.f32 v32, v12;
	v29 =	vld [tilespmem:s10+$0x8230];
	[tilespmem:s6+$0x8270] =	vst v37;
	v37 =	vmul.f32 v30, v13  }
0xec: {  	v11 =	vmovc v19;
	v30 =	vld [tilespmem:s10+$0x8240];
	v31 =	vmul.f32 $4.900000100e+00, v21;
	[tilespmem:s5+$0x8200] =	vst v26;
	v26 =	vadd.f32 v28, v33;
	v28 =	vadd.f32 v35, v36  }
0xed: {  	v14 =	vmovc v20;
	v33 =	vadd.f32 v38, v46;
	v42 =	vmul.f32 $4.900000100e+00, v15;
	v32 =	vld [tilespmem:s10+$0x8250];
	[tilespmem:s5+$0x8210] =	vst v27;
	v34 =	vadd.f32 v37, v47  }
0xee: {  	v12 =	vmovc v18;
	v13 =	vmovc v22;
	v43 =	vmul.f32 $4.900000100e+00, v16;
	v27 =	vadd.f32 $2.450000000e+01, v31;
	[tilespmem:s5+$0x8220] =	vst v26;
	v31 =	vadd.f32 v41, v40;
	v18 =	vld [tilespmem:s10+$0x8260]  }
0xef: {  	v35 =	vadd.f32 $2.450000000e+01, v42;
	v41 =	vmul.f32 $4.900000100e+00, v17;
	v26 =	vld.idx.msk [tilespmem:v45+s29+$0x0], $0xffff;
	[tilespmem:s5+$0x8230] =	vst v28  }
0xf0: {  	v36 =	vadd.f32 $2.450000000e+01, v43;
	v37 =	vmul.f32 $4.900000100e+00, v29;
	v40 =	vmax.f32 v27, $0.0e+00;
	v27 =	vld.idx.msk [tilespmem:v39+s29+$0x0], $0xffff;
	[tilespmem:s5+$0x8240] =	vst v33;
	v19 =	vmovc v29  }
0xf1: {  	v33 =	vadd.f32 $2.450000000e+01, v41;
	v38 =	vmul.f32 $4.900000100e+00, v30;
	v40 =	vmin.f32 v40, $4.800000000e+01;
	v28 =	vld.idx.msk [tilespmem:v44+s29+$0x0], $0xffff;
	[tilespmem:s5+$0x8250] =	vst v34;
	v20 =	vmovc v30  }
0xf2: {  	v34 =	vadd.f32 $2.450000000e+01, v37;
	v30 =	vmul.f32 $4.900000100e+00, v32;
	v37 =	vtrunc.f32 v40;
	v29 =	vld.idx.msk [tilespmem:v48+s29+$0x0], $0xffff;
	[tilespmem:s5+$0x8260] =	vst v31;
	v22 =	vmovc v32;
	s5 =	smov.u32 s6;
	s6 =	smov.u32 s10  }
0xf3: {  	v38 =	vadd.f32 $2.450000000e+01, v38;
	v32 =	vmul.f32 $4.900000100e+00, v18;
	v37 =	vcvt.f32.s32 v37;
	v31 =	vld.idx.msk [tilespmem:v25+s29+$0x0], $0xffff  }
0xf4: {  	v35 =	vmax.f32 v35, $0.0e+00;
	v36 =	vmax.f32 v36, $0.0e+00;
	v40 =	vadd.f32 $2.450000000e+01, v30;
	v30 =	vld.idx.msk [tilespmem:v24+s29+$0x0], $0xffff  }
0xf5: {  	v33 =	vmax.f32 v33, $0.0e+00;
	v41 =	vmax.f32 v34, $0.0e+00;
	v34 =	vadd.f32 $2.450000000e+01, v32;
	v32 =	vld.idx.msk [tilespmem:v23+s29+$0x0], $0xffff  }
.Ltmp1:
0xf6: {  	v42 =	vmin.f32 v35, $4.800000000e+01;
	v38 =	vmax.f32 v38, $0.0e+00;
	v40 =	vmax.f32 v40, $0.0e+00;
	v35 =	vld.idx.msk [tilespmem:v45+s30+$0x0], $0xffff;
	(pc) =	sbr.rel @p0 .LBB2_4-.Ltmp1, $4  }
0xf7: {  	v36 =	vmin.f32 v36, $4.800000000e+01;
	v46 =	vmin.f32 v33, $4.800000000e+01;
	v47 =	vmax.f32 v34, $0.0e+00;
	v34 =	vld.idx.msk [tilespmem:v39+s30+$0x0], $0xffff  }
0xf8: {  	v49 =	vmin.f32 v41, $4.800000000e+01;
	v43 =	vmin.f32 v38, $4.800000000e+01;
	v41 =	vmin.f32 v40, $4.800000000e+01;
	v33 =	vld.idx.msk [tilespmem:v44+s30+$0x0], $0xffff  }
0xf9: {  	v45 =	vtrunc.f32 v42;
	v39 =	vtrunc.f32 v36;
	v42 =	vmin.f32 v47, $4.800000000e+01;
	v38 =	vld.idx.msk [tilespmem:v37+s29+$0x0], $0xffff  }
0xfa: {  	v40 =	vtrunc.f32 v49;
	v44 =	vtrunc.f32 v46;
	v36 =	vld.idx.msk [tilespmem:v48+s30+$0x0], $0xffff  }
0xfb: {  	_ =	sdelay $0x1  }
0xfc: {  	v45 =	vcvt.f32.s32 v45  }
0xfd: {  	v39 =	vcvt.f32.s32 v39  }
0xfe: {  	v37 =	vld.idx.msk [tilespmem:v37+s30+$0x0], $0xffff;
	v44 =	vcvt.f32.s32 v44  }
0xff: {  	v25 =	vld.idx.msk [tilespmem:v25+s30+$0x0], $0xffff;
	v40 =	vcvt.f32.s32 v40  }
0x100: {  	v24 =	vld.idx.msk [tilespmem:v24+s30+$0x0], $0xffff  }
0x101: {  	v43 =	vtrunc.f32 v43;
	v23 =	vld.idx.msk [tilespmem:v23+s30+$0x0], $0xffff  }
0x102: {  	v41 =	vtrunc.f32 v41;
	v9 =	vmul.f32 v26, v9;
	v46 =	vld.idx.msk [tilespmem:v45+s29+$0x0], $0xffff  }
0x103: {  	v42 =	vtrunc.f32 v42;
	v8 =	vmul.f32 v27, v8;
	v47 =	vld.idx.msk [tilespmem:v39+s29+$0x0], $0xffff  }
0x104: {  	v10 =	vmul.f32 v28, v10;
	v43 =	vcvt.f32.s32 v43;
	v9 =	vadd.f32 v9, v35;
	v63 =	vld.idx.msk [tilespmem:v44+s29+$0x0], $0xffff  }
0x105: {  	v11 =	vmul.f32 v29, v11;
	v41 =	vcvt.f32.s32 v41;
	v8 =	vadd.f32 v8, v34;
	v26 =	vld.idx.msk [tilespmem:v40+s29+$0x0], $0xffff  }
0x106: {  	v42 =	vcvt.f32.s32 v42;
	[tilespmem:s5+$0x8200] =	vst v9;
	v9 =	vadd.f32 v10, v33;
	v10 =	vld.idx.msk [tilespmem:v45+s30+$0x0], $0xffff  }
0x107: {  	v11 =	vadd.f32 v11, v36;
	[tilespmem:s5+$0x8210] =	vst v8;
	v8 =	vld.idx.msk [tilespmem:v39+s30+$0x0], $0xffff  }
0x108: {  	v21 =	vmul.f32 v38, v21;
	[tilespmem:s5+$0x8220] =	vst v9;
	v9 =	vld.idx.msk [tilespmem:v44+s30+$0x0], $0xffff  }
0x109: {  	v14 =	vmul.f32 v31, v14;
	[tilespmem:s5+$0x8230] =	vst v11;
	v11 =	vld.idx.msk [tilespmem:v40+s30+$0x0], $0xffff  }
0x10a: {  	v13 =	vmul.f32 v30, v13;
	v21 =	vadd.f32 v21, v37;
	v27 =	vld.idx.msk [tilespmem:v43+s29+$0x0], $0xffff  }
0x10b: {  	v12 =	vmul.f32 v32, v12;
	v14 =	vadd.f32 v14, v25;
	v28 =	vld.idx.msk [tilespmem:v41+s29+$0x0], $0xffff  }
0x10c: {  	v13 =	vadd.f32 v13, v24;
	[tilespmem:s6+$0x8270] =	vst v21;
	v21 =	vld.idx.msk [tilespmem:v42+s29+$0x0], $0xffff;
	v15 =	vmul.f32 v46, v15  }
0x10d: {  	v12 =	vadd.f32 v12, v23;
	[tilespmem:s5+$0x8240] =	vst v14;
	v14 =	vld.idx.msk [tilespmem:v43+s30+$0x0], $0xffff;
	v16 =	vmul.f32 v47, v16  }
0x10e: {  	[tilespmem:s5+$0x8250] =	vst v13;
	v13 =	vld.idx.msk [tilespmem:v41+s30+$0x0], $0xffff;
	v17 =	vmul.f32 v63, v17;
	v10 =	vadd.f32 v15, v10  }
0x10f: {  	[tilespmem:s5+$0x8260] =	vst v12;
	v12 =	vld.idx.msk [tilespmem:v42+s30+$0x0], $0xffff;
	v15 =	vmul.f32 v26, v19;
	v8 =	vadd.f32 v16, v8  }
0x110: {  	v16 =	vmul.f32 v27, v20;
	v9 =	vadd.f32 v17, v9;
	[tilespmem:s6+$0x8200] =	vst v10  }
0x111: {  	v10 =	vmul.f32 v28, v22;
	v11 =	vadd.f32 v15, v11;
	[tilespmem:s6+$0x8210] =	vst v8  }
0x112: {  	v8 =	vmul.f32 v21, v18;
	v14 =	vadd.f32 v16, v14;
	[tilespmem:s6+$0x8220] =	vst v9  }
0x113: {  	v9 =	vadd.f32 v10, v13;
	[tilespmem:s6+$0x8230] =	vst v11  }
0x114: {  	v8 =	vadd.f32 v8, v12;
	[tilespmem:s6+$0x8240] =	vst v14  }
0x115: {  	[tilespmem:s6+$0x8250] =	vst v9  }
0x116: {  	[tilespmem:s6+$0x8260] =	vst v8  }
0x117: {  	s11 =	simm.s32 $0x0;
	s6 =	rddreg [dreg:$0x9]  }
0x118: {  	[hbm4b:s6+s11] =	stream.linear.scatter [tilespmem:s23], [sflag:$0x5], $0x8000, $0x38;
	[tilespmem:$0x18200] =	vst v63  }
0x119: {  	_ =	swait.ge [sflag:s25], $0x8000  }
0x11a: {  	s13 =	simm.s32 $0x0;
	s7 =	sand.u32 $0x3C00, s11;
	[sflag:s25] =	ssyncset.done $0x0  }
0x11b: {  	s6 =	sand.u32 $0x4000, s13;
	s12 =	rddreg [dreg:$0xa];
	[sflag:s25] =	ssyncadd.s32 $0xFFFF8000  }
0x11c: {  	[tilespmem:s22], [sflag:$0x1] =	stream.linear.gather [hbm4b:s12+s11], $0x8000, $0x38;
	[tilespmem:$0x18200] =	vst v63  }
0x11d: {  	s5 =	sand.u32 $0x380, s11;
	s6 =	sor.u32 s7, s6;
	_ =	swait.ge [sflag:s3], $0x8000  }
0x11e: {  	s5 =	sor.u32 s6, s5;
	[sflag:s3] =	ssyncset.done $0x0  }
0x11f: {  	s6 =	sadd.s32 $0x10200, s5;
	[sflag:s3] =	ssyncadd.s32 $0xFFFF8000  }
0x120: {  	v16 =	vld [tilespmem:s6+$0x70]  }
0x121: {  	v8 =	vld [tilespmem:s5+$0x10200]  }
0x122: {  	v11 =	vld [tilespmem:s6+$0x10]  }
0x123: {  	v12 =	vld [tilespmem:s6+$0x20]  }
0x124: {  	v10 =	vld [tilespmem:s6+$0x30]  }
0x125: {  	v14 =	vld [tilespmem:s6+$0x50]  }
0x126: {  	v15 =	vld [tilespmem:s6+$0x60];
	_ =	sdelay $0x1  }
0x127: {  	v9 =	vmul.f32 $4.900000100e+00, v16;
	v17 =	vmul.f32 $4.900000100e+00, v8  }
0x128: {  	v18 =	vmul.f32 $4.900000100e+00, v11;
	v19 =	vmul.f32 $4.900000100e+00, v12  }
0x129: {  	v20 =	vmul.f32 $4.900000100e+00, v10;
	v22 =	vmul.f32 $4.900000100e+00, v14;
	v13 =	vadd.f32 $2.450000000e+01, v9  }
0x12a: {  	v23 =	vmul.f32 $4.900000100e+00, v15;
	v17 =	vadd.f32 $2.450000000e+01, v17;
	v18 =	vadd.f32 $2.450000000e+01, v18  }
0x12b: {  	v19 =	vadd.f32 $2.450000000e+01, v19;
	v20 =	vadd.f32 $2.450000000e+01, v20;
	v13 =	vmax.f32 v13, $0.0e+00  }
0x12c: {  	s9 =	simm.s32 $0x80;
	s10 =	simm.s32 $0x400;
	v9 =	vld [tilespmem:s6+$0x40];
	v22 =	vadd.f32 $2.450000000e+01, v22;
	v23 =	vadd.f32 $2.450000000e+01, v23;
	v13 =	vmin.f32 v13, $4.800000000e+01  }
0x12d: {  	s14 =	sand.u32 $0x4000, s9;
	s8 =	sand.u32 $0x3C00, s10;
	s11 =	simm.s32 $0x8;
	v17 =	vmax.f32 v17, $0.0e+00;
	v18 =	vmax.f32 v18, $0.0e+00;
	v13 =	vtrunc.f32 v13  }
0x12e: {  	s7 =	sor.u32 s8, s14;
	s12 =	sand.u32 $0x380, s11;
	v19 =	vmax.f32 v19, $0.0e+00;
	v20 =	vmax.f32 v20, $0.0e+00;
	v13 =	vcvt.f32.s32 v13  }
0x12f: {  	s7 =	sor.u32 s7, s12;
	v22 =	vmax.f32 v22, $0.0e+00;
	v23 =	vmax.f32 v23, $0.0e+00;
	v20 =	vmin.f32 v20, $4.800000000e+01  }
0x130: {  	s8 =	sadd.s32 $0x10200, s7;
	v19 =	vmin.f32 v19, $4.800000000e+01;
	v22 =	vmin.f32 v22, $4.800000000e+01;
	v20 =	vtrunc.f32 v20  }
0x131: {  	v17 =	vmin.f32 v17, $4.800000000e+01;
	v25 =	vtrunc.f32 v22;
	v22 =	vld [tilespmem:s8+$0x70];
	v21 =	vmul.f32 $4.900000100e+00, v9  }
0x132: {  	v23 =	vmin.f32 v23, $4.800000000e+01;
	v17 =	vtrunc.f32 v17;
	v50 =	vcvt.f32.s32 v20;
	v20 =	vld [tilespmem:s8+$0x30]  }
0x133: {  	v27 =	vtrunc.f32 v23;
	v23 =	vcvt.f32.s32 v17;
	v17 =	vld [tilespmem:s8+$0x60];
	v21 =	vadd.f32 $2.450000000e+01, v21  }
0x134: {  	v18 =	vmin.f32 v18, $4.800000000e+01;
	v19 =	vtrunc.f32 v19;
	v24 =	vld.idx.msk [tilespmem:v13+s29+$0x0], $0xffff  }
0x135: {  	v18 =	vtrunc.f32 v18;
	v49 =	vcvt.f32.s32 v19;
	v19 =	vld [tilespmem:s8+$0x20];
	v21 =	vmax.f32 v21, $0.0e+00  }
0x136: {  	v48 =	vcvt.f32.s32 v18;
	v21 =	vmin.f32 v21, $4.800000000e+01;
	v26 =	vld.idx.msk [tilespmem:v13+s30+$0x0], $0xffff  }
0x137: {  	v31 =	vmul.f32 $4.900000100e+00, v20;
	v13 =	vld [tilespmem:s7+$0x10200];
	v21 =	vtrunc.f32 v21  }
0x138: {  	v59 =	vmul.f32 $4.900000100e+00, v17;
	v51 =	vcvt.f32.s32 v21;
	v21 =	vld [tilespmem:s8+$0x40]  }
0x139: {  	v18 =	vld [tilespmem:s8+$0x10];
	v30 =	vmul.f32 $4.900000100e+00, v22;
	v29 =	vmul.f32 v24, v16  }
0x13a: {  	v32 =	vld.idx.msk [tilespmem:v23+s29+$0x0], $0xffff;
	v57 =	vadd.f32 $2.450000000e+01, v31;
	v44 =	vadd.f32 $2.450000000e+01, v59  }
0x13b: {  	v25 =	vcvt.f32.s32 v25;
	v33 =	vld.idx.msk [tilespmem:v49+s30+$0x0], $0xffff;
	v52 =	vadd.f32 v29, v26;
	v29 =	vadd.f32 $2.450000000e+01, v30  }
0x13c: {  	v42 =	vmax.f32 v57, $0.0e+00;
	v28 =	vmul.f32 $4.900000100e+00, v13;
	v16 =	vld [tilespmem:s8+$0x50];
	v30 =	vmul.f32 $4.900000100e+00, v19  }
0x13d: {  	v35 =	vld.idx.msk [tilespmem:v50+s30+$0x0], $0xffff;
	v24 =	vcvt.f32.s32 v27;
	v55 =	vmul.f32 $4.900000100e+00, v21;
	v29 =	vmax.f32 v29, $0.0e+00  }
0x13e: {  	v27 =	vadd.f32 $2.450000000e+01, v28;
	v26 =	vld.idx.msk [tilespmem:v48+s29+$0x0], $0xffff;
	v56 =	vadd.f32 $2.450000000e+01, v30;
	v30 =	vmin.f32 v29, $4.800000000e+01  }
0x13f: {  	v63 =	vmax.f32 v44, $0.0e+00;
	v28 =	vmul.f32 $4.900000100e+00, v18;
	v36 =	vld.idx.msk [tilespmem:v51+s30+$0x0], $0xffff;
	v31 =	vtrunc.f32 v30  }
0x140: {  	v34 =	vadd.f32 $2.450000000e+01, v55;
	v53 =	vmax.f32 v27, $0.0e+00;
	v27 =	vld.idx.msk [tilespmem:v49+s29+$0x0], $0xffff;
	v37 =	vcvt.f32.s32 v31  }
0x141: {  	v62 =	vmin.f32 v42, $4.800000000e+01;
	v54 =	vadd.f32 $2.450000000e+01, v28;
	v28 =	vld.idx.msk [tilespmem:v50+s29+$0x0], $0xffff;
	v58 =	vmul.f32 $4.900000100e+00, v16  }
0x142: {  	v42 =	vmin.f32 v63, $4.800000000e+01;
	v44 =	vtrunc.f32 v62;
	v29 =	vld.idx.msk [tilespmem:v51+s29+$0x0], $0xffff;
	v61 =	vmax.f32 v34, $0.0e+00  }
0x143: {  	v34 =	vld.idx.msk [tilespmem:v48+s30+$0x0], $0xffff;
	v40 =	vmin.f32 v53, $4.800000000e+01;
	v60 =	vmax.f32 v54, $0.0e+00;
	v43 =	vadd.f32 $2.450000000e+01, v58  }
0x144: {  	v30 =	vld.idx.msk [tilespmem:v25+s29+$0x0], $0xffff;
	v41 =	vmax.f32 v56, $0.0e+00;
	v46 =	vmin.f32 v61, $4.800000000e+01;
	v45 =	vmin.f32 v60, $4.800000000e+01  }
0x145: {  	v31 =	vld.idx.msk [tilespmem:v24+s29+$0x0], $0xffff;
	v41 =	vmin.f32 v41, $4.800000000e+01;
	v39 =	vtrunc.f32 v46;
	v43 =	vmax.f32 v43, $0.0e+00  }
0x146: {  	[tilespmem:s6+$0x70] =	vst v52;
	v45 =	vtrunc.f32 v45;
	v41 =	vtrunc.f32 v41;
	v43 =	vmin.f32 v43, $4.800000000e+01;
	v38 =	vld.idx.msk [tilespmem:v37+s29+$0x0], $0xffff  }
.LBB2_6:
0x147: {  	s9 =	sadd.s32 $0x80, s9;
	v43 =	vtrunc.f32 v43;
	v42 =	vtrunc.f32 v42;
	s10 =	sadd.s32 $0x400, s10;
	v46 =	vld.idx.msk [tilespmem:v25+s30+$0x0], $0xffff  }
0x148: {  	v40 =	vtrunc.f32 v40;
	v45 =	vcvt.f32.s32 v45;
	s11 =	sadd.s32 $0x8, s11;
	s12 =	sand.u32 $0x4000, s9;
	s13 =	sand.u32 $0x3C00, s10;
	v37 =	vld.idx.msk [tilespmem:v37+s30+$0x0], $0xffff  }
0x149: {  	v41 =	vcvt.f32.s32 v41;
	v44 =	vcvt.f32.s32 v44;
	s14 =	sand.u32 $0x380, s11;
	p0 =	slt.u32 s9, $0x7F80;
	s12 =	sor.u32 s13, s12;
	v47 =	vld.idx.msk [tilespmem:v24+s30+$0x0], $0xffff  }
0x14a: {  	v39 =	vcvt.f32.s32 v39;
	v25 =	vcvt.f32.s32 v43;
	s12 =	sor.u32 s12, s14;
	v43 =	vld.idx.msk [tilespmem:v23+s30+$0x0], $0xffff  }
0x14b: {  	v24 =	vcvt.f32.s32 v42;
	v23 =	vcvt.f32.s32 v40;
	s13 =	sadd.s32 $0x10200, s12;
	v48 =	vld [tilespmem:s12+$0x10200]  }
0x14c: {  	v26 =	vmul.f32 v26, v11;
	v11 =	vmov v18;
	v38 =	vmul.f32 v38, v22;
	v22 =	vld [tilespmem:s13+$0x70]  }
0x14d: {  	v27 =	vmul.f32 v27, v12;
	v28 =	vmul.f32 v28, v10;
	v12 =	vmovc v19;
	v10 =	vmov v20;
	v18 =	vld [tilespmem:s13+$0x10]  }
0x14e: {  	v29 =	vmul.f32 v29, v9;
	v9 =	vmovc v21;
	v37 =	vadd.f32 v38, v37;
	v38 =	vmul.f32 v30, v14;
	v19 =	vld [tilespmem:s13+$0x20]  }
0x14f: {  	v26 =	vadd.f32 v26, v34;
	v40 =	vmul.f32 v31, v15;
	v30 =	vmul.f32 v32, v8;
	v8 =	vmovc v13;
	v20 =	vld [tilespmem:s13+$0x30]  }
0x150: {  	v27 =	vadd.f32 v27, v33;
	v28 =	vadd.f32 v28, v35;
	v31 =	vmul.f32 $4.900000100e+00, v48;
	v21 =	vld [tilespmem:s13+$0x40];
	[tilespmem:s8+$0x70] =	vst v37;
	v13 =	vmovc v48  }
0x151: {  	v29 =	vadd.f32 v29, v36;
	v14 =	vmovc v16;
	v33 =	vadd.f32 v38, v46;
	v32 =	vmul.f32 $4.900000100e+00, v22;
	[tilespmem:s6+$0x10] =	vst v26;
	v16 =	vld [tilespmem:s13+$0x50]  }
0x152: {  	v15 =	vmovc v17;
	v35 =	vadd.f32 v40, v47;
	v31 =	vadd.f32 $2.450000000e+01, v31;
	v34 =	vmul.f32 $4.900000100e+00, v18;
	[tilespmem:s6+$0x20] =	vst v27;
	v17 =	vld [tilespmem:s13+$0x60]  }
0x153: {  	v37 =	vadd.f32 v30, v43;
	v36 =	vmul.f32 $4.900000100e+00, v19;
	v32 =	vadd.f32 $2.450000000e+01, v32;
	v26 =	vld.idx.msk [tilespmem:v45+s29+$0x0], $0xffff;
	[tilespmem:s6+$0x30] =	vst v28  }
0x154: {  	v38 =	vmax.f32 v31, $0.0e+00;
	v31 =	vadd.f32 $2.450000000e+01, v34;
	v30 =	vmul.f32 $4.900000100e+00, v20;
	v27 =	vld.idx.msk [tilespmem:v41+s29+$0x0], $0xffff;
	[tilespmem:s6+$0x40] =	vst v29  }
0x155: {  	v34 =	vadd.f32 $2.450000000e+01, v36;
	v36 =	vmul.f32 $4.900000100e+00, v21;
	v29 =	vmax.f32 v32, $0.0e+00;
	v28 =	vld.idx.msk [tilespmem:v44+s29+$0x0], $0xffff;
	[tilespmem:s6+$0x50] =	vst v33  }
0x156: {  	v32 =	vadd.f32 $2.450000000e+01, v30;
	v33 =	vmul.f32 $4.900000100e+00, v16;
	v30 =	vmin.f32 v29, $4.800000000e+01;
	v29 =	vld.idx.msk [tilespmem:v39+s29+$0x0], $0xffff;
	[tilespmem:s6+$0x60] =	vst v35;
	s6 =	smov.u32 s8;
	s8 =	smov.u32 s13  }
0x157: {  	v35 =	vadd.f32 $2.450000000e+01, v36;
	v36 =	vmul.f32 $4.900000100e+00, v17;
	v40 =	vtrunc.f32 v30;
	v30 =	vld.idx.msk [tilespmem:v25+s29+$0x0], $0xffff;
	[tilespmem:s5+$0x10200] =	vst v37;
	s5 =	smov.u32 s7;
	s7 =	smov.u32 s12  }
0x158: {  	v42 =	vmax.f32 v31, $0.0e+00;
	v33 =	vadd.f32 $2.450000000e+01, v33;
	v37 =	vcvt.f32.s32 v40;
	v31 =	vld.idx.msk [tilespmem:v24+s29+$0x0], $0xffff  }
0x159: {  	v40 =	vmax.f32 v34, $0.0e+00;
	v43 =	vmax.f32 v32, $0.0e+00;
	v36 =	vadd.f32 $2.450000000e+01, v36;
	v32 =	vld.idx.msk [tilespmem:v23+s29+$0x0], $0xffff  }
.Ltmp2:
0x15a: {  	v46 =	vmin.f32 v42, $4.800000000e+01;
	v35 =	vmax.f32 v35, $0.0e+00;
	v42 =	vmax.f32 v33, $0.0e+00;
	v34 =	vld.idx.msk [tilespmem:v45+s30+$0x0], $0xffff;
	(pc) =	sbr.rel @p0 .LBB2_6-.Ltmp2, $4  }
0x15b: {  	v47 =	vmin.f32 v40, $4.800000000e+01;
	v48 =	vmin.f32 v43, $4.800000000e+01;
	v36 =	vmax.f32 v36, $0.0e+00;
	v33 =	vld.idx.msk [tilespmem:v41+s30+$0x0], $0xffff  }
0x15c: {  	v49 =	vmin.f32 v35, $4.800000000e+01;
	v43 =	vmin.f32 v42, $4.800000000e+01;
	v42 =	vmin.f32 v36, $4.800000000e+01;
	v35 =	vld.idx.msk [tilespmem:v44+s30+$0x0], $0xffff  }
0x15d: {  	v40 =	vmin.f32 v38, $4.800000000e+01;
	v45 =	vtrunc.f32 v46;
	v41 =	vtrunc.f32 v47;
	v36 =	vld.idx.msk [tilespmem:v39+s30+$0x0], $0xffff  }
0x15e: {  	v44 =	vtrunc.f32 v48;
	v39 =	vtrunc.f32 v49;
	v38 =	vld.idx.msk [tilespmem:v37+s29+$0x0], $0xffff  }
0x15f: {  	_ =	sdelay $0x1  }
0x160: {  	v45 =	vcvt.f32.s32 v45  }
0x161: {  	v41 =	vcvt.f32.s32 v41  }
0x162: {  	v25 =	vld.idx.msk [tilespmem:v25+s30+$0x0], $0xffff;
	v44 =	vcvt.f32.s32 v44  }
0x163: {  	v37 =	vld.idx.msk [tilespmem:v37+s30+$0x0], $0xffff;
	v39 =	vcvt.f32.s32 v39  }
0x164: {  	v24 =	vld.idx.msk [tilespmem:v24+s30+$0x0], $0xffff  }
0x165: {  	v23 =	vld.idx.msk [tilespmem:v23+s30+$0x0], $0xffff  }
0x166: {  	v43 =	vtrunc.f32 v43;
	v11 =	vmul.f32 v26, v11;
	v46 =	vld.idx.msk [tilespmem:v45+s29+$0x0], $0xffff  }
0x167: {  	v42 =	vtrunc.f32 v42;
	v12 =	vmul.f32 v27, v12;
	v47 =	vld.idx.msk [tilespmem:v41+s29+$0x0], $0xffff  }
0x168: {  	v10 =	vmul.f32 v28, v10;
	v43 =	vcvt.f32.s32 v43;
	v11 =	vadd.f32 v11, v34;
	v50 =	vld.idx.msk [tilespmem:v44+s29+$0x0], $0xffff  }
0x169: {  	v9 =	vmul.f32 v29, v9;
	v42 =	vcvt.f32.s32 v42;
	v12 =	vadd.f32 v12, v33;
	v26 =	vld.idx.msk [tilespmem:v39+s29+$0x0], $0xffff  }
0x16a: {  	v40 =	vtrunc.f32 v40;
	v10 =	vadd.f32 v10, v35;
	[tilespmem:s6+$0x10] =	vst v11;
	v11 =	vld.idx.msk [tilespmem:v45+s30+$0x0], $0xffff  }
0x16b: {  	v40 =	vcvt.f32.s32 v40;
	v9 =	vadd.f32 v9, v36;
	[tilespmem:s6+$0x20] =	vst v12;
	v12 =	vld.idx.msk [tilespmem:v41+s30+$0x0], $0xffff  }
0x16c: {  	v14 =	vmul.f32 v30, v14;
	[tilespmem:s6+$0x30] =	vst v10;
	v10 =	vld.idx.msk [tilespmem:v44+s30+$0x0], $0xffff  }
0x16d: {  	v22 =	vmul.f32 v38, v22;
	[tilespmem:s6+$0x40] =	vst v9;
	v9 =	vld.idx.msk [tilespmem:v39+s30+$0x0], $0xffff  }
0x16e: {  	v15 =	vmul.f32 v31, v15;
	v14 =	vadd.f32 v14, v25;
	v27 =	vld.idx.msk [tilespmem:v43+s29+$0x0], $0xffff  }
0x16f: {  	v8 =	vmul.f32 v32, v8;
	v22 =	vadd.f32 v22, v37;
	v28 =	vld.idx.msk [tilespmem:v42+s29+$0x0], $0xffff  }
0x170: {  	v15 =	vadd.f32 v15, v24;
	[tilespmem:s6+$0x50] =	vst v14;
	v14 =	vld.idx.msk [tilespmem:v43+s30+$0x0], $0xffff;
	v18 =	vmul.f32 v46, v18  }
0x171: {  	v8 =	vadd.f32 v8, v23;
	[tilespmem:s8+$0x70] =	vst v22;
	v22 =	vld.idx.msk [tilespmem:v40+s29+$0x0], $0xffff;
	v19 =	vmul.f32 v47, v19  }
0x172: {  	[tilespmem:s6+$0x60] =	vst v15;
	v15 =	vld.idx.msk [tilespmem:v42+s30+$0x0], $0xffff;
	v20 =	vmul.f32 v50, v20;
	v11 =	vadd.f32 v18, v11  }
0x173: {  	[tilespmem:s5+$0x10200] =	vst v8;
	v8 =	vld.idx.msk [tilespmem:v40+s30+$0x0], $0xffff;
	v18 =	vmul.f32 v26, v21;
	v12 =	vadd.f32 v19, v12  }
0x174: {  	v16 =	vmul.f32 v27, v16;
	v10 =	vadd.f32 v20, v10;
	[tilespmem:s8+$0x10] =	vst v11  }
0x175: {  	v11 =	vmul.f32 v28, v17;
	v9 =	vadd.f32 v18, v9;
	[tilespmem:s8+$0x20] =	vst v12  }
0x176: {  	v12 =	vmul.f32 v22, v13;
	v13 =	vadd.f32 v16, v14;
	[tilespmem:s8+$0x30] =	vst v10  }
0x177: {  	v10 =	vadd.f32 v11, v15;
	[tilespmem:s8+$0x40] =	vst v9  }
0x178: {  	v8 =	vadd.f32 v12, v8;
	[tilespmem:s8+$0x50] =	vst v13  }
0x179: {  	[tilespmem:s8+$0x60] =	vst v10  }
0x17a: {  	[tilespmem:s7+$0x10200] =	vst v8  }
0x17b: {  	s10 =	simm.s32 $0x0;
	s6 =	rddreg [dreg:$0xb]  }
0x17c: {  	[hbm4b:s6+s10] =	stream.linear.scatter [tilespmem:s31], [sflag:$0x6], $0x8000, $0x38;
	[tilespmem:$0x18200] =	vst v63  }
0x17d: {  	_ =	swait.ge [sflag:s26], $0x8000  }
0x17e: {  	[sflag:s26] =	ssyncset.done $0x0  }
0x17f: {  	s12 =	simm.s32 $0x0;
	s11 =	rddreg [dreg:$0xc];
	[sflag:s26] =	ssyncadd.s32 $0xFFFF8000  }
0x180: {  	[tilespmem:s23], [sflag:$0x2] =	stream.linear.gather [hbm4b:s11+s10], $0x8000, $0x38;
	[tilespmem:$0x18200] =	vst v63  }
0x181: {  	s13 =	sand.u32 $0x3C00, s10;
	s6 =	sand.u32 $0x4000, s12;
	_ =	swait.ge [sflag:s28], $0x8000  }
0x182: {  	s5 =	sand.u32 $0x380, s10;
	s6 =	sor.u32 s13, s6;
	[sflag:s28] =	ssyncset.done $0x0  }
0x183: {  	s5 =	sor.u32 s6, s5;
	[sflag:s28] =	ssyncadd.s32 $0xFFFF8000  }
0x184: {  	v18 =	vld [tilespmem:s5+$0x270]  }
0x185: {  	v9 =	vld [tilespmem:s5+$0x200]  }
0x186: {  	v8 =	vld [tilespmem:s5+$0x210]  }
0x187: {  	v10 =	vld [tilespmem:s5+$0x220]  }
0x188: {  	v11 =	vld [tilespmem:s5+$0x230]  }
0x189: {  	v14 =	vld [tilespmem:s5+$0x240]  }
0x18a: {  	v13 =	vld [tilespmem:s5+$0x250];
	_ =	sdelay $0x1  }
0x18b: {  	v12 =	vmul.f32 $4.900000100e+00, v18;
	v15 =	vmul.f32 $4.900000100e+00, v9  }
0x18c: {  	v17 =	vmul.f32 $4.900000100e+00, v8;
	v19 =	vmul.f32 $4.900000100e+00, v10  }
0x18d: {  	v20 =	vmul.f32 $4.900000100e+00, v11;
	v21 =	vmul.f32 $4.900000100e+00, v14;
	v12 =	vadd.f32 $2.450000000e+01, v12  }
0x18e: {  	v22 =	vmul.f32 $4.900000100e+00, v13;
	v15 =	vadd.f32 $2.450000000e+01, v15;
	v17 =	vadd.f32 $2.450000000e+01, v17  }
0x18f: {  	v19 =	vadd.f32 $2.450000000e+01, v19;
	v20 =	vadd.f32 $2.450000000e+01, v20;
	v16 =	vmax.f32 v12, $0.0e+00  }
0x190: {  	s7 =	simm.s32 $0x80;
	s8 =	simm.s32 $0x400;
	v21 =	vadd.f32 $2.450000000e+01, v21;
	v15 =	vmax.f32 v15, $0.0e+00;
	v16 =	vmin.f32 v16, $4.800000000e+01  }
0x191: {  	s9 =	simm.s32 $0x8;
	s14 =	sand.u32 $0x4000, s7;
	s10 =	sand.u32 $0x3C00, s8;
	v17 =	vmax.f32 v17, $0.0e+00;
	v19 =	vmax.f32 v19, $0.0e+00;
	v16 =	vtrunc.f32 v16  }
0x192: {  	s11 =	sand.u32 $0x380, s9;
	s6 =	sor.u32 s10, s14;
	v12 =	vld [tilespmem:s5+$0x260];
	v20 =	vmax.f32 v20, $0.0e+00;
	v19 =	vmin.f32 v19, $4.800000000e+01;
	v16 =	vcvt.f32.s32 v16  }
0x193: {  	s6 =	sor.u32 s6, s11;
	v21 =	vmax.f32 v21, $0.0e+00;
	v20 =	vmin.f32 v20, $4.800000000e+01;
	v19 =	vtrunc.f32 v19  }
0x194: {  	v15 =	vmin.f32 v15, $4.800000000e+01;
	v20 =	vtrunc.f32 v20;
	v36 =	vcvt.f32.s32 v19;
	v19 =	vld [tilespmem:s6+$0x230]  }
0x195: {  	v17 =	vmin.f32 v17, $4.800000000e+01;
	v25 =	vtrunc.f32 v15;
	v46 =	vcvt.f32.s32 v20;
	v20 =	vld [tilespmem:s6+$0x240]  }
0x196: {  	v15 =	vmin.f32 v21, $4.800000000e+01;
	v17 =	vtrunc.f32 v17;
	v21 =	vld [tilespmem:s6+$0x270];
	v51 =	vcvt.f32.s32 v25  }
0x197: {  	v22 =	vadd.f32 $2.450000000e+01, v22;
	v34 =	vcvt.f32.s32 v17;
	v17 =	vld [tilespmem:s6+$0x220];
	v23 =	vmul.f32 $4.900000100e+00, v12  }
0x198: {  	v24 =	vld.idx.msk [tilespmem:v16+s29+$0x0], $0xffff  }
0x199: {  	v22 =	vmax.f32 v22, $0.0e+00;
	v23 =	vadd.f32 $2.450000000e+01, v23;
	v31 =	vmul.f32 $4.900000100e+00, v19;
	v26 =	vld.idx.msk [tilespmem:v16+s30+$0x0], $0xffff  }
0x19a: {  	v54 =	vmul.f32 $4.900000100e+00, v20;
	v16 =	vmin.f32 v22, $4.800000000e+01;
	v22 =	vtrunc.f32 v15;
	v15 =	vld [tilespmem:s6+$0x200]  }
0x19b: {  	v23 =	vmax.f32 v23, $0.0e+00;
	v27 =	vtrunc.f32 v16;
	v16 =	vld [tilespmem:s6+$0x210];
	v56 =	vadd.f32 $2.450000000e+01, v31  }
0x19c: {  	v28 =	vmul.f32 $4.900000100e+00, v21;
	v23 =	vmin.f32 v23, $4.800000000e+01;
	v25 =	vcvt.f32.s32 v22;
	v22 =	vld [tilespmem:s6+$0x250]  }
0x19d: {  	v35 =	vld.idx.msk [tilespmem:v51+s30+$0x0], $0xffff;
	v58 =	vadd.f32 $2.450000000e+01, v54;
	v23 =	vtrunc.f32 v23;
	v39 =	vmax.f32 v56, $0.0e+00  }
0x19e: {  	v33 =	vld.idx.msk [tilespmem:v36+s30+$0x0], $0xffff;
	v29 =	vmul.f32 v24, v18;
	v24 =	vcvt.f32.s32 v27;
	v27 =	vadd.f32 $2.450000000e+01, v28  }
0x19f: {  	v23 =	vcvt.f32.s32 v23;
	v41 =	vmax.f32 v58, $0.0e+00;
	v49 =	vmin.f32 v39, $4.800000000e+01;
	v18 =	vld [tilespmem:s6+$0x260]  }
0x1a0: {  	v30 =	vmul.f32 $4.900000100e+00, v15;
	v40 =	vadd.f32 v29, v26;
	v26 =	vld.idx.msk [tilespmem:v51+s29+$0x0], $0xffff;
	v52 =	vmax.f32 v27, $0.0e+00  }
0x1a1: {  	v28 =	vmul.f32 $4.900000100e+00, v16;
	v57 =	vmul.f32 $4.900000100e+00, v22;
	v27 =	vld.idx.msk [tilespmem:v34+s29+$0x0], $0xffff;
	v32 =	vmin.f32 v52, $4.800000000e+01  }
0x1a2: {  	v43 =	vmin.f32 v41, $4.800000000e+01;
	v29 =	vmul.f32 $4.900000100e+00, v17;
	v34 =	vld.idx.msk [tilespmem:v34+s30+$0x0], $0xffff;
	v31 =	vtrunc.f32 v32  }
0x1a3: {  	v30 =	vadd.f32 $2.450000000e+01, v30;
	v53 =	vadd.f32 $2.450000000e+01, v28;
	v28 =	vld.idx.msk [tilespmem:v36+s29+$0x0], $0xffff;
	v37 =	vcvt.f32.s32 v31  }
0x1a4: {  	v62 =	vadd.f32 $2.450000000e+01, v57;
	v36 =	vld.idx.msk [tilespmem:v46+s30+$0x0], $0xffff;
	v55 =	vadd.f32 $2.450000000e+01, v29;
	v59 =	vmul.f32 $4.900000100e+00, v18  }
0x1a5: {  	v29 =	vld.idx.msk [tilespmem:v46+s29+$0x0], $0xffff;
	v60 =	vmax.f32 v30, $0.0e+00;
	[tilespmem:s5+$0x270] =	vst v40;
	v40 =	vtrunc.f32 v49;
	v61 =	vmax.f32 v53, $0.0e+00  }
0x1a6: {  	v32 =	vld.idx.msk [tilespmem:v23+s29+$0x0], $0xffff;
	v63 =	vmin.f32 v60, $4.800000000e+01;
	v45 =	vmax.f32 v62, $0.0e+00;
	v42 =	vadd.f32 $2.450000000e+01, v59  }
0x1a7: {  	v31 =	vld.idx.msk [tilespmem:v25+s29+$0x0], $0xffff;
	v38 =	vmax.f32 v55, $0.0e+00;
	v44 =	vmin.f32 v61, $4.800000000e+01;
	v41 =	vmin.f32 v45, $4.800000000e+01  }
0x1a8: {  	v30 =	vld.idx.msk [tilespmem:v24+s29+$0x0], $0xffff;
	v45 =	vtrunc.f32 v63;
	v48 =	vmin.f32 v38, $4.800000000e+01;
	v42 =	vmax.f32 v42, $0.0e+00  }
0x1a9: {  	v39 =	vtrunc.f32 v44;
	v44 =	vtrunc.f32 v48;
	v42 =	vmin.f32 v42, $4.800000000e+01;
	v38 =	vld.idx.msk [tilespmem:v37+s29+$0x0], $0xffff  }
.LBB2_8:
0x1aa: {  	s7 =	sadd.s32 $0x80, s7;
	v43 =	vtrunc.f32 v43;
	v41 =	vtrunc.f32 v41;
	v37 =	vld.idx.msk [tilespmem:v37+s30+$0x0], $0xffff;
	s8 =	sadd.s32 $0x400, s8  }
0x1ab: {  	v45 =	vcvt.f32.s32 v45;
	v42 =	vtrunc.f32 v42;
	s9 =	sadd.s32 $0x8, s9;
	s10 =	sand.u32 $0x4000, s7;
	s11 =	sand.u32 $0x3C00, s8;
	v46 =	vld.idx.msk [tilespmem:v25+s30+$0x0], $0xffff  }
0x1ac: {  	v39 =	vcvt.f32.s32 v39;
	v44 =	vcvt.f32.s32 v44;
	s12 =	sand.u32 $0x380, s9;
	p0 =	slt.u32 s7, $0x7F80;
	s10 =	sor.u32 s11, s10;
	v47 =	vld.idx.msk [tilespmem:v24+s30+$0x0], $0xffff  }
0x1ad: {  	v48 =	vcvt.f32.s32 v40;
	v25 =	vcvt.f32.s32 v43;
	s10 =	sor.u32 s10, s12;
	v40 =	vld.idx.msk [tilespmem:v23+s30+$0x0], $0xffff  }
0x1ae: {  	v24 =	vcvt.f32.s32 v41;
	v38 =	vmul.f32 v38, v21;
	v21 =	vld [tilespmem:s10+$0x270]  }
0x1af: {  	v26 =	vmul.f32 v26, v9;
	v9 =	vmov v15;
	v23 =	vcvt.f32.s32 v42;
	v15 =	vld [tilespmem:s10+$0x200]  }
0x1b0: {  	v27 =	vmul.f32 v27, v8;
	v28 =	vmul.f32 v28, v10;
	v8 =	vmovc v16;
	v37 =	vadd.f32 v38, v37;
	v16 =	vld [tilespmem:s10+$0x210]  }
0x1b1: {  	v10 =	vmovc v17;
	v26 =	vadd.f32 v26, v35;
	v35 =	vmul.f32 v29, v11;
	v38 =	vmul.f32 v31, v14;
	v17 =	vld [tilespmem:s10+$0x220]  }
0x1b2: {  	v27 =	vadd.f32 v27, v34;
	v41 =	vmul.f32 v32, v12;
	v29 =	vld [tilespmem:s10+$0x230];
	[tilespmem:s6+$0x270] =	vst v37;
	v37 =	vmul.f32 v30, v13  }
0x1b3: {  	v11 =	vmovc v19;
	v30 =	vld [tilespmem:s10+$0x240];
	v31 =	vmul.f32 $4.900000100e+00, v21;
	[tilespmem:s5+$0x200] =	vst v26;
	v26 =	vadd.f32 v28, v33;
	v28 =	vadd.f32 v35, v36  }
0x1b4: {  	v14 =	vmovc v20;
	v33 =	vadd.f32 v38, v46;
	v42 =	vmul.f32 $4.900000100e+00, v15;
	v32 =	vld [tilespmem:s10+$0x250];
	[tilespmem:s5+$0x210] =	vst v27;
	v34 =	vadd.f32 v37, v47  }
0x1b5: {  	v12 =	vmovc v18;
	v13 =	vmovc v22;
	v43 =	vmul.f32 $4.900000100e+00, v16;
	v27 =	vadd.f32 $2.450000000e+01, v31;
	[tilespmem:s5+$0x220] =	vst v26;
	v31 =	vadd.f32 v41, v40;
	v18 =	vld [tilespmem:s10+$0x260]  }
0x1b6: {  	v35 =	vadd.f32 $2.450000000e+01, v42;
	v41 =	vmul.f32 $4.900000100e+00, v17;
	v26 =	vld.idx.msk [tilespmem:v45+s29+$0x0], $0xffff;
	[tilespmem:s5+$0x230] =	vst v28  }
0x1b7: {  	v36 =	vadd.f32 $2.450000000e+01, v43;
	v37 =	vmul.f32 $4.900000100e+00, v29;
	v40 =	vmax.f32 v27, $0.0e+00;
	v27 =	vld.idx.msk [tilespmem:v39+s29+$0x0], $0xffff;
	[tilespmem:s5+$0x240] =	vst v33;
	v19 =	vmovc v29  }
0x1b8: {  	v33 =	vadd.f32 $2.450000000e+01, v41;
	v38 =	vmul.f32 $4.900000100e+00, v30;
	v40 =	vmin.f32 v40, $4.800000000e+01;
	v28 =	vld.idx.msk [tilespmem:v44+s29+$0x0], $0xffff;
	[tilespmem:s5+$0x250] =	vst v34;
	v20 =	vmovc v30  }
0x1b9: {  	v34 =	vadd.f32 $2.450000000e+01, v37;
	v30 =	vmul.f32 $4.900000100e+00, v32;
	v37 =	vtrunc.f32 v40;
	v29 =	vld.idx.msk [tilespmem:v48+s29+$0x0], $0xffff;
	[tilespmem:s5+$0x260] =	vst v31;
	v22 =	vmovc v32;
	s5 =	smov.u32 s6;
	s6 =	smov.u32 s10  }
0x1ba: {  	v38 =	vadd.f32 $2.450000000e+01, v38;
	v32 =	vmul.f32 $4.900000100e+00, v18;
	v37 =	vcvt.f32.s32 v37;
	v31 =	vld.idx.msk [tilespmem:v25+s29+$0x0], $0xffff  }
0x1bb: {  	v35 =	vmax.f32 v35, $0.0e+00;
	v36 =	vmax.f32 v36, $0.0e+00;
	v40 =	vadd.f32 $2.450000000e+01, v30;
	v30 =	vld.idx.msk [tilespmem:v24+s29+$0x0], $0xffff  }
0x1bc: {  	v33 =	vmax.f32 v33, $0.0e+00;
	v41 =	vmax.f32 v34, $0.0e+00;
	v34 =	vadd.f32 $2.450000000e+01, v32;
	v32 =	vld.idx.msk [tilespmem:v23+s29+$0x0], $0xffff  }
.Ltmp3:
0x1bd: {  	v42 =	vmin.f32 v35, $4.800000000e+01;
	v38 =	vmax.f32 v38, $0.0e+00;
	v40 =	vmax.f32 v40, $0.0e+00;
	v35 =	vld.idx.msk [tilespmem:v45+s30+$0x0], $0xffff;
	(pc) =	sbr.rel @p0 .LBB2_8-.Ltmp3, $4  }
0x1be: {  	v36 =	vmin.f32 v36, $4.800000000e+01;
	v46 =	vmin.f32 v33, $4.800000000e+01;
	v47 =	vmax.f32 v34, $0.0e+00;
	v34 =	vld.idx.msk [tilespmem:v39+s30+$0x0], $0xffff  }
0x1bf: {  	v49 =	vmin.f32 v41, $4.800000000e+01;
	v43 =	vmin.f32 v38, $4.800000000e+01;
	v41 =	vmin.f32 v40, $4.800000000e+01;
	v33 =	vld.idx.msk [tilespmem:v44+s30+$0x0], $0xffff  }
0x1c0: {  	v45 =	vtrunc.f32 v42;
	v39 =	vtrunc.f32 v36;
	v42 =	vmin.f32 v47, $4.800000000e+01;
	v38 =	vld.idx.msk [tilespmem:v37+s29+$0x0], $0xffff  }
0x1c1: {  	v40 =	vtrunc.f32 v49;
	v44 =	vtrunc.f32 v46;
	v36 =	vld.idx.msk [tilespmem:v48+s30+$0x0], $0xffff  }
0x1c2: {  	_ =	sdelay $0x1  }
0x1c3: {  	v45 =	vcvt.f32.s32 v45  }
0x1c4: {  	v39 =	vcvt.f32.s32 v39  }
0x1c5: {  	v37 =	vld.idx.msk [tilespmem:v37+s30+$0x0], $0xffff;
	v44 =	vcvt.f32.s32 v44  }
0x1c6: {  	v25 =	vld.idx.msk [tilespmem:v25+s30+$0x0], $0xffff;
	v40 =	vcvt.f32.s32 v40  }
0x1c7: {  	v24 =	vld.idx.msk [tilespmem:v24+s30+$0x0], $0xffff  }
0x1c8: {  	v43 =	vtrunc.f32 v43;
	v23 =	vld.idx.msk [tilespmem:v23+s30+$0x0], $0xffff  }
0x1c9: {  	v41 =	vtrunc.f32 v41;
	v9 =	vmul.f32 v26, v9;
	v46 =	vld.idx.msk [tilespmem:v45+s29+$0x0], $0xffff  }
0x1ca: {  	v42 =	vtrunc.f32 v42;
	v8 =	vmul.f32 v27, v8;
	v47 =	vld.idx.msk [tilespmem:v39+s29+$0x0], $0xffff  }
0x1cb: {  	v10 =	vmul.f32 v28, v10;
	v43 =	vcvt.f32.s32 v43;
	v9 =	vadd.f32 v9, v35;
	v50 =	vld.idx.msk [tilespmem:v44+s29+$0x0], $0xffff  }
0x1cc: {  	v11 =	vmul.f32 v29, v11;
	v41 =	vcvt.f32.s32 v41;
	v8 =	vadd.f32 v8, v34;
	v26 =	vld.idx.msk [tilespmem:v40+s29+$0x0], $0xffff  }
0x1cd: {  	v42 =	vcvt.f32.s32 v42;
	[tilespmem:s5+$0x200] =	vst v9;
	v9 =	vadd.f32 v10, v33;
	v10 =	vld.idx.msk [tilespmem:v45+s30+$0x0], $0xffff  }
0x1ce: {  	v11 =	vadd.f32 v11, v36;
	[tilespmem:s5+$0x210] =	vst v8;
	v8 =	vld.idx.msk [tilespmem:v39+s30+$0x0], $0xffff  }
0x1cf: {  	v21 =	vmul.f32 v38, v21;
	[tilespmem:s5+$0x220] =	vst v9;
	v9 =	vld.idx.msk [tilespmem:v44+s30+$0x0], $0xffff  }
0x1d0: {  	v14 =	vmul.f32 v31, v14;
	[tilespmem:s5+$0x230] =	vst v11;
	v11 =	vld.idx.msk [tilespmem:v40+s30+$0x0], $0xffff  }
0x1d1: {  	v13 =	vmul.f32 v30, v13;
	v21 =	vadd.f32 v21, v37;
	v27 =	vld.idx.msk [tilespmem:v43+s29+$0x0], $0xffff  }
0x1d2: {  	v12 =	vmul.f32 v32, v12;
	v14 =	vadd.f32 v14, v25;
	v28 =	vld.idx.msk [tilespmem:v41+s29+$0x0], $0xffff  }
0x1d3: {  	v13 =	vadd.f32 v13, v24;
	[tilespmem:s6+$0x270] =	vst v21;
	v21 =	vld.idx.msk [tilespmem:v42+s29+$0x0], $0xffff;
	v15 =	vmul.f32 v46, v15  }
0x1d4: {  	v12 =	vadd.f32 v12, v23;
	[tilespmem:s5+$0x240] =	vst v14;
	v14 =	vld.idx.msk [tilespmem:v43+s30+$0x0], $0xffff;
	v16 =	vmul.f32 v47, v16  }
0x1d5: {  	[tilespmem:s5+$0x250] =	vst v13;
	v13 =	vld.idx.msk [tilespmem:v41+s30+$0x0], $0xffff;
	v17 =	vmul.f32 v50, v17;
	v10 =	vadd.f32 v15, v10  }
0x1d6: {  	[tilespmem:s5+$0x260] =	vst v12;
	v12 =	vld.idx.msk [tilespmem:v42+s30+$0x0], $0xffff;
	v15 =	vmul.f32 v26, v19;
	v8 =	vadd.f32 v16, v8  }
0x1d7: {  	v16 =	vmul.f32 v27, v20;
	v9 =	vadd.f32 v17, v9;
	[tilespmem:s6+$0x200] =	vst v10  }
0x1d8: {  	v10 =	vmul.f32 v28, v22;
	v11 =	vadd.f32 v15, v11;
	[tilespmem:s6+$0x210] =	vst v8  }
0x1d9: {  	v8 =	vmul.f32 v21, v18;
	v14 =	vadd.f32 v16, v14;
	[tilespmem:s6+$0x220] =	vst v9  }
0x1da: {  	v9 =	vadd.f32 v10, v13;
	[tilespmem:s6+$0x230] =	vst v11  }
0x1db: {  	v8 =	vadd.f32 v8, v12;
	[tilespmem:s6+$0x240] =	vst v14  }
0x1dc: {  	[tilespmem:s6+$0x250] =	vst v9  }
0x1dd: {  	[tilespmem:s6+$0x260] =	vst v8  }
0x1de: {  	s11 =	simm.s32 $0x0;
	s6 =	rddreg [dreg:$0xd]  }
0x1df: {  	[hbm4b:s6+s11] =	stream.linear.scatter [tilespmem:s22], [sflag:$0x4], $0x8000, $0x38;
	[tilespmem:$0x18200] =	vst v63  }
0x1e0: {  	_ =	swait.ge [sflag:s1], $0x8000  }
0x1e1: {  	[sflag:s1] =	ssyncset.done $0x0  }
0x1e2: {  	s13 =	simm.s32 $0x0;
	s12 =	rddreg [dreg:$0xe];
	[sflag:s1] =	ssyncadd.s32 $0xFFFF8000  }
0x1e3: {  	[tilespmem:s31], [sflag:$0x3] =	stream.linear.gather [hbm4b:s12+s11], $0x8000, $0x38;
	[tilespmem:$0x18200] =	vst v63  }
0x1e4: {  	s7 =	sand.u32 $0x3C00, s11;
	s6 =	sand.u32 $0x4000, s13;
	_ =	swait.ge [sflag:s0], $0x8000  }
0x1e5: {  	s5 =	sand.u32 $0x380, s11;
	s6 =	sor.u32 s7, s6;
	[sflag:s0] =	ssyncset.done $0x0  }
0x1e6: {  	s5 =	sor.u32 s6, s5;
	[sflag:s0] =	ssyncadd.s32 $0xFFFF8000  }
0x1e7: {  	v18 =	vld [tilespmem:s5+$0x8270]  }
0x1e8: {  	v9 =	vld [tilespmem:s5+$0x8200]  }
0x1e9: {  	v8 =	vld [tilespmem:s5+$0x8210]  }
0x1ea: {  	v10 =	vld [tilespmem:s5+$0x8220]  }
0x1eb: {  	v11 =	vld [tilespmem:s5+$0x8230]  }
0x1ec: {  	v14 =	vld [tilespmem:s5+$0x8240]  }
0x1ed: {  	v13 =	vld [tilespmem:s5+$0x8250];
	_ =	sdelay $0x1  }
0x1ee: {  	v12 =	vmul.f32 $4.900000100e+00, v18;
	v15 =	vmul.f32 $4.900000100e+00, v9  }
0x1ef: {  	v17 =	vmul.f32 $4.900000100e+00, v8;
	v19 =	vmul.f32 $4.900000100e+00, v10  }
0x1f0: {  	v20 =	vmul.f32 $4.900000100e+00, v11;
	v21 =	vmul.f32 $4.900000100e+00, v14;
	v12 =	vadd.f32 $2.450000000e+01, v12  }
0x1f1: {  	v22 =	vmul.f32 $4.900000100e+00, v13;
	v15 =	vadd.f32 $2.450000000e+01, v15;
	v17 =	vadd.f32 $2.450000000e+01, v17  }
0x1f2: {  	v19 =	vadd.f32 $2.450000000e+01, v19;
	v20 =	vadd.f32 $2.450000000e+01, v20;
	v16 =	vmax.f32 v12, $0.0e+00  }
0x1f3: {  	s8 =	simm.s32 $0x400;
	s7 =	simm.s32 $0x80;
	v21 =	vadd.f32 $2.450000000e+01, v21;
	v15 =	vmax.f32 v15, $0.0e+00;
	v16 =	vmin.f32 v16, $4.800000000e+01  }
0x1f4: {  	s9 =	simm.s32 $0x8;
	s10 =	sand.u32 $0x3C00, s8;
	s14 =	sand.u32 $0x4000, s7;
	v17 =	vmax.f32 v17, $0.0e+00;
	v19 =	vmax.f32 v19, $0.0e+00;
	v16 =	vtrunc.f32 v16  }
0x1f5: {  	s6 =	sor.u32 s10, s14;
	s11 =	sand.u32 $0x380, s9;
	v12 =	vld [tilespmem:s5+$0x8260];
	v20 =	vmax.f32 v20, $0.0e+00;
	v19 =	vmin.f32 v19, $4.800000000e+01;
	v16 =	vcvt.f32.s32 v16  }
0x1f6: {  	s6 =	sor.u32 s6, s11;
	v21 =	vmax.f32 v21, $0.0e+00;
	v20 =	vmin.f32 v20, $4.800000000e+01;
	v19 =	vtrunc.f32 v19  }
0x1f7: {  	v15 =	vmin.f32 v15, $4.800000000e+01;
	v20 =	vtrunc.f32 v20;
	v36 =	vcvt.f32.s32 v19;
	v19 =	vld [tilespmem:s6+$0x8230]  }
0x1f8: {  	v17 =	vmin.f32 v17, $4.800000000e+01;
	v25 =	vtrunc.f32 v15;
	v46 =	vcvt.f32.s32 v20;
	v20 =	vld [tilespmem:s6+$0x8240]  }
0x1f9: {  	v15 =	vmin.f32 v21, $4.800000000e+01;
	v17 =	vtrunc.f32 v17;
	v21 =	vld [tilespmem:s6+$0x8270];
	v51 =	vcvt.f32.s32 v25  }
0x1fa: {  	v22 =	vadd.f32 $2.450000000e+01, v22;
	v34 =	vcvt.f32.s32 v17;
	v17 =	vld [tilespmem:s6+$0x8220];
	v23 =	vmul.f32 $4.900000100e+00, v12  }
0x1fb: {  	v24 =	vld.idx.msk [tilespmem:v16+s29+$0x0], $0xffff  }
0x1fc: {  	v22 =	vmax.f32 v22, $0.0e+00;
	v23 =	vadd.f32 $2.450000000e+01, v23;
	v31 =	vmul.f32 $4.900000100e+00, v19;
	v26 =	vld.idx.msk [tilespmem:v16+s30+$0x0], $0xffff  }
0x1fd: {  	v54 =	vmul.f32 $4.900000100e+00, v20;
	v16 =	vmin.f32 v22, $4.800000000e+01;
	v22 =	vtrunc.f32 v15;
	v15 =	vld [tilespmem:s6+$0x8200]  }
0x1fe: {  	v23 =	vmax.f32 v23, $0.0e+00;
	v27 =	vtrunc.f32 v16;
	v16 =	vld [tilespmem:s6+$0x8210];
	v56 =	vadd.f32 $2.450000000e+01, v31  }
0x1ff: {  	v28 =	vmul.f32 $4.900000100e+00, v21;
	v23 =	vmin.f32 v23, $4.800000000e+01;
	v25 =	vcvt.f32.s32 v22;
	v22 =	vld [tilespmem:s6+$0x8250]  }
0x200: {  	v35 =	vld.idx.msk [tilespmem:v51+s30+$0x0], $0xffff;
	v58 =	vadd.f32 $2.450000000e+01, v54;
	v23 =	vtrunc.f32 v23;
	v39 =	vmax.f32 v56, $0.0e+00  }
0x201: {  	v33 =	vld.idx.msk [tilespmem:v36+s30+$0x0], $0xffff;
	v29 =	vmul.f32 v24, v18;
	v24 =	vcvt.f32.s32 v27;
	v27 =	vadd.f32 $2.450000000e+01, v28  }
0x202: {  	v23 =	vcvt.f32.s32 v23;
	v41 =	vmax.f32 v58, $0.0e+00;
	v49 =	vmin.f32 v39, $4.800000000e+01;
	v18 =	vld [tilespmem:s6+$0x8260]  }
0x203: {  	v30 =	vmul.f32 $4.900000100e+00, v15;
	v40 =	vadd.f32 v29, v26;
	v26 =	vld.idx.msk [tilespmem:v51+s29+$0x0], $0xffff;
	v52 =	vmax.f32 v27, $0.0e+00  }
0x204: {  	v28 =	vmul.f32 $4.900000100e+00, v16;
	v57 =	vmul.f32 $4.900000100e+00, v22;
	v27 =	vld.idx.msk [tilespmem:v34+s29+$0x0], $0xffff;
	v32 =	vmin.f32 v52, $4.800000000e+01  }
0x205: {  	v43 =	vmin.f32 v41, $4.800000000e+01;
	v29 =	vmul.f32 $4.900000100e+00, v17;
	v34 =	vld.idx.msk [tilespmem:v34+s30+$0x0], $0xffff;
	v31 =	vtrunc.f32 v32  }
0x206: {  	v30 =	vadd.f32 $2.450000000e+01, v30;
	v53 =	vadd.f32 $2.450000000e+01, v28;
	v28 =	vld.idx.msk [tilespmem:v36+s29+$0x0], $0xffff;
	v37 =	vcvt.f32.s32 v31  }
0x207: {  	v62 =	vadd.f32 $2.450000000e+01, v57;
	v36 =	vld.idx.msk [tilespmem:v46+s30+$0x0], $0xffff;
	v55 =	vadd.f32 $2.450000000e+01, v29;
	v59 =	vmul.f32 $4.900000100e+00, v18  }
0x208: {  	v29 =	vld.idx.msk [tilespmem:v46+s29+$0x0], $0xffff;
	v60 =	vmax.f32 v30, $0.0e+00;
	[tilespmem:s5+$0x8270] =	vst v40;
	v40 =	vtrunc.f32 v49;
	v61 =	vmax.f32 v53, $0.0e+00  }
0x209: {  	v32 =	vld.idx.msk [tilespmem:v23+s29+$0x0], $0xffff;
	v63 =	vmin.f32 v60, $4.800000000e+01;
	v45 =	vmax.f32 v62, $0.0e+00;
	v42 =	vadd.f32 $2.450000000e+01, v59  }
0x20a: {  	v31 =	vld.idx.msk [tilespmem:v25+s29+$0x0], $0xffff;
	v38 =	vmax.f32 v55, $0.0e+00;
	v44 =	vmin.f32 v61, $4.800000000e+01;
	v41 =	vmin.f32 v45, $4.800000000e+01  }
0x20b: {  	v30 =	vld.idx.msk [tilespmem:v24+s29+$0x0], $0xffff;
	v45 =	vtrunc.f32 v63;
	v48 =	vmin.f32 v38, $4.800000000e+01;
	v42 =	vmax.f32 v42, $0.0e+00  }
0x20c: {  	v39 =	vtrunc.f32 v44;
	v44 =	vtrunc.f32 v48;
	v42 =	vmin.f32 v42, $4.800000000e+01;
	v38 =	vld.idx.msk [tilespmem:v37+s29+$0x0], $0xffff  }
.LBB2_10:
0x20d: {  	s7 =	sadd.s32 $0x80, s7;
	v43 =	vtrunc.f32 v43;
	v41 =	vtrunc.f32 v41;
	v37 =	vld.idx.msk [tilespmem:v37+s30+$0x0], $0xffff;
	s8 =	sadd.s32 $0x400, s8  }
0x20e: {  	v45 =	vcvt.f32.s32 v45;
	v42 =	vtrunc.f32 v42;
	s9 =	sadd.s32 $0x8, s9;
	s10 =	sand.u32 $0x4000, s7;
	s11 =	sand.u32 $0x3C00, s8;
	v46 =	vld.idx.msk [tilespmem:v25+s30+$0x0], $0xffff  }
0x20f: {  	v39 =	vcvt.f32.s32 v39;
	v44 =	vcvt.f32.s32 v44;
	s12 =	sand.u32 $0x380, s9;
	p0 =	slt.u32 s7, $0x7F80;
	s10 =	sor.u32 s11, s10;
	v47 =	vld.idx.msk [tilespmem:v24+s30+$0x0], $0xffff  }
0x210: {  	v48 =	vcvt.f32.s32 v40;
	v25 =	vcvt.f32.s32 v43;
	s10 =	sor.u32 s10, s12;
	v40 =	vld.idx.msk [tilespmem:v23+s30+$0x0], $0xffff  }
0x211: {  	v24 =	vcvt.f32.s32 v41;
	v38 =	vmul.f32 v38, v21;
	v21 =	vld [tilespmem:s10+$0x8270]  }
0x212: {  	v26 =	vmul.f32 v26, v9;
	v9 =	vmov v15;
	v23 =	vcvt.f32.s32 v42;
	v15 =	vld [tilespmem:s10+$0x8200]  }
0x213: {  	v27 =	vmul.f32 v27, v8;
	v28 =	vmul.f32 v28, v10;
	v8 =	vmovc v16;
	v37 =	vadd.f32 v38, v37;
	v16 =	vld [tilespmem:s10+$0x8210]  }
0x214: {  	v10 =	vmovc v17;
	v26 =	vadd.f32 v26, v35;
	v35 =	vmul.f32 v29, v11;
	v38 =	vmul.f32 v31, v14;
	v17 =	vld [tilespmem:s10+$0x8220]  }
0x215: {  	v27 =	vadd.f32 v27, v34;
	v41 =	vmul.f32 v32, v12;
	v29 =	vld [tilespmem:s10+$0x8230];
	[tilespmem:s6+$0x8270] =	vst v37;
	v37 =	vmul.f32 v30, v13  }
0x216: {  	v11 =	vmovc v19;
	v30 =	vld [tilespmem:s10+$0x8240];
	v31 =	vmul.f32 $4.900000100e+00, v21;
	[tilespmem:s5+$0x8200] =	vst v26;
	v26 =	vadd.f32 v28, v33;
	v28 =	vadd.f32 v35, v36  }
0x217: {  	v14 =	vmovc v20;
	v33 =	vadd.f32 v38, v46;
	v42 =	vmul.f32 $4.900000100e+00, v15;
	v32 =	vld [tilespmem:s10+$0x8250];
	[tilespmem:s5+$0x8210] =	vst v27;
	v34 =	vadd.f32 v37, v47  }
0x218: {  	v12 =	vmovc v18;
	v13 =	vmovc v22;
	v43 =	vmul.f32 $4.900000100e+00, v16;
	v27 =	vadd.f32 $2.450000000e+01, v31;
	[tilespmem:s5+$0x8220] =	vst v26;
	v31 =	vadd.f32 v41, v40;
	v18 =	vld [tilespmem:s10+$0x8260]  }
0x219: {  	v35 =	vadd.f32 $2.450000000e+01, v42;
	v41 =	vmul.f32 $4.900000100e+00, v17;
	v26 =	vld.idx.msk [tilespmem:v45+s29+$0x0], $0xffff;
	[tilespmem:s5+$0x8230] =	vst v28  }
0x21a: {  	v36 =	vadd.f32 $2.450000000e+01, v43;
	v37 =	vmul.f32 $4.900000100e+00, v29;
	v40 =	vmax.f32 v27, $0.0e+00;
	v27 =	vld.idx.msk [tilespmem:v39+s29+$0x0], $0xffff;
	[tilespmem:s5+$0x8240] =	vst v33;
	v19 =	vmovc v29  }
0x21b: {  	v33 =	vadd.f32 $2.450000000e+01, v41;
	v38 =	vmul.f32 $4.900000100e+00, v30;
	v40 =	vmin.f32 v40, $4.800000000e+01;
	v28 =	vld.idx.msk [tilespmem:v44+s29+$0x0], $0xffff;
	[tilespmem:s5+$0x8250] =	vst v34;
	v20 =	vmovc v30  }
0x21c: {  	v34 =	vadd.f32 $2.450000000e+01, v37;
	v30 =	vmul.f32 $4.900000100e+00, v32;
	v37 =	vtrunc.f32 v40;
	v29 =	vld.idx.msk [tilespmem:v48+s29+$0x0], $0xffff;
	[tilespmem:s5+$0x8260] =	vst v31;
	v22 =	vmovc v32;
	s5 =	smov.u32 s6;
	s6 =	smov.u32 s10  }
0x21d: {  	v38 =	vadd.f32 $2.450000000e+01, v38;
	v32 =	vmul.f32 $4.900000100e+00, v18;
	v37 =	vcvt.f32.s32 v37;
	v31 =	vld.idx.msk [tilespmem:v25+s29+$0x0], $0xffff  }
0x21e: {  	v35 =	vmax.f32 v35, $0.0e+00;
	v36 =	vmax.f32 v36, $0.0e+00;
	v40 =	vadd.f32 $2.450000000e+01, v30;
	v30 =	vld.idx.msk [tilespmem:v24+s29+$0x0], $0xffff  }
0x21f: {  	v33 =	vmax.f32 v33, $0.0e+00;
	v41 =	vmax.f32 v34, $0.0e+00;
	v34 =	vadd.f32 $2.450000000e+01, v32;
	v32 =	vld.idx.msk [tilespmem:v23+s29+$0x0], $0xffff  }
.Ltmp4:
0x220: {  	v42 =	vmin.f32 v35, $4.800000000e+01;
	v38 =	vmax.f32 v38, $0.0e+00;
	v40 =	vmax.f32 v40, $0.0e+00;
	v35 =	vld.idx.msk [tilespmem:v45+s30+$0x0], $0xffff;
	(pc) =	sbr.rel @p0 .LBB2_10-.Ltmp4, $4  }
0x221: {  	v36 =	vmin.f32 v36, $4.800000000e+01;
	v46 =	vmin.f32 v33, $4.800000000e+01;
	v47 =	vmax.f32 v34, $0.0e+00;
	v34 =	vld.idx.msk [tilespmem:v39+s30+$0x0], $0xffff  }
0x222: {  	v49 =	vmin.f32 v41, $4.800000000e+01;
	v43 =	vmin.f32 v38, $4.800000000e+01;
	v41 =	vmin.f32 v40, $4.800000000e+01;
	v33 =	vld.idx.msk [tilespmem:v44+s30+$0x0], $0xffff  }
0x223: {  	v45 =	vtrunc.f32 v42;
	v39 =	vtrunc.f32 v36;
	v42 =	vmin.f32 v47, $4.800000000e+01;
	v38 =	vld.idx.msk [tilespmem:v37+s29+$0x0], $0xffff  }
0x224: {  	v40 =	vtrunc.f32 v49;
	v44 =	vtrunc.f32 v46;
	v36 =	vld.idx.msk [tilespmem:v48+s30+$0x0], $0xffff  }
0x225: {  	_ =	sdelay $0x1  }
0x226: {  	v45 =	vcvt.f32.s32 v45  }
0x227: {  	v39 =	vcvt.f32.s32 v39  }
0x228: {  	v37 =	vld.idx.msk [tilespmem:v37+s30+$0x0], $0xffff;
	v44 =	vcvt.f32.s32 v44  }
0x229: {  	v25 =	vld.idx.msk [tilespmem:v25+s30+$0x0], $0xffff;
	v40 =	vcvt.f32.s32 v40  }
0x22a: {  	v24 =	vld.idx.msk [tilespmem:v24+s30+$0x0], $0xffff  }
0x22b: {  	v43 =	vtrunc.f32 v43;
	v23 =	vld.idx.msk [tilespmem:v23+s30+$0x0], $0xffff  }
0x22c: {  	v41 =	vtrunc.f32 v41;
	v9 =	vmul.f32 v26, v9;
	v46 =	vld.idx.msk [tilespmem:v45+s29+$0x0], $0xffff  }
0x22d: {  	v42 =	vtrunc.f32 v42;
	v8 =	vmul.f32 v27, v8;
	v47 =	vld.idx.msk [tilespmem:v39+s29+$0x0], $0xffff  }
0x22e: {  	v10 =	vmul.f32 v28, v10;
	v43 =	vcvt.f32.s32 v43;
	v9 =	vadd.f32 v9, v35;
	v63 =	vld.idx.msk [tilespmem:v44+s29+$0x0], $0xffff  }
0x22f: {  	v11 =	vmul.f32 v29, v11;
	v41 =	vcvt.f32.s32 v41;
	v8 =	vadd.f32 v8, v34;
	v26 =	vld.idx.msk [tilespmem:v40+s29+$0x0], $0xffff  }
0x230: {  	v42 =	vcvt.f32.s32 v42;
	[tilespmem:s5+$0x8200] =	vst v9;
	v9 =	vadd.f32 v10, v33;
	v10 =	vld.idx.msk [tilespmem:v45+s30+$0x0], $0xffff  }
0x231: {  	v11 =	vadd.f32 v11, v36;
	[tilespmem:s5+$0x8210] =	vst v8;
	v8 =	vld.idx.msk [tilespmem:v39+s30+$0x0], $0xffff  }
0x232: {  	v21 =	vmul.f32 v38, v21;
	[tilespmem:s5+$0x8220] =	vst v9;
	v9 =	vld.idx.msk [tilespmem:v44+s30+$0x0], $0xffff  }
0x233: {  	v14 =	vmul.f32 v31, v14;
	[tilespmem:s5+$0x8230] =	vst v11;
	v11 =	vld.idx.msk [tilespmem:v40+s30+$0x0], $0xffff  }
0x234: {  	v13 =	vmul.f32 v30, v13;
	v21 =	vadd.f32 v21, v37;
	v27 =	vld.idx.msk [tilespmem:v43+s29+$0x0], $0xffff  }
0x235: {  	v12 =	vmul.f32 v32, v12;
	v14 =	vadd.f32 v14, v25;
	v28 =	vld.idx.msk [tilespmem:v41+s29+$0x0], $0xffff  }
0x236: {  	v13 =	vadd.f32 v13, v24;
	[tilespmem:s6+$0x8270] =	vst v21;
	v21 =	vld.idx.msk [tilespmem:v42+s29+$0x0], $0xffff;
	v15 =	vmul.f32 v46, v15  }
0x237: {  	v12 =	vadd.f32 v12, v23;
	[tilespmem:s5+$0x8240] =	vst v14;
	v14 =	vld.idx.msk [tilespmem:v43+s30+$0x0], $0xffff;
	v16 =	vmul.f32 v47, v16  }
0x238: {  	[tilespmem:s5+$0x8250] =	vst v13;
	v13 =	vld.idx.msk [tilespmem:v41+s30+$0x0], $0xffff;
	v17 =	vmul.f32 v63, v17;
	v10 =	vadd.f32 v15, v10  }
0x239: {  	[tilespmem:s5+$0x8260] =	vst v12;
	v12 =	vld.idx.msk [tilespmem:v42+s30+$0x0], $0xffff;
	v15 =	vmul.f32 v26, v19;
	v8 =	vadd.f32 v16, v8  }
0x23a: {  	v16 =	vmul.f32 v27, v20;
	v9 =	vadd.f32 v17, v9;
	[tilespmem:s6+$0x8200] =	vst v10  }
0x23b: {  	v10 =	vmul.f32 v28, v22;
	v11 =	vadd.f32 v15, v11;
	[tilespmem:s6+$0x8210] =	vst v8  }
0x23c: {  	v8 =	vmul.f32 v21, v18;
	v14 =	vadd.f32 v16, v14;
	[tilespmem:s6+$0x8220] =	vst v9  }
0x23d: {  	v9 =	vadd.f32 v10, v13;
	[tilespmem:s6+$0x8230] =	vst v11  }
0x23e: {  	v8 =	vadd.f32 v8, v12;
	[tilespmem:s6+$0x8240] =	vst v14  }
0x23f: {  	[tilespmem:s6+$0x8250] =	vst v9  }
0x240: {  	s12 =	simm.s32 $0x0;
	[tilespmem:s6+$0x8260] =	vst v8  }
0x241: {  	[hbm4b:s15+s12] =	stream.linear.scatter [tilespmem:s23], [sflag:$0x5], $0x8000, $0x38;
	[tilespmem:$0x18200] =	vst v63  }
0x242: {  	_ =	swait.ge [sflag:s25], $0x8000  }
0x243: {  	s13 =	simm.s32 $0x0;
	[sflag:s25] =	ssyncset.done $0x0  }
0x244: {  	s7 =	sand.u32 $0x3C00, s12;
	s6 =	sand.u32 $0x4000, s13;
	[sflag:s25] =	ssyncadd.s32 $0xFFFF8000  }
0x245: {  	[tilespmem:s22], [sflag:$0x1] =	stream.linear.gather [hbm4b:s16+s12], $0x8000, $0x38;
	[tilespmem:$0x18200] =	vst v63  }
0x246: {  	s5 =	sand.u32 $0x380, s12;
	s6 =	sor.u32 s7, s6;
	_ =	swait.ge [sflag:s3], $0x8000  }
0x247: {  	s5 =	sor.u32 s6, s5;
	[sflag:s3] =	ssyncset.done $0x0  }
0x248: {  	s6 =	sadd.s32 $0x10200, s5;
	[sflag:s3] =	ssyncadd.s32 $0xFFFF8000  }
0x249: {  	v16 =	vld [tilespmem:s6+$0x70]  }
0x24a: {  	v8 =	vld [tilespmem:s5+$0x10200]  }
0x24b: {  	v11 =	vld [tilespmem:s6+$0x10]  }
0x24c: {  	v12 =	vld [tilespmem:s6+$0x20]  }
0x24d: {  	v10 =	vld [tilespmem:s6+$0x30]  }
0x24e: {  	v14 =	vld [tilespmem:s6+$0x50]  }
0x24f: {  	v15 =	vld [tilespmem:s6+$0x60];
	_ =	sdelay $0x1  }
0x250: {  	v9 =	vmul.f32 $4.900000100e+00, v16;
	v17 =	vmul.f32 $4.900000100e+00, v8  }
0x251: {  	v18 =	vmul.f32 $4.900000100e+00, v11;
	v19 =	vmul.f32 $4.900000100e+00, v12  }
0x252: {  	v20 =	vmul.f32 $4.900000100e+00, v10;
	v22 =	vmul.f32 $4.900000100e+00, v14;
	v13 =	vadd.f32 $2.450000000e+01, v9  }
0x253: {  	v23 =	vmul.f32 $4.900000100e+00, v15;
	v17 =	vadd.f32 $2.450000000e+01, v17;
	v18 =	vadd.f32 $2.450000000e+01, v18  }
0x254: {  	v19 =	vadd.f32 $2.450000000e+01, v19;
	v20 =	vadd.f32 $2.450000000e+01, v20;
	v13 =	vmax.f32 v13, $0.0e+00  }
0x255: {  	s9 =	simm.s32 $0x80;
	s10 =	simm.s32 $0x400;
	v9 =	vld [tilespmem:s6+$0x40];
	v22 =	vadd.f32 $2.450000000e+01, v22;
	v23 =	vadd.f32 $2.450000000e+01, v23;
	v13 =	vmin.f32 v13, $4.800000000e+01  }
0x256: {  	s11 =	simm.s32 $0x8;
	s14 =	sand.u32 $0x4000, s9;
	s8 =	sand.u32 $0x3C00, s10;
	v17 =	vmax.f32 v17, $0.0e+00;
	v18 =	vmax.f32 v18, $0.0e+00;
	v13 =	vtrunc.f32 v13  }
0x257: {  	s7 =	sor.u32 s8, s14;
	s12 =	sand.u32 $0x380, s11;
	v19 =	vmax.f32 v19, $0.0e+00;
	v20 =	vmax.f32 v20, $0.0e+00;
	v13 =	vcvt.f32.s32 v13  }
0x258: {  	s7 =	sor.u32 s7, s12;
	v22 =	vmax.f32 v22, $0.0e+00;
	v23 =	vmax.f32 v23, $0.0e+00;
	v20 =	vmin.f32 v20, $4.800000000e+01  }
0x259: {  	s8 =	sadd.s32 $0x10200, s7;
	v19 =	vmin.f32 v19, $4.800000000e+01;
	v22 =	vmin.f32 v22, $4.800000000e+01;
	v20 =	vtrunc.f32 v20  }
0x25a: {  	v17 =	vmin.f32 v17, $4.800000000e+01;
	v25 =	vtrunc.f32 v22;
	v22 =	vld [tilespmem:s8+$0x70];
	v21 =	vmul.f32 $4.900000100e+00, v9  }
0x25b: {  	v23 =	vmin.f32 v23, $4.800000000e+01;
	v17 =	vtrunc.f32 v17;
	v50 =	vcvt.f32.s32 v20;
	v20 =	vld [tilespmem:s8+$0x30]  }
0x25c: {  	v27 =	vtrunc.f32 v23;
	v23 =	vcvt.f32.s32 v17;
	v17 =	vld [tilespmem:s8+$0x60];
	v21 =	vadd.f32 $2.450000000e+01, v21  }
0x25d: {  	v18 =	vmin.f32 v18, $4.800000000e+01;
	v19 =	vtrunc.f32 v19;
	v24 =	vld.idx.msk [tilespmem:v13+s29+$0x0], $0xffff  }
0x25e: {  	v18 =	vtrunc.f32 v18;
	v49 =	vcvt.f32.s32 v19;
	v19 =	vld [tilespmem:s8+$0x20];
	v21 =	vmax.f32 v21, $0.0e+00  }
0x25f: {  	v48 =	vcvt.f32.s32 v18;
	v21 =	vmin.f32 v21, $4.800000000e+01;
	v26 =	vld.idx.msk [tilespmem:v13+s30+$0x0], $0xffff  }
0x260: {  	v31 =	vmul.f32 $4.900000100e+00, v20;
	v13 =	vld [tilespmem:s7+$0x10200];
	v21 =	vtrunc.f32 v21  }
0x261: {  	v59 =	vmul.f32 $4.900000100e+00, v17;
	v51 =	vcvt.f32.s32 v21;
	v21 =	vld [tilespmem:s8+$0x40]  }
0x262: {  	v18 =	vld [tilespmem:s8+$0x10];
	v30 =	vmul.f32 $4.900000100e+00, v22;
	v29 =	vmul.f32 v24, v16  }
0x263: {  	v32 =	vld.idx.msk [tilespmem:v23+s29+$0x0], $0xffff;
	v57 =	vadd.f32 $2.450000000e+01, v31;
	v44 =	vadd.f32 $2.450000000e+01, v59  }
0x264: {  	v25 =	vcvt.f32.s32 v25;
	v33 =	vld.idx.msk [tilespmem:v49+s30+$0x0], $0xffff;
	v52 =	vadd.f32 v29, v26;
	v29 =	vadd.f32 $2.450000000e+01, v30  }
0x265: {  	v42 =	vmax.f32 v57, $0.0e+00;
	v28 =	vmul.f32 $4.900000100e+00, v13;
	v16 =	vld [tilespmem:s8+$0x50];
	v30 =	vmul.f32 $4.900000100e+00, v19  }
0x266: {  	v35 =	vld.idx.msk [tilespmem:v50+s30+$0x0], $0xffff;
	v24 =	vcvt.f32.s32 v27;
	v55 =	vmul.f32 $4.900000100e+00, v21;
	v29 =	vmax.f32 v29, $0.0e+00  }
0x267: {  	v27 =	vadd.f32 $2.450000000e+01, v28;
	v26 =	vld.idx.msk [tilespmem:v48+s29+$0x0], $0xffff;
	v56 =	vadd.f32 $2.450000000e+01, v30;
	v30 =	vmin.f32 v29, $4.800000000e+01  }
0x268: {  	v63 =	vmax.f32 v44, $0.0e+00;
	v28 =	vmul.f32 $4.900000100e+00, v18;
	v36 =	vld.idx.msk [tilespmem:v51+s30+$0x0], $0xffff;
	v31 =	vtrunc.f32 v30  }
0x269: {  	v34 =	vadd.f32 $2.450000000e+01, v55;
	v53 =	vmax.f32 v27, $0.0e+00;
	v27 =	vld.idx.msk [tilespmem:v49+s29+$0x0], $0xffff;
	v37 =	vcvt.f32.s32 v31  }
0x26a: {  	v62 =	vmin.f32 v42, $4.800000000e+01;
	v54 =	vadd.f32 $2.450000000e+01, v28;
	v28 =	vld.idx.msk [tilespmem:v50+s29+$0x0], $0xffff;
	v58 =	vmul.f32 $4.900000100e+00, v16  }
0x26b: {  	v42 =	vmin.f32 v63, $4.800000000e+01;
	v44 =	vtrunc.f32 v62;
	v29 =	vld.idx.msk [tilespmem:v51+s29+$0x0], $0xffff;
	v61 =	vmax.f32 v34, $0.0e+00  }
0x26c: {  	v34 =	vld.idx.msk [tilespmem:v48+s30+$0x0], $0xffff;
	v40 =	vmin.f32 v53, $4.800000000e+01;
	v60 =	vmax.f32 v54, $0.0e+00;
	v43 =	vadd.f32 $2.450000000e+01, v58  }
0x26d: {  	v30 =	vld.idx.msk [tilespmem:v25+s29+$0x0], $0xffff;
	v41 =	vmax.f32 v56, $0.0e+00;
	v46 =	vmin.f32 v61, $4.800000000e+01;
	v45 =	vmin.f32 v60, $4.800000000e+01  }
0x26e: {  	v31 =	vld.idx.msk [tilespmem:v24+s29+$0x0], $0xffff;
	v41 =	vmin.f32 v41, $4.800000000e+01;
	v39 =	vtrunc.f32 v46;
	v43 =	vmax.f32 v43, $0.0e+00  }
0x26f: {  	[tilespmem:s6+$0x70] =	vst v52;
	v45 =	vtrunc.f32 v45;
	v41 =	vtrunc.f32 v41;
	v43 =	vmin.f32 v43, $4.800000000e+01;
	v38 =	vld.idx.msk [tilespmem:v37+s29+$0x0], $0xffff  }
.LBB2_12:
0x270: {  	s9 =	sadd.s32 $0x80, s9;
	v43 =	vtrunc.f32 v43;
	v42 =	vtrunc.f32 v42;
	s10 =	sadd.s32 $0x400, s10;
	v46 =	vld.idx.msk [tilespmem:v25+s30+$0x0], $0xffff  }
0x271: {  	v40 =	vtrunc.f32 v40;
	v45 =	vcvt.f32.s32 v45;
	s11 =	sadd.s32 $0x8, s11;
	s12 =	sand.u32 $0x4000, s9;
	s13 =	sand.u32 $0x3C00, s10;
	v37 =	vld.idx.msk [tilespmem:v37+s30+$0x0], $0xffff  }
0x272: {  	v41 =	vcvt.f32.s32 v41;
	v44 =	vcvt.f32.s32 v44;
	s14 =	sand.u32 $0x380, s11;
	p0 =	slt.u32 s9, $0x7F80;
	s12 =	sor.u32 s13, s12;
	v47 =	vld.idx.msk [tilespmem:v24+s30+$0x0], $0xffff  }
0x273: {  	v39 =	vcvt.f32.s32 v39;
	v25 =	vcvt.f32.s32 v43;
	s12 =	sor.u32 s12, s14;
	v43 =	vld.idx.msk [tilespmem:v23+s30+$0x0], $0xffff  }
0x274: {  	v24 =	vcvt.f32.s32 v42;
	v23 =	vcvt.f32.s32 v40;
	s13 =	sadd.s32 $0x10200, s12;
	v48 =	vld [tilespmem:s12+$0x10200]  }
0x275: {  	v26 =	vmul.f32 v26, v11;
	v11 =	vmov v18;
	v38 =	vmul.f32 v38, v22;
	v22 =	vld [tilespmem:s13+$0x70]  }
0x276: {  	v27 =	vmul.f32 v27, v12;
	v28 =	vmul.f32 v28, v10;
	v12 =	vmovc v19;
	v10 =	vmov v20;
	v18 =	vld [tilespmem:s13+$0x10]  }
0x277: {  	v29 =	vmul.f32 v29, v9;
	v9 =	vmovc v21;
	v37 =	vadd.f32 v38, v37;
	v38 =	vmul.f32 v30, v14;
	v19 =	vld [tilespmem:s13+$0x20]  }
0x278: {  	v26 =	vadd.f32 v26, v34;
	v40 =	vmul.f32 v31, v15;
	v30 =	vmul.f32 v32, v8;
	v8 =	vmovc v13;
	v20 =	vld [tilespmem:s13+$0x30]  }
0x279: {  	v27 =	vadd.f32 v27, v33;
	v28 =	vadd.f32 v28, v35;
	v31 =	vmul.f32 $4.900000100e+00, v48;
	v21 =	vld [tilespmem:s13+$0x40];
	[tilespmem:s8+$0x70] =	vst v37;
	v13 =	vmovc v48  }
0x27a: {  	v29 =	vadd.f32 v29, v36;
	v14 =	vmovc v16;
	v33 =	vadd.f32 v38, v46;
	v32 =	vmul.f32 $4.900000100e+00, v22;
	[tilespmem:s6+$0x10] =	vst v26;
	v16 =	vld [tilespmem:s13+$0x50]  }
0x27b: {  	v15 =	vmovc v17;
	v35 =	vadd.f32 v40, v47;
	v31 =	vadd.f32 $2.450000000e+01, v31;
	v34 =	vmul.f32 $4.900000100e+00, v18;
	[tilespmem:s6+$0x20] =	vst v27;
	v17 =	vld [tilespmem:s13+$0x60]  }
0x27c: {  	v37 =	vadd.f32 v30, v43;
	v36 =	vmul.f32 $4.900000100e+00, v19;
	v32 =	vadd.f32 $2.450000000e+01, v32;
	v26 =	vld.idx.msk [tilespmem:v45+s29+$0x0], $0xffff;
	[tilespmem:s6+$0x30] =	vst v28  }
0x27d: {  	v38 =	vmax.f32 v31, $0.0e+00;
	v31 =	vadd.f32 $2.450000000e+01, v34;
	v30 =	vmul.f32 $4.900000100e+00, v20;
	v27 =	vld.idx.msk [tilespmem:v41+s29+$0x0], $0xffff;
	[tilespmem:s6+$0x40] =	vst v29  }
0x27e: {  	v34 =	vadd.f32 $2.450000000e+01, v36;
	v36 =	vmul.f32 $4.900000100e+00, v21;
	v29 =	vmax.f32 v32, $0.0e+00;
	v28 =	vld.idx.msk [tilespmem:v44+s29+$0x0], $0xffff;
	[tilespmem:s6+$0x50] =	vst v33  }
0x27f: {  	v32 =	vadd.f32 $2.450000000e+01, v30;
	v33 =	vmul.f32 $4.900000100e+00, v16;
	v30 =	vmin.f32 v29, $4.800000000e+01;
	v29 =	vld.idx.msk [tilespmem:v39+s29+$0x0], $0xffff;
	[tilespmem:s6+$0x60] =	vst v35;
	s6 =	smov.u32 s8;
	s8 =	smov.u32 s13  }
0x280: {  	v35 =	vadd.f32 $2.450000000e+01, v36;
	v36 =	vmul.f32 $4.900000100e+00, v17;
	v40 =	vtrunc.f32 v30;
	v30 =	vld.idx.msk [tilespmem:v25+s29+$0x0], $0xffff;
	[tilespmem:s5+$0x10200] =	vst v37;
	s5 =	smov.u32 s7;
	s7 =	smov.u32 s12  }
0x281: {  	v42 =	vmax.f32 v31, $0.0e+00;
	v33 =	vadd.f32 $2.450000000e+01, v33;
	v37 =	vcvt.f32.s32 v40;
	v31 =	vld.idx.msk [tilespmem:v24+s29+$0x0], $0xffff  }
0x282: {  	v40 =	vmax.f32 v34, $0.0e+00;
	v43 =	vmax.f32 v32, $0.0e+00;
	v36 =	vadd.f32 $2.450000000e+01, v36;
	v32 =	vld.idx.msk [tilespmem:v23+s29+$0x0], $0xffff  }
.Ltmp5:
0x283: {  	v46 =	vmin.f32 v42, $4.800000000e+01;
	v35 =	vmax.f32 v35, $0.0e+00;
	v42 =	vmax.f32 v33, $0.0e+00;
	v34 =	vld.idx.msk [tilespmem:v45+s30+$0x0], $0xffff;
	(pc) =	sbr.rel @p0 .LBB2_12-.Ltmp5, $4  }
0x284: {  	v47 =	vmin.f32 v40, $4.800000000e+01;
	v48 =	vmin.f32 v43, $4.800000000e+01;
	v36 =	vmax.f32 v36, $0.0e+00;
	v33 =	vld.idx.msk [tilespmem:v41+s30+$0x0], $0xffff  }
0x285: {  	v49 =	vmin.f32 v35, $4.800000000e+01;
	v43 =	vmin.f32 v42, $4.800000000e+01;
	v42 =	vmin.f32 v36, $4.800000000e+01;
	v35 =	vld.idx.msk [tilespmem:v44+s30+$0x0], $0xffff  }
0x286: {  	v40 =	vmin.f32 v38, $4.800000000e+01;
	v45 =	vtrunc.f32 v46;
	v41 =	vtrunc.f32 v47;
	v36 =	vld.idx.msk [tilespmem:v39+s30+$0x0], $0xffff  }
0x287: {  	v44 =	vtrunc.f32 v48;
	v39 =	vtrunc.f32 v49;
	v38 =	vld.idx.msk [tilespmem:v37+s29+$0x0], $0xffff  }
0x288: {  	_ =	sdelay $0x1  }
0x289: {  	v45 =	vcvt.f32.s32 v45  }
0x28a: {  	v41 =	vcvt.f32.s32 v41  }
0x28b: {  	v25 =	vld.idx.msk [tilespmem:v25+s30+$0x0], $0xffff;
	v44 =	vcvt.f32.s32 v44  }
0x28c: {  	v37 =	vld.idx.msk [tilespmem:v37+s30+$0x0], $0xffff;
	v39 =	vcvt.f32.s32 v39  }
0x28d: {  	v24 =	vld.idx.msk [tilespmem:v24+s30+$0x0], $0xffff  }
0x28e: {  	v23 =	vld.idx.msk [tilespmem:v23+s30+$0x0], $0xffff  }
0x28f: {  	v43 =	vtrunc.f32 v43;
	v11 =	vmul.f32 v26, v11;
	v46 =	vld.idx.msk [tilespmem:v45+s29+$0x0], $0xffff  }
0x290: {  	v42 =	vtrunc.f32 v42;
	v12 =	vmul.f32 v27, v12;
	v47 =	vld.idx.msk [tilespmem:v41+s29+$0x0], $0xffff  }
0x291: {  	v10 =	vmul.f32 v28, v10;
	v43 =	vcvt.f32.s32 v43;
	v11 =	vadd.f32 v11, v34;
	v50 =	vld.idx.msk [tilespmem:v44+s29+$0x0], $0xffff  }
0x292: {  	v9 =	vmul.f32 v29, v9;
	v42 =	vcvt.f32.s32 v42;
	v12 =	vadd.f32 v12, v33;
	v26 =	vld.idx.msk [tilespmem:v39+s29+$0x0], $0xffff  }
0x293: {  	v40 =	vtrunc.f32 v40;
	v10 =	vadd.f32 v10, v35;
	[tilespmem:s6+$0x10] =	vst v11;
	v11 =	vld.idx.msk [tilespmem:v45+s30+$0x0], $0xffff  }
0x294: {  	v40 =	vcvt.f32.s32 v40;
	v9 =	vadd.f32 v9, v36;
	[tilespmem:s6+$0x20] =	vst v12;
	v12 =	vld.idx.msk [tilespmem:v41+s30+$0x0], $0xffff  }
0x295: {  	v14 =	vmul.f32 v30, v14;
	[tilespmem:s6+$0x30] =	vst v10;
	v10 =	vld.idx.msk [tilespmem:v44+s30+$0x0], $0xffff  }
0x296: {  	v22 =	vmul.f32 v38, v22;
	[tilespmem:s6+$0x40] =	vst v9;
	v9 =	vld.idx.msk [tilespmem:v39+s30+$0x0], $0xffff  }
0x297: {  	v15 =	vmul.f32 v31, v15;
	v14 =	vadd.f32 v14, v25;
	v27 =	vld.idx.msk [tilespmem:v43+s29+$0x0], $0xffff  }
0x298: {  	v8 =	vmul.f32 v32, v8;
	v22 =	vadd.f32 v22, v37;
	v28 =	vld.idx.msk [tilespmem:v42+s29+$0x0], $0xffff  }
0x299: {  	v15 =	vadd.f32 v15, v24;
	[tilespmem:s6+$0x50] =	vst v14;
	v14 =	vld.idx.msk [tilespmem:v43+s30+$0x0], $0xffff;
	v18 =	vmul.f32 v46, v18  }
0x29a: {  	v8 =	vadd.f32 v8, v23;
	[tilespmem:s8+$0x70] =	vst v22;
	v22 =	vld.idx.msk [tilespmem:v40+s29+$0x0], $0xffff;
	v19 =	vmul.f32 v47, v19  }
0x29b: {  	[tilespmem:s6+$0x60] =	vst v15;
	v15 =	vld.idx.msk [tilespmem:v42+s30+$0x0], $0xffff;
	v20 =	vmul.f32 v50, v20;
	v11 =	vadd.f32 v18, v11  }
0x29c: {  	[tilespmem:s5+$0x10200] =	vst v8;
	v8 =	vld.idx.msk [tilespmem:v40+s30+$0x0], $0xffff;
	v18 =	vmul.f32 v26, v21;
	v12 =	vadd.f32 v19, v12  }
0x29d: {  	v16 =	vmul.f32 v27, v16;
	v10 =	vadd.f32 v20, v10;
	[tilespmem:s8+$0x10] =	vst v11  }
0x29e: {  	v11 =	vmul.f32 v28, v17;
	v9 =	vadd.f32 v18, v9;
	[tilespmem:s8+$0x20] =	vst v12  }
0x29f: {  	v12 =	vmul.f32 v22, v13;
	v13 =	vadd.f32 v16, v14;
	[tilespmem:s8+$0x30] =	vst v10  }
0x2a0: {  	v10 =	vadd.f32 v11, v15;
	[tilespmem:s8+$0x40] =	vst v9  }
0x2a1: {  	v8 =	vadd.f32 v12, v8;
	[tilespmem:s8+$0x50] =	vst v13  }
0x2a2: {  	[tilespmem:s8+$0x60] =	vst v10  }
0x2a3: {  	s11 =	simm.s32 $0x0;
	[tilespmem:s7+$0x10200] =	vst v8  }
0x2a4: {  	[hbm4b:s17+s11] =	stream.linear.scatter [tilespmem:s31], [sflag:$0x6], $0x8000, $0x38;
	[tilespmem:$0x18200] =	vst v63  }
0x2a5: {  	_ =	swait.ge [sflag:s26], $0x8000  }
0x2a6: {  	[sflag:s26] =	ssyncset.done $0x0  }
0x2a7: {  	s12 =	simm.s32 $0x0;
	[sflag:s26] =	ssyncadd.s32 $0xFFFF8000  }
0x2a8: {  	[tilespmem:s23], [sflag:$0x2] =	stream.linear.gather [hbm4b:s18+s11], $0x8000, $0x38;
	[tilespmem:$0x18200] =	vst v63  }
0x2a9: {  	s13 =	sand.u32 $0x3C00, s11;
	s6 =	sand.u32 $0x4000, s12;
	_ =	swait.ge [sflag:s28], $0x8000  }
0x2aa: {  	s5 =	sand.u32 $0x380, s11;
	s6 =	sor.u32 s13, s6;
	[sflag:s28] =	ssyncset.done $0x0  }
0x2ab: {  	s5 =	sor.u32 s6, s5;
	[sflag:s28] =	ssyncadd.s32 $0xFFFF8000  }
0x2ac: {  	v18 =	vld [tilespmem:s5+$0x270]  }
0x2ad: {  	v9 =	vld [tilespmem:s5+$0x200]  }
0x2ae: {  	v8 =	vld [tilespmem:s5+$0x210]  }
0x2af: {  	v10 =	vld [tilespmem:s5+$0x220]  }
0x2b0: {  	v11 =	vld [tilespmem:s5+$0x230]  }
0x2b1: {  	v14 =	vld [tilespmem:s5+$0x240]  }
0x2b2: {  	v13 =	vld [tilespmem:s5+$0x250];
	_ =	sdelay $0x1  }
0x2b3: {  	v12 =	vmul.f32 $4.900000100e+00, v18;
	v15 =	vmul.f32 $4.900000100e+00, v9  }
0x2b4: {  	v17 =	vmul.f32 $4.900000100e+00, v8;
	v19 =	vmul.f32 $4.900000100e+00, v10  }
0x2b5: {  	v20 =	vmul.f32 $4.900000100e+00, v11;
	v21 =	vmul.f32 $4.900000100e+00, v14;
	v12 =	vadd.f32 $2.450000000e+01, v12  }
0x2b6: {  	v22 =	vmul.f32 $4.900000100e+00, v13;
	v15 =	vadd.f32 $2.450000000e+01, v15;
	v17 =	vadd.f32 $2.450000000e+01, v17  }
0x2b7: {  	v19 =	vadd.f32 $2.450000000e+01, v19;
	v20 =	vadd.f32 $2.450000000e+01, v20;
	v16 =	vmax.f32 v12, $0.0e+00  }
0x2b8: {  	s7 =	simm.s32 $0x80;
	s8 =	simm.s32 $0x400;
	v21 =	vadd.f32 $2.450000000e+01, v21;
	v15 =	vmax.f32 v15, $0.0e+00;
	v16 =	vmin.f32 v16, $4.800000000e+01  }
0x2b9: {  	s9 =	simm.s32 $0x8;
	s14 =	sand.u32 $0x4000, s7;
	s10 =	sand.u32 $0x3C00, s8;
	v17 =	vmax.f32 v17, $0.0e+00;
	v19 =	vmax.f32 v19, $0.0e+00;
	v16 =	vtrunc.f32 v16  }
0x2ba: {  	s6 =	sor.u32 s10, s14;
	s11 =	sand.u32 $0x380, s9;
	v12 =	vld [tilespmem:s5+$0x260];
	v20 =	vmax.f32 v20, $0.0e+00;
	v19 =	vmin.f32 v19, $4.800000000e+01;
	v16 =	vcvt.f32.s32 v16  }
0x2bb: {  	s6 =	sor.u32 s6, s11;
	v21 =	vmax.f32 v21, $0.0e+00;
	v20 =	vmin.f32 v20, $4.800000000e+01;
	v19 =	vtrunc.f32 v19  }
0x2bc: {  	v15 =	vmin.f32 v15, $4.800000000e+01;
	v20 =	vtrunc.f32 v20;
	v36 =	vcvt.f32.s32 v19;
	v19 =	vld [tilespmem:s6+$0x230]  }
0x2bd: {  	v17 =	vmin.f32 v17, $4.800000000e+01;
	v25 =	vtrunc.f32 v15;
	v46 =	vcvt.f32.s32 v20;
	v20 =	vld [tilespmem:s6+$0x240]  }
0x2be: {  	v15 =	vmin.f32 v21, $4.800000000e+01;
	v17 =	vtrunc.f32 v17;
	v21 =	vld [tilespmem:s6+$0x270];
	v51 =	vcvt.f32.s32 v25  }
0x2bf: {  	v22 =	vadd.f32 $2.450000000e+01, v22;
	v34 =	vcvt.f32.s32 v17;
	v17 =	vld [tilespmem:s6+$0x220];
	v23 =	vmul.f32 $4.900000100e+00, v12  }
0x2c0: {  	v24 =	vld.idx.msk [tilespmem:v16+s29+$0x0], $0xffff  }
0x2c1: {  	v22 =	vmax.f32 v22, $0.0e+00;
	v23 =	vadd.f32 $2.450000000e+01, v23;
	v31 =	vmul.f32 $4.900000100e+00, v19;
	v26 =	vld.idx.msk [tilespmem:v16+s30+$0x0], $0xffff  }
0x2c2: {  	v54 =	vmul.f32 $4.900000100e+00, v20;
	v16 =	vmin.f32 v22, $4.800000000e+01;
	v22 =	vtrunc.f32 v15;
	v15 =	vld [tilespmem:s6+$0x200]  }
0x2c3: {  	v23 =	vmax.f32 v23, $0.0e+00;
	v27 =	vtrunc.f32 v16;
	v16 =	vld [tilespmem:s6+$0x210];
	v56 =	vadd.f32 $2.450000000e+01, v31  }
0x2c4: {  	v28 =	vmul.f32 $4.900000100e+00, v21;
	v23 =	vmin.f32 v23, $4.800000000e+01;
	v25 =	vcvt.f32.s32 v22;
	v22 =	vld [tilespmem:s6+$0x250]  }
0x2c5: {  	v35 =	vld.idx.msk [tilespmem:v51+s30+$0x0], $0xffff;
	v58 =	vadd.f32 $2.450000000e+01, v54;
	v23 =	vtrunc.f32 v23;
	v39 =	vmax.f32 v56, $0.0e+00  }
0x2c6: {  	v33 =	vld.idx.msk [tilespmem:v36+s30+$0x0], $0xffff;
	v29 =	vmul.f32 v24, v18;
	v24 =	vcvt.f32.s32 v27;
	v27 =	vadd.f32 $2.450000000e+01, v28  }
0x2c7: {  	v23 =	vcvt.f32.s32 v23;
	v41 =	vmax.f32 v58, $0.0e+00;
	v49 =	vmin.f32 v39, $4.800000000e+01;
	v18 =	vld [tilespmem:s6+$0x260]  }
0x2c8: {  	v30 =	vmul.f32 $4.900000100e+00, v15;
	v40 =	vadd.f32 v29, v26;
	v26 =	vld.idx.msk [tilespmem:v51+s29+$0x0], $0xffff;
	v52 =	vmax.f32 v27, $0.0e+00  }
0x2c9: {  	v28 =	vmul.f32 $4.900000100e+00, v16;
	v57 =	vmul.f32 $4.900000100e+00, v22;
	v27 =	vld.idx.msk [tilespmem:v34+s29+$0x0], $0xffff;
	v32 =	vmin.f32 v52, $4.800000000e+01  }
0x2ca: {  	v43 =	vmin.f32 v41, $4.800000000e+01;
	v29 =	vmul.f32 $4.900000100e+00, v17;
	v34 =	vld.idx.msk [tilespmem:v34+s30+$0x0], $0xffff;
	v31 =	vtrunc.f32 v32  }
0x2cb: {  	v30 =	vadd.f32 $2.450000000e+01, v30;
	v53 =	vadd.f32 $2.450000000e+01, v28;
	v28 =	vld.idx.msk [tilespmem:v36+s29+$0x0], $0xffff;
	v37 =	vcvt.f32.s32 v31  }
0x2cc: {  	v62 =	vadd.f32 $2.450000000e+01, v57;
	v36 =	vld.idx.msk [tilespmem:v46+s30+$0x0], $0xffff;
	v55 =	vadd.f32 $2.450000000e+01, v29;
	v59 =	vmul.f32 $4.900000100e+00, v18  }
0x2cd: {  	v29 =	vld.idx.msk [tilespmem:v46+s29+$0x0], $0xffff;
	v60 =	vmax.f32 v30, $0.0e+00;
	[tilespmem:s5+$0x270] =	vst v40;
	v40 =	vtrunc.f32 v49;
	v61 =	vmax.f32 v53, $0.0e+00  }
0x2ce: {  	v32 =	vld.idx.msk [tilespmem:v23+s29+$0x0], $0xffff;
	v63 =	vmin.f32 v60, $4.800000000e+01;
	v45 =	vmax.f32 v62, $0.0e+00;
	v42 =	vadd.f32 $2.450000000e+01, v59  }
0x2cf: {  	v31 =	vld.idx.msk [tilespmem:v25+s29+$0x0], $0xffff;
	v38 =	vmax.f32 v55, $0.0e+00;
	v44 =	vmin.f32 v61, $4.800000000e+01;
	v41 =	vmin.f32 v45, $4.800000000e+01  }
0x2d0: {  	v30 =	vld.idx.msk [tilespmem:v24+s29+$0x0], $0xffff;
	v45 =	vtrunc.f32 v63;
	v48 =	vmin.f32 v38, $4.800000000e+01;
	v42 =	vmax.f32 v42, $0.0e+00  }
0x2d1: {  	v39 =	vtrunc.f32 v44;
	v44 =	vtrunc.f32 v48;
	v42 =	vmin.f32 v42, $4.800000000e+01;
	v38 =	vld.idx.msk [tilespmem:v37+s29+$0x0], $0xffff  }
.LBB2_14:
0x2d2: {  	s7 =	sadd.s32 $0x80, s7;
	v43 =	vtrunc.f32 v43;
	v41 =	vtrunc.f32 v41;
	v37 =	vld.idx.msk [tilespmem:v37+s30+$0x0], $0xffff;
	s8 =	sadd.s32 $0x400, s8  }
0x2d3: {  	v45 =	vcvt.f32.s32 v45;
	v42 =	vtrunc.f32 v42;
	s9 =	sadd.s32 $0x8, s9;
	s10 =	sand.u32 $0x4000, s7;
	s11 =	sand.u32 $0x3C00, s8;
	v46 =	vld.idx.msk [tilespmem:v25+s30+$0x0], $0xffff  }
0x2d4: {  	v39 =	vcvt.f32.s32 v39;
	v44 =	vcvt.f32.s32 v44;
	s12 =	sand.u32 $0x380, s9;
	p0 =	slt.u32 s7, $0x7F80;
	s10 =	sor.u32 s11, s10;
	v47 =	vld.idx.msk [tilespmem:v24+s30+$0x0], $0xffff  }
0x2d5: {  	v48 =	vcvt.f32.s32 v40;
	v25 =	vcvt.f32.s32 v43;
	s10 =	sor.u32 s10, s12;
	v40 =	vld.idx.msk [tilespmem:v23+s30+$0x0], $0xffff  }
0x2d6: {  	v24 =	vcvt.f32.s32 v41;
	v38 =	vmul.f32 v38, v21;
	v21 =	vld [tilespmem:s10+$0x270]  }
0x2d7: {  	v26 =	vmul.f32 v26, v9;
	v9 =	vmov v15;
	v23 =	vcvt.f32.s32 v42;
	v15 =	vld [tilespmem:s10+$0x200]  }
0x2d8: {  	v27 =	vmul.f32 v27, v8;
	v28 =	vmul.f32 v28, v10;
	v8 =	vmovc v16;
	v37 =	vadd.f32 v38, v37;
	v16 =	vld [tilespmem:s10+$0x210]  }
0x2d9: {  	v10 =	vmovc v17;
	v26 =	vadd.f32 v26, v35;
	v35 =	vmul.f32 v29, v11;
	v38 =	vmul.f32 v31, v14;
	v17 =	vld [tilespmem:s10+$0x220]  }
0x2da: {  	v27 =	vadd.f32 v27, v34;
	v41 =	vmul.f32 v32, v12;
	v29 =	vld [tilespmem:s10+$0x230];
	[tilespmem:s6+$0x270] =	vst v37;
	v37 =	vmul.f32 v30, v13  }
0x2db: {  	v11 =	vmovc v19;
	v30 =	vld [tilespmem:s10+$0x240];
	v31 =	vmul.f32 $4.900000100e+00, v21;
	[tilespmem:s5+$0x200] =	vst v26;
	v26 =	vadd.f32 v28, v33;
	v28 =	vadd.f32 v35, v36  }
0x2dc: {  	v14 =	vmovc v20;
	v33 =	vadd.f32 v38, v46;
	v42 =	vmul.f32 $4.900000100e+00, v15;
	v32 =	vld [tilespmem:s10+$0x250];
	[tilespmem:s5+$0x210] =	vst v27;
	v34 =	vadd.f32 v37, v47  }
0x2dd: {  	v12 =	vmovc v18;
	v13 =	vmovc v22;
	v43 =	vmul.f32 $4.900000100e+00, v16;
	v27 =	vadd.f32 $2.450000000e+01, v31;
	[tilespmem:s5+$0x220] =	vst v26;
	v31 =	vadd.f32 v41, v40;
	v18 =	vld [tilespmem:s10+$0x260]  }
0x2de: {  	v35 =	vadd.f32 $2.450000000e+01, v42;
	v41 =	vmul.f32 $4.900000100e+00, v17;
	v26 =	vld.idx.msk [tilespmem:v45+s29+$0x0], $0xffff;
	[tilespmem:s5+$0x230] =	vst v28  }
0x2df: {  	v36 =	vadd.f32 $2.450000000e+01, v43;
	v37 =	vmul.f32 $4.900000100e+00, v29;
	v40 =	vmax.f32 v27, $0.0e+00;
	v27 =	vld.idx.msk [tilespmem:v39+s29+$0x0], $0xffff;
	[tilespmem:s5+$0x240] =	vst v33;
	v19 =	vmovc v29  }
0x2e0: {  	v33 =	vadd.f32 $2.450000000e+01, v41;
	v38 =	vmul.f32 $4.900000100e+00, v30;
	v40 =	vmin.f32 v40, $4.800000000e+01;
	v28 =	vld.idx.msk [tilespmem:v44+s29+$0x0], $0xffff;
	[tilespmem:s5+$0x250] =	vst v34;
	v20 =	vmovc v30  }
0x2e1: {  	v34 =	vadd.f32 $2.450000000e+01, v37;
	v30 =	vmul.f32 $4.900000100e+00, v32;
	v37 =	vtrunc.f32 v40;
	v29 =	vld.idx.msk [tilespmem:v48+s29+$0x0], $0xffff;
	[tilespmem:s5+$0x260] =	vst v31;
	v22 =	vmovc v32;
	s5 =	smov.u32 s6;
	s6 =	smov.u32 s10  }
0x2e2: {  	v38 =	vadd.f32 $2.450000000e+01, v38;
	v32 =	vmul.f32 $4.900000100e+00, v18;
	v37 =	vcvt.f32.s32 v37;
	v31 =	vld.idx.msk [tilespmem:v25+s29+$0x0], $0xffff  }
0x2e3: {  	v35 =	vmax.f32 v35, $0.0e+00;
	v36 =	vmax.f32 v36, $0.0e+00;
	v40 =	vadd.f32 $2.450000000e+01, v30;
	v30 =	vld.idx.msk [tilespmem:v24+s29+$0x0], $0xffff  }
0x2e4: {  	v33 =	vmax.f32 v33, $0.0e+00;
	v41 =	vmax.f32 v34, $0.0e+00;
	v34 =	vadd.f32 $2.450000000e+01, v32;
	v32 =	vld.idx.msk [tilespmem:v23+s29+$0x0], $0xffff  }
.Ltmp6:
0x2e5: {  	v42 =	vmin.f32 v35, $4.800000000e+01;
	v38 =	vmax.f32 v38, $0.0e+00;
	v40 =	vmax.f32 v40, $0.0e+00;
	v35 =	vld.idx.msk [tilespmem:v45+s30+$0x0], $0xffff;
	(pc) =	sbr.rel @p0 .LBB2_14-.Ltmp6, $4  }
0x2e6: {  	v36 =	vmin.f32 v36, $4.800000000e+01;
	v46 =	vmin.f32 v33, $4.800000000e+01;
	v47 =	vmax.f32 v34, $0.0e+00;
	v34 =	vld.idx.msk [tilespmem:v39+s30+$0x0], $0xffff  }
0x2e7: {  	v49 =	vmin.f32 v41, $4.800000000e+01;
	v43 =	vmin.f32 v38, $4.800000000e+01;
	v41 =	vmin.f32 v40, $4.800000000e+01;
	v33 =	vld.idx.msk [tilespmem:v44+s30+$0x0], $0xffff  }
0x2e8: {  	v45 =	vtrunc.f32 v42;
	v39 =	vtrunc.f32 v36;
	v42 =	vmin.f32 v47, $4.800000000e+01;
	v38 =	vld.idx.msk [tilespmem:v37+s29+$0x0], $0xffff  }
0x2e9: {  	v40 =	vtrunc.f32 v49;
	v44 =	vtrunc.f32 v46;
	v36 =	vld.idx.msk [tilespmem:v48+s30+$0x0], $0xffff  }
0x2ea: {  	_ =	sdelay $0x1  }
0x2eb: {  	v45 =	vcvt.f32.s32 v45  }
0x2ec: {  	v39 =	vcvt.f32.s32 v39  }
0x2ed: {  	v37 =	vld.idx.msk [tilespmem:v37+s30+$0x0], $0xffff;
	v44 =	vcvt.f32.s32 v44  }
0x2ee: {  	v25 =	vld.idx.msk [tilespmem:v25+s30+$0x0], $0xffff;
	v40 =	vcvt.f32.s32 v40  }
0x2ef: {  	v24 =	vld.idx.msk [tilespmem:v24+s30+$0x0], $0xffff  }
0x2f0: {  	v43 =	vtrunc.f32 v43;
	v23 =	vld.idx.msk [tilespmem:v23+s30+$0x0], $0xffff  }
0x2f1: {  	v41 =	vtrunc.f32 v41;
	v9 =	vmul.f32 v26, v9;
	v46 =	vld.idx.msk [tilespmem:v45+s29+$0x0], $0xffff  }
0x2f2: {  	v42 =	vtrunc.f32 v42;
	v8 =	vmul.f32 v27, v8;
	v47 =	vld.idx.msk [tilespmem:v39+s29+$0x0], $0xffff  }
0x2f3: {  	v10 =	vmul.f32 v28, v10;
	v43 =	vcvt.f32.s32 v43;
	v9 =	vadd.f32 v9, v35;
	v50 =	vld.idx.msk [tilespmem:v44+s29+$0x0], $0xffff  }
0x2f4: {  	v11 =	vmul.f32 v29, v11;
	v41 =	vcvt.f32.s32 v41;
	v8 =	vadd.f32 v8, v34;
	v26 =	vld.idx.msk [tilespmem:v40+s29+$0x0], $0xffff  }
0x2f5: {  	v42 =	vcvt.f32.s32 v42;
	[tilespmem:s5+$0x200] =	vst v9;
	v9 =	vadd.f32 v10, v33;
	v10 =	vld.idx.msk [tilespmem:v45+s30+$0x0], $0xffff  }
0x2f6: {  	v11 =	vadd.f32 v11, v36;
	[tilespmem:s5+$0x210] =	vst v8;
	v8 =	vld.idx.msk [tilespmem:v39+s30+$0x0], $0xffff  }
0x2f7: {  	v21 =	vmul.f32 v38, v21;
	[tilespmem:s5+$0x220] =	vst v9;
	v9 =	vld.idx.msk [tilespmem:v44+s30+$0x0], $0xffff  }
0x2f8: {  	v14 =	vmul.f32 v31, v14;
	[tilespmem:s5+$0x230] =	vst v11;
	v11 =	vld.idx.msk [tilespmem:v40+s30+$0x0], $0xffff  }
0x2f9: {  	v13 =	vmul.f32 v30, v13;
	v21 =	vadd.f32 v21, v37;
	v27 =	vld.idx.msk [tilespmem:v43+s29+$0x0], $0xffff  }
0x2fa: {  	v12 =	vmul.f32 v32, v12;
	v14 =	vadd.f32 v14, v25;
	v28 =	vld.idx.msk [tilespmem:v41+s29+$0x0], $0xffff  }
0x2fb: {  	v13 =	vadd.f32 v13, v24;
	[tilespmem:s6+$0x270] =	vst v21;
	v21 =	vld.idx.msk [tilespmem:v42+s29+$0x0], $0xffff;
	v15 =	vmul.f32 v46, v15  }
0x2fc: {  	v12 =	vadd.f32 v12, v23;
	[tilespmem:s5+$0x240] =	vst v14;
	v14 =	vld.idx.msk [tilespmem:v43+s30+$0x0], $0xffff;
	v16 =	vmul.f32 v47, v16  }
0x2fd: {  	[tilespmem:s5+$0x250] =	vst v13;
	v13 =	vld.idx.msk [tilespmem:v41+s30+$0x0], $0xffff;
	v17 =	vmul.f32 v50, v17;
	v10 =	vadd.f32 v15, v10  }
0x2fe: {  	[tilespmem:s5+$0x260] =	vst v12;
	v12 =	vld.idx.msk [tilespmem:v42+s30+$0x0], $0xffff;
	v15 =	vmul.f32 v26, v19;
	v8 =	vadd.f32 v16, v8  }
0x2ff: {  	v16 =	vmul.f32 v27, v20;
	v9 =	vadd.f32 v17, v9;
	[tilespmem:s6+$0x200] =	vst v10  }
0x300: {  	v10 =	vmul.f32 v28, v22;
	v11 =	vadd.f32 v15, v11;
	[tilespmem:s6+$0x210] =	vst v8  }
0x301: {  	v8 =	vmul.f32 v21, v18;
	v14 =	vadd.f32 v16, v14;
	[tilespmem:s6+$0x220] =	vst v9  }
0x302: {  	v9 =	vadd.f32 v10, v13;
	[tilespmem:s6+$0x230] =	vst v11  }
0x303: {  	v8 =	vadd.f32 v8, v12;
	[tilespmem:s6+$0x240] =	vst v14  }
0x304: {  	[tilespmem:s6+$0x250] =	vst v9  }
0x305: {  	s12 =	simm.s32 $0x0;
	s13 =	simm.s32 $0x0;
	[tilespmem:s6+$0x260] =	vst v8  }
0x306: {  	[hbm4b:s19+s12] =	stream.linear.scatter [tilespmem:s22], [sflag:$0x4], $0x8000, $0x38;
	[tilespmem:$0x18200] =	vst v63  }
0x307: {  	s7 =	sand.u32 $0x3C00, s12;
	s6 =	sand.u32 $0x4000, s13;
	_ =	swait.ge [sflag:s0], $0x8000  }
0x308: {  	s5 =	sand.u32 $0x380, s12;
	s6 =	sor.u32 s7, s6;
	[sflag:s0] =	ssyncset.done $0x0  }
0x309: {  	s5 =	sor.u32 s6, s5;
	[sflag:s0] =	ssyncadd.s32 $0xFFFF8000  }
0x30a: {  	v18 =	vld [tilespmem:s5+$0x8270]  }
0x30b: {  	v9 =	vld [tilespmem:s5+$0x8200]  }
0x30c: {  	v8 =	vld [tilespmem:s5+$0x8210]  }
0x30d: {  	v10 =	vld [tilespmem:s5+$0x8220]  }
0x30e: {  	v11 =	vld [tilespmem:s5+$0x8230]  }
0x30f: {  	v14 =	vld [tilespmem:s5+$0x8240]  }
0x310: {  	v13 =	vld [tilespmem:s5+$0x8250];
	_ =	sdelay $0x1  }
0x311: {  	v12 =	vmul.f32 $4.900000100e+00, v18;
	v15 =	vmul.f32 $4.900000100e+00, v9  }
0x312: {  	v17 =	vmul.f32 $4.900000100e+00, v8;
	v19 =	vmul.f32 $4.900000100e+00, v10  }
0x313: {  	v20 =	vmul.f32 $4.900000100e+00, v11;
	v21 =	vmul.f32 $4.900000100e+00, v14;
	v12 =	vadd.f32 $2.450000000e+01, v12  }
0x314: {  	v22 =	vmul.f32 $4.900000100e+00, v13;
	v15 =	vadd.f32 $2.450000000e+01, v15;
	v17 =	vadd.f32 $2.450000000e+01, v17  }
0x315: {  	v19 =	vadd.f32 $2.450000000e+01, v19;
	v20 =	vadd.f32 $2.450000000e+01, v20;
	v16 =	vmax.f32 v12, $0.0e+00  }
0x316: {  	s8 =	simm.s32 $0x400;
	s7 =	simm.s32 $0x80;
	v21 =	vadd.f32 $2.450000000e+01, v21;
	v15 =	vmax.f32 v15, $0.0e+00;
	v16 =	vmin.f32 v16, $4.800000000e+01  }
0x317: {  	s9 =	simm.s32 $0x8;
	s10 =	sand.u32 $0x3C00, s8;
	s14 =	sand.u32 $0x4000, s7;
	v17 =	vmax.f32 v17, $0.0e+00;
	v19 =	vmax.f32 v19, $0.0e+00;
	v16 =	vtrunc.f32 v16  }
0x318: {  	s11 =	sand.u32 $0x380, s9;
	s6 =	sor.u32 s10, s14;
	v12 =	vld [tilespmem:s5+$0x8260];
	v20 =	vmax.f32 v20, $0.0e+00;
	v19 =	vmin.f32 v19, $4.800000000e+01;
	v16 =	vcvt.f32.s32 v16  }
0x319: {  	s6 =	sor.u32 s6, s11;
	v21 =	vmax.f32 v21, $0.0e+00;
	v20 =	vmin.f32 v20, $4.800000000e+01;
	v19 =	vtrunc.f32 v19  }
0x31a: {  	v15 =	vmin.f32 v15, $4.800000000e+01;
	v20 =	vtrunc.f32 v20;
	v36 =	vcvt.f32.s32 v19;
	v19 =	vld [tilespmem:s6+$0x8230]  }
0x31b: {  	v17 =	vmin.f32 v17, $4.800000000e+01;
	v25 =	vtrunc.f32 v15;
	v46 =	vcvt.f32.s32 v20;
	v20 =	vld [tilespmem:s6+$0x8240]  }
0x31c: {  	v15 =	vmin.f32 v21, $4.800000000e+01;
	v17 =	vtrunc.f32 v17;
	v21 =	vld [tilespmem:s6+$0x8270];
	v51 =	vcvt.f32.s32 v25  }
0x31d: {  	v22 =	vadd.f32 $2.450000000e+01, v22;
	v34 =	vcvt.f32.s32 v17;
	v17 =	vld [tilespmem:s6+$0x8220];
	v23 =	vmul.f32 $4.900000100e+00, v12  }
0x31e: {  	v24 =	vld.idx.msk [tilespmem:v16+s29+$0x0], $0xffff  }
0x31f: {  	v22 =	vmax.f32 v22, $0.0e+00;
	v23 =	vadd.f32 $2.450000000e+01, v23;
	v31 =	vmul.f32 $4.900000100e+00, v19;
	v26 =	vld.idx.msk [tilespmem:v16+s30+$0x0], $0xffff  }
0x320: {  	v54 =	vmul.f32 $4.900000100e+00, v20;
	v16 =	vmin.f32 v22, $4.800000000e+01;
	v22 =	vtrunc.f32 v15;
	v15 =	vld [tilespmem:s6+$0x8200]  }
0x321: {  	v23 =	vmax.f32 v23, $0.0e+00;
	v27 =	vtrunc.f32 v16;
	v16 =	vld [tilespmem:s6+$0x8210];
	v56 =	vadd.f32 $2.450000000e+01, v31  }
0x322: {  	v28 =	vmul.f32 $4.900000100e+00, v21;
	v23 =	vmin.f32 v23, $4.800000000e+01;
	v25 =	vcvt.f32.s32 v22;
	v22 =	vld [tilespmem:s6+$0x8250]  }
0x323: {  	v35 =	vld.idx.msk [tilespmem:v51+s30+$0x0], $0xffff;
	v58 =	vadd.f32 $2.450000000e+01, v54;
	v23 =	vtrunc.f32 v23;
	v39 =	vmax.f32 v56, $0.0e+00  }
0x324: {  	v33 =	vld.idx.msk [tilespmem:v36+s30+$0x0], $0xffff;
	v29 =	vmul.f32 v24, v18;
	v24 =	vcvt.f32.s32 v27;
	v27 =	vadd.f32 $2.450000000e+01, v28  }
0x325: {  	v23 =	vcvt.f32.s32 v23;
	v41 =	vmax.f32 v58, $0.0e+00;
	v49 =	vmin.f32 v39, $4.800000000e+01;
	v18 =	vld [tilespmem:s6+$0x8260]  }
0x326: {  	v30 =	vmul.f32 $4.900000100e+00, v15;
	v40 =	vadd.f32 v29, v26;
	v26 =	vld.idx.msk [tilespmem:v51+s29+$0x0], $0xffff;
	v52 =	vmax.f32 v27, $0.0e+00  }
0x327: {  	v28 =	vmul.f32 $4.900000100e+00, v16;
	v57 =	vmul.f32 $4.900000100e+00, v22;
	v27 =	vld.idx.msk [tilespmem:v34+s29+$0x0], $0xffff;
	v32 =	vmin.f32 v52, $4.800000000e+01  }
0x328: {  	v43 =	vmin.f32 v41, $4.800000000e+01;
	v29 =	vmul.f32 $4.900000100e+00, v17;
	v34 =	vld.idx.msk [tilespmem:v34+s30+$0x0], $0xffff;
	v31 =	vtrunc.f32 v32  }
0x329: {  	v30 =	vadd.f32 $2.450000000e+01, v30;
	v53 =	vadd.f32 $2.450000000e+01, v28;
	v28 =	vld.idx.msk [tilespmem:v36+s29+$0x0], $0xffff;
	v37 =	vcvt.f32.s32 v31  }
0x32a: {  	v62 =	vadd.f32 $2.450000000e+01, v57;
	v36 =	vld.idx.msk [tilespmem:v46+s30+$0x0], $0xffff;
	v55 =	vadd.f32 $2.450000000e+01, v29;
	v59 =	vmul.f32 $4.900000100e+00, v18  }
0x32b: {  	v29 =	vld.idx.msk [tilespmem:v46+s29+$0x0], $0xffff;
	v60 =	vmax.f32 v30, $0.0e+00;
	[tilespmem:s5+$0x8270] =	vst v40;
	v40 =	vtrunc.f32 v49;
	v61 =	vmax.f32 v53, $0.0e+00  }
0x32c: {  	v32 =	vld.idx.msk [tilespmem:v23+s29+$0x0], $0xffff;
	v63 =	vmin.f32 v60, $4.800000000e+01;
	v45 =	vmax.f32 v62, $0.0e+00;
	v42 =	vadd.f32 $2.450000000e+01, v59  }
0x32d: {  	v31 =	vld.idx.msk [tilespmem:v25+s29+$0x0], $0xffff;
	v38 =	vmax.f32 v55, $0.0e+00;
	v44 =	vmin.f32 v61, $4.800000000e+01;
	v41 =	vmin.f32 v45, $4.800000000e+01  }
0x32e: {  	v30 =	vld.idx.msk [tilespmem:v24+s29+$0x0], $0xffff;
	v45 =	vtrunc.f32 v63;
	v48 =	vmin.f32 v38, $4.800000000e+01;
	v42 =	vmax.f32 v42, $0.0e+00  }
0x32f: {  	v39 =	vtrunc.f32 v44;
	v44 =	vtrunc.f32 v48;
	v42 =	vmin.f32 v42, $4.800000000e+01;
	v38 =	vld.idx.msk [tilespmem:v37+s29+$0x0], $0xffff  }
.LBB2_16:
0x330: {  	s7 =	sadd.s32 $0x80, s7;
	v43 =	vtrunc.f32 v43;
	v41 =	vtrunc.f32 v41;
	v37 =	vld.idx.msk [tilespmem:v37+s30+$0x0], $0xffff;
	s8 =	sadd.s32 $0x400, s8  }
0x331: {  	v45 =	vcvt.f32.s32 v45;
	v42 =	vtrunc.f32 v42;
	s9 =	sadd.s32 $0x8, s9;
	s10 =	sand.u32 $0x4000, s7;
	s11 =	sand.u32 $0x3C00, s8;
	v46 =	vld.idx.msk [tilespmem:v25+s30+$0x0], $0xffff  }
0x332: {  	v39 =	vcvt.f32.s32 v39;
	v44 =	vcvt.f32.s32 v44;
	s12 =	sand.u32 $0x380, s9;
	p0 =	slt.u32 s7, $0x7F80;
	s10 =	sor.u32 s11, s10;
	v47 =	vld.idx.msk [tilespmem:v24+s30+$0x0], $0xffff  }
0x333: {  	v48 =	vcvt.f32.s32 v40;
	v25 =	vcvt.f32.s32 v43;
	s10 =	sor.u32 s10, s12;
	v40 =	vld.idx.msk [tilespmem:v23+s30+$0x0], $0xffff  }
0x334: {  	v24 =	vcvt.f32.s32 v41;
	v38 =	vmul.f32 v38, v21;
	v21 =	vld [tilespmem:s10+$0x8270]  }
0x335: {  	v26 =	vmul.f32 v26, v9;
	v9 =	vmov v15;
	v23 =	vcvt.f32.s32 v42;
	v15 =	vld [tilespmem:s10+$0x8200]  }
0x336: {  	v27 =	vmul.f32 v27, v8;
	v28 =	vmul.f32 v28, v10;
	v8 =	vmovc v16;
	v37 =	vadd.f32 v38, v37;
	v16 =	vld [tilespmem:s10+$0x8210]  }
0x337: {  	v10 =	vmovc v17;
	v26 =	vadd.f32 v26, v35;
	v35 =	vmul.f32 v29, v11;
	v38 =	vmul.f32 v31, v14;
	v17 =	vld [tilespmem:s10+$0x8220]  }
0x338: {  	v27 =	vadd.f32 v27, v34;
	v41 =	vmul.f32 v32, v12;
	v29 =	vld [tilespmem:s10+$0x8230];
	[tilespmem:s6+$0x8270] =	vst v37;
	v37 =	vmul.f32 v30, v13  }
0x339: {  	v11 =	vmovc v19;
	v30 =	vld [tilespmem:s10+$0x8240];
	v31 =	vmul.f32 $4.900000100e+00, v21;
	[tilespmem:s5+$0x8200] =	vst v26;
	v26 =	vadd.f32 v28, v33;
	v28 =	vadd.f32 v35, v36  }
0x33a: {  	v14 =	vmovc v20;
	v33 =	vadd.f32 v38, v46;
	v42 =	vmul.f32 $4.900000100e+00, v15;
	v32 =	vld [tilespmem:s10+$0x8250];
	[tilespmem:s5+$0x8210] =	vst v27;
	v34 =	vadd.f32 v37, v47  }
0x33b: {  	v12 =	vmovc v18;
	v13 =	vmovc v22;
	v43 =	vmul.f32 $4.900000100e+00, v16;
	v27 =	vadd.f32 $2.450000000e+01, v31;
	[tilespmem:s5+$0x8220] =	vst v26;
	v31 =	vadd.f32 v41, v40;
	v18 =	vld [tilespmem:s10+$0x8260]  }
0x33c: {  	v35 =	vadd.f32 $2.450000000e+01, v42;
	v41 =	vmul.f32 $4.900000100e+00, v17;
	v26 =	vld.idx.msk [tilespmem:v45+s29+$0x0], $0xffff;
	[tilespmem:s5+$0x8230] =	vst v28  }
0x33d: {  	v36 =	vadd.f32 $2.450000000e+01, v43;
	v37 =	vmul.f32 $4.900000100e+00, v29;
	v40 =	vmax.f32 v27, $0.0e+00;
	v27 =	vld.idx.msk [tilespmem:v39+s29+$0x0], $0xffff;
	[tilespmem:s5+$0x8240] =	vst v33;
	v19 =	vmovc v29  }
0x33e: {  	v33 =	vadd.f32 $2.450000000e+01, v41;
	v38 =	vmul.f32 $4.900000100e+00, v30;
	v40 =	vmin.f32 v40, $4.800000000e+01;
	v28 =	vld.idx.msk [tilespmem:v44+s29+$0x0], $0xffff;
	[tilespmem:s5+$0x8250] =	vst v34;
	v20 =	vmovc v30  }
0x33f: {  	v34 =	vadd.f32 $2.450000000e+01, v37;
	v30 =	vmul.f32 $4.900000100e+00, v32;
	v37 =	vtrunc.f32 v40;
	v29 =	vld.idx.msk [tilespmem:v48+s29+$0x0], $0xffff;
	[tilespmem:s5+$0x8260] =	vst v31;
	v22 =	vmovc v32;
	s5 =	smov.u32 s6;
	s6 =	smov.u32 s10  }
0x340: {  	v38 =	vadd.f32 $2.450000000e+01, v38;
	v32 =	vmul.f32 $4.900000100e+00, v18;
	v37 =	vcvt.f32.s32 v37;
	v31 =	vld.idx.msk [tilespmem:v25+s29+$0x0], $0xffff  }
0x341: {  	v35 =	vmax.f32 v35, $0.0e+00;
	v36 =	vmax.f32 v36, $0.0e+00;
	v40 =	vadd.f32 $2.450000000e+01, v30;
	v30 =	vld.idx.msk [tilespmem:v24+s29+$0x0], $0xffff  }
0x342: {  	v33 =	vmax.f32 v33, $0.0e+00;
	v41 =	vmax.f32 v34, $0.0e+00;
	v34 =	vadd.f32 $2.450000000e+01, v32;
	v32 =	vld.idx.msk [tilespmem:v23+s29+$0x0], $0xffff  }
.Ltmp7:
0x343: {  	v42 =	vmin.f32 v35, $4.800000000e+01;
	v38 =	vmax.f32 v38, $0.0e+00;
	v40 =	vmax.f32 v40, $0.0e+00;
	v35 =	vld.idx.msk [tilespmem:v45+s30+$0x0], $0xffff;
	(pc) =	sbr.rel @p0 .LBB2_16-.Ltmp7, $4  }
0x344: {  	v36 =	vmin.f32 v36, $4.800000000e+01;
	v46 =	vmin.f32 v33, $4.800000000e+01;
	v47 =	vmax.f32 v34, $0.0e+00;
	v34 =	vld.idx.msk [tilespmem:v39+s30+$0x0], $0xffff  }
0x345: {  	v49 =	vmin.f32 v41, $4.800000000e+01;
	v43 =	vmin.f32 v38, $4.800000000e+01;
	v41 =	vmin.f32 v40, $4.800000000e+01;
	v33 =	vld.idx.msk [tilespmem:v44+s30+$0x0], $0xffff  }
0x346: {  	v45 =	vtrunc.f32 v42;
	v39 =	vtrunc.f32 v36;
	v42 =	vmin.f32 v47, $4.800000000e+01;
	v38 =	vld.idx.msk [tilespmem:v37+s29+$0x0], $0xffff  }
0x347: {  	v40 =	vtrunc.f32 v49;
	v44 =	vtrunc.f32 v46;
	v36 =	vld.idx.msk [tilespmem:v48+s30+$0x0], $0xffff  }
0x348: {  	_ =	sdelay $0x1  }
0x349: {  	v45 =	vcvt.f32.s32 v45  }
0x34a: {  	v39 =	vcvt.f32.s32 v39  }
0x34b: {  	v37 =	vld.idx.msk [tilespmem:v37+s30+$0x0], $0xffff;
	v44 =	vcvt.f32.s32 v44  }
0x34c: {  	v25 =	vld.idx.msk [tilespmem:v25+s30+$0x0], $0xffff;
	v40 =	vcvt.f32.s32 v40  }
0x34d: {  	v24 =	vld.idx.msk [tilespmem:v24+s30+$0x0], $0xffff  }
0x34e: {  	v23 =	vld.idx.msk [tilespmem:v23+s30+$0x0], $0xffff  }
0x34f: {  	v43 =	vtrunc.f32 v43;
	v46 =	vld.idx.msk [tilespmem:v45+s29+$0x0], $0xffff  }
0x350: {  	v41 =	vtrunc.f32 v41;
	v8 =	vmul.f32 v27, v8;
	v47 =	vld.idx.msk [tilespmem:v39+s29+$0x0], $0xffff  }
0x351: {  	v42 =	vtrunc.f32 v42;
	v43 =	vcvt.f32.s32 v43;
	v48 =	vld.idx.msk [tilespmem:v44+s29+$0x0], $0xffff  }
0x352: {  	v9 =	vmul.f32 v26, v9;
	v41 =	vcvt.f32.s32 v41;
	v8 =	vadd.f32 v8, v34;
	v49 =	vld.idx.msk [tilespmem:v40+s29+$0x0], $0xffff  }
0x353: {  	v10 =	vmul.f32 v28, v10;
	v42 =	vcvt.f32.s32 v42;
	v54 =	vld.idx.msk [tilespmem:v45+s30+$0x0], $0xffff  }
0x354: {  	v11 =	vmul.f32 v29, v11;
	v9 =	vadd.f32 v9, v35;
	[tilespmem:s5+$0x8210] =	vst v8;
	v8 =	vld.idx.msk [tilespmem:v39+s30+$0x0], $0xffff  }
0x355: {  	v53 =	vadd.f32 v10, v33;
	v21 =	vmul.f32 v38, v21;
	v55 =	vld.idx.msk [tilespmem:v44+s30+$0x0], $0xffff  }
0x356: {  	v14 =	vmul.f32 v31, v14;
	[tilespmem:s5+$0x8200] =	vst v9;
	v11 =	vadd.f32 v11, v36;
	v56 =	vld.idx.msk [tilespmem:v40+s30+$0x0], $0xffff  }
0x357: {  	v13 =	vmul.f32 v30, v13;
	[tilespmem:s5+$0x8220] =	vst v53;
	v21 =	vadd.f32 v21, v37;
	v50 =	vld.idx.msk [tilespmem:v43+s29+$0x0], $0xffff  }
0x358: {  	v12 =	vmul.f32 v32, v12;
	v14 =	vadd.f32 v14, v25;
	[tilespmem:s5+$0x8230] =	vst v11;
	v51 =	vld.idx.msk [tilespmem:v41+s29+$0x0], $0xffff  }
0x359: {  	v13 =	vadd.f32 v13, v24;
	[tilespmem:s6+$0x8270] =	vst v21;
	v52 =	vld.idx.msk [tilespmem:v42+s29+$0x0], $0xffff;
	v15 =	vmul.f32 v46, v15  }
0x35a: {  	v12 =	vadd.f32 v12, v23;
	[tilespmem:s5+$0x8240] =	vst v14;
	v57 =	vld.idx.msk [tilespmem:v43+s30+$0x0], $0xffff;
	v16 =	vmul.f32 v47, v16  }
0x35b: {  	[tilespmem:s5+$0x8250] =	vst v13;
	v58 =	vld.idx.msk [tilespmem:v41+s30+$0x0], $0xffff;
	v17 =	vmul.f32 v48, v17;
	v10 =	vadd.f32 v15, v54  }
0x35c: {  	[tilespmem:s5+$0x8260] =	vst v12;
	v59 =	vld.idx.msk [tilespmem:v42+s30+$0x0], $0xffff;
	v60 =	vmul.f32 v49, v19;
	v8 =	vadd.f32 v16, v8  }
0x35d: {  	v61 =	vmul.f32 v50, v20;
	v9 =	vadd.f32 v17, v55;
	[tilespmem:s6+$0x8200] =	vst v10  }
0x35e: {  	v62 =	vmul.f32 v51, v22;
	v11 =	vadd.f32 v60, v56;
	[tilespmem:s6+$0x8210] =	vst v8  }
0x35f: {  	v14 =	vadd.f32 v61, v57;
	v8 =	vmul.f32 v52, v18;
	[tilespmem:s6+$0x8220] =	vst v9  }
0x360: {  	v63 =	vadd.f32 v62, v58;
	[tilespmem:s6+$0x8230] =	vst v11  }
0x361: {  	[tilespmem:s6+$0x8240] =	vst v14;
	v8 =	vadd.f32 v8, v59  }
0x362: {  	[tilespmem:s6+$0x8250] =	vst v63  }
0x363: {  	[tilespmem:s6+$0x8260] =	vst v8  }
0x364: {  	[hbm4b:s20+s4] =	stream.linear.scatter [tilespmem:s23], [sflag:$0x5], $0x8000, $0x38;
	[tilespmem:$0x18200] =	vst v63  }
0x365: {  	_ =	swait.ge [sflag:s1], $0x8000  }
0x366: {  	[sflag:s1] =	ssyncset.done $0x0  }
0x367: {  	s2 =	sadd.s32 $0x1, s2;
	[sflag:s1] =	ssyncadd.s32 $0xFFFF8000  }
0x368: {  	p0 =	sne.s32 s2, s21;
	_ =	swait.ge [sflag:s25], $0x8000  }
.Ltmp8:
0x369: {  	[sflag:s25] =	ssyncset.done $0x0;
	(pc) =	sbr.rel @p0 .LBB2_1-.Ltmp8, $4  }
0x36a: {  	[sflag:s25] =	ssyncadd.s32 $0xFFFF8000  }
0x36b: {  	_ =	swait.ge [sflag:s26], $0x8000  }
0x36c: {  	[sflag:s26] =	ssyncset.done $0x0  }
0x36d: {  	[sflag:s26] =	ssyncadd.s32 $0xFFFF8000  }
0x36e: {  	_ =	sfence.sel $0x180000  }
0x36f: {  	[bflag:$0x0] =	sbarrier.arrive $0xFFFF  }
0x370: {  	_ =	strace $0x90000047  }
0x371: {  	s0 =	stileid.u32;
	[bflag:$0x2] =	sbarrier.arrive $0xFFFF  }
0x372: {  	p0 =	sne.s32 s0, $0x0;
	s0 =	rddreg [dreg:$0x4]  }
0x373: {  	s0 =	sadd.s32 @!p0 $0x100000, s0  }
0x374: {  	[sflag:s0] =	ssyncadd.tile.s32 @!p0 $0x1;
	_ =	shalt  }
.Lfunc_end2:
_tile_overlayer_lowered:
.L_overlay_start_2:
0x375: {  	(tag) =	ssettag $0x2  }
0x376: {  	s0 =	rddreg [dreg:$0x0];
	s2 =	stileid.u32  }
0x377: {  	s1 =	rddreg [dreg:$0x1];
	p0 =	sne.s32 s2, $0x0  }
0x378: {  	s3 =	rddreg [dreg:$0x2];
	[bflag:$0x3] =	sbarrier.arrive $0xFFFF;
	s2 =	simm.s32 @!p0 $0x1C07  }
0x379: {  	[timem:s3], [sflag:s2] =	dma.local @!p0 [hbm:s0], s1  }
0x37a: {  	s0 =	simm.s32 @!p0 $0x7  }
0x37b: {  	_ =	swait.ge @!p0 [sflag:s0], s1  }
0x37c: {  	s1 =	ssub.s32 @!p0 $0x0, s1;
	[sflag:s0] =	ssyncset.done @!p0 $0x0  }
0x37d: {  	[sflag:s0] =	ssyncadd.s32 @!p0 s1  }
0x37e: {  	[bflag:$0x3] =	sbarrier.arrive $0xFFFF  }
0x37f: {  	_ =	shalt  }

</sc_bundles>
